<compile_context>
chip_gen: v7x
topology: tpu7x:2x2x1
jax: 0.10.2.dev20260603
libtpu: 0.0.44.dev20260713+nightly
codegen_flags: <defaults>
</compile_context>

<pallas_src>
import functools

import jax
import jax.numpy as jnp
from jax import lax
from jax.experimental import pallas as pl
from jax.experimental.pallas import tpu as pltpu
from jax.experimental.pallas import tpu_sc as plsc

_SIZE = 7
_P2 = _SIZE * _SIZE
_STRIDES = (4, 8, 16)
_NC = 2
_NS = 16
_NW = _NC * _NS
_L = 16
_TW = 128


def _splat_i32(x):
    return jnp.broadcast_to(jnp.asarray(x, jnp.int32), (_L,))


def _splat_f32(x):
    return jnp.broadcast_to(jnp.asarray(x, jnp.float32), (_L,))


@functools.cache
def _build_tables(b, c, hw, hwb, n_out):

    def body(x_ref, eye_ref, *out_refs):
        for j, o in enumerate(out_refs):
            o[0] = lax.dot_general(
                x_ref[0], eye_ref[:, j * _TW:(j + 1) * _TW],
                dimension_numbers=(((0,), (0,)), ((), ())),
                preferred_element_type=jnp.float32)

    eye = jnp.eye(c, n_out * _TW, dtype=jnp.float32)
    grid = (b, hw // hwb)
    call = pl.pallas_call(
        body,
        grid=grid,
        in_specs=[
            pl.BlockSpec((1, c, hwb), lambda i, j: (i, 0, j)),
            pl.BlockSpec((c, n_out * _TW), lambda i, j: (0, 0)),
        ],
        out_specs=[pl.BlockSpec((1, hwb, _TW), lambda i, j: (i, j, 0))
                   for _ in range(n_out)],
        out_shape=[jax.ShapeDtypeStruct((b, hw, _TW), jnp.float32)
                   for _ in range(n_out)],
    )
    return lambda x: [t.reshape(b * hw, _TW) for t in call(x, eye)]


@functools.cache
def _build(dims, n_agents):
    a_per = n_agents // _NW
    csum = []
    off = 0
    for (_, _, c) in dims:
        csum.append(off)
        off += c
    ctot = off
    outd = ctot * _P2
    n_tab = sum(max(1, c // _TW) for (_, _, c) in dims)

    mesh = plsc.VectorSubcoreMesh(core_axis_name="c", subcore_axis_name="s")

    n_gs = 2
    n_os = 2
    scratch = [
        pltpu.VMEM((a_per * 2,), jnp.float32),
        pltpu.VMEM((a_per,), jnp.int32),
    ]
    for _ in range(n_gs):
        for _ in dims:
            scratch.append(pltpu.VMEM((_P2,), jnp.int32))
        for _ in range(n_tab):
            scratch.append(pltpu.VMEM((_P2, _TW), jnp.float32))
        scratch.append(pltpu.SemaphoreType.DMA)
    for _ in range(n_os):
        scratch.append(pltpu.VMEM((outd,), jnp.float32))
        scratch.append(pltpu.SemaphoreType.DMA)

    @functools.partial(
        pl.kernel,
        mesh=mesh,
        out_type=jax.ShapeDtypeStruct((n_agents, outd), jnp.float32),
        scratch_types=scratch,
        compiler_params=pltpu.CompilerParams(needs_layout_passes=False,
                                             use_tc_tiling_on_sc=True),
    )
    def crop(*refs):
        tabs = refs[:n_tab]
        pix_hbm, b_hbm, out_hbm = refs[n_tab:n_tab + 3]
        pix_v, b_v = refs[n_tab + 3], refs[n_tab + 4]
        per_slot = len(dims) + n_tab + 1
        slots = []
        pos = n_tab + 5
        for sl in range(n_gs):
            r = refs[pos:pos + per_slot]
            pos += per_slot
            slots.append({
                "idx": r[:len(dims)],
                "rows": r[len(dims):len(dims) + n_tab],
                "gsem": r[len(dims) + n_tab],
            })
        obufs = []
        for sl in range(n_os):
            obufs.append({"outb": refs[pos], "osem": refs[pos + 1]})
            pos += 2

        wid = lax.axis_index("s") * _NC + lax.axis_index("c")
        base = wid * a_per
        pltpu.sync_copy(pix_hbm.at[pl.ds(base * 2, a_per * 2)], pix_v)
        pltpu.sync_copy(b_hbm.at[pl.ds(base, a_per)], b_v)

        iota = lax.iota(jnp.int32, _L)
        c23 = _splat_f32(8388608.0)
        zeros = _splat_i32(0)
        ones = _splat_i32(1)
        chunks = []
        for k in range(0, _P2, _L):
            pvec = iota + _splat_i32(k)
            dxv = lax.div(pvec, _splat_i32(_SIZE)) - _splat_i32(3)
            dyv = lax.rem(pvec, _splat_i32(_SIZE)) - _splat_i32(3)
            chunks.append((pvec, dxv, dyv, pvec < _splat_i32(_P2)))

        lvl_tabs = []
        t = 0
        for (_, _, c) in dims:
            k = max(1, c // _TW)
            lvl_tabs.append(tuple(range(t, t + k)))
            t += k

        def fire(i, slot):
            ii = jnp.broadcast_to(i, (_L,)).astype(jnp.int32)
            px = plsc.load_gather(pix_v, [ii * 2])
            py = plsc.load_gather(pix_v, [ii * 2 + ones])
            bb = plsc.load_gather(b_v, [ii])
            for s, (h, w, c) in enumerate(dims):
                inv = _splat_f32(1.0 / _STRIDES[s])
                rx = ((px * inv + c23) - c23).astype(jnp.int32)
                ry = ((py * inv + c23) - c23).astype(jnp.int32)
                bhw = bb * _splat_i32(h * w)
                for (pvec, dxv, dyv, msk) in chunks:
                    cx = jnp.minimum(jnp.maximum(rx + dxv, zeros),
                                     _splat_i32(h - 1))
                    cy = jnp.minimum(jnp.maximum(ry + dyv, zeros),
                                     _splat_i32(w - 1))
                    idxv = bhw + cx * _splat_i32(w) + cy
                    plsc.store_scatter(slot["idx"][s], [pvec], idxv, mask=msk)
            handles = []
            for s in range(len(dims)):
                for t in lvl_tabs[s]:
                    handles.append(
                        pltpu.async_copy(tabs[t].at[slot["idx"][s]],
                                         slot["rows"][t], slot["gsem"]))
            return handles

        def wait_store(slot):
            pltpu.make_async_copy(slot["outb"], out_hbm.at[base],
                                  slot["osem"]).wait()

        cols = [iota + _splat_i32(cc * _L) for cc in range(_TW // _L)]
        plan = []
        for s, (h, w, c) in enumerate(dims):
            for j, t in enumerate(lvl_tabs[s]):
                for cc in range(min(c, _TW) // _L):
                    ob = (cols[cc] + _splat_i32(csum[s] + j * _TW)) \
                        * _splat_i32(_P2)
                    plan.append((t, cols[cc], ob))

        def transpose(slot, outb):

            def p_body(p, carry):
                pp = jnp.broadcast_to(p, (_L,)).astype(jnp.int32)
                for t, col, ob in plan:
                    v = plsc.load_gather(slot["rows"][t], [pp, col])
                    plsc.store_scatter(outb, [ob + pp], v)
                return carry

            lax.fori_loop(0, _P2, p_body, 0)

        def pair_body(q, carry):
            i = q * 2
            h = [fire(i, slots[0]), fire(i + 1, slots[1])]
            stores = []
            for j in range(2):
                for hh in h[j]:
                    hh.wait()
                transpose(slots[j], obufs[j]["outb"])
                stores.append(
                    pltpu.async_copy(obufs[j]["outb"],
                                     out_hbm.at[base + i + j],
                                     obufs[j]["osem"]))
            stores[0].wait()
            stores[1].wait()
            return carry

        lax.fori_loop(0, a_per // 2, pair_body, 0)

    return crop


def kernel(feature_maps_0, feature_maps_1, feature_maps_2,
           pixel, batch_index, angle):
    feats = (feature_maps_0, feature_maps_1, feature_maps_2)
    dims = tuple((f.shape[2], f.shape[3], f.shape[1]) for f in feats)
    n_agents = pixel.shape[0]
    ctot = sum(f.shape[1] for f in feats)

    tables = []
    for f in feats:
        b, c, h, w = f.shape
        hw = h * w
        hwb = min(hw, max(512, 131072 // max(c, _TW)))
        n_out = max(1, c // _TW)
        tables += _build_tables(b, c, hw, hwb, n_out)(f.reshape(b, c, hw))

    b32 = batch_index.astype(jnp.int32)
    out = _build(dims, n_agents)(*tables, pixel.reshape(-1), b32)
    return out.reshape(n_agents, ctot, _SIZE, _SIZE)

# --- scband reference (transcript-rebuilt; emitter-appended) ---
"""Pipeline reference for scband-cropper-15719580304239 (READ-ONLY COPY).

The authoritative reference and input builder live on the scoring server;
editing this copy changes nothing except your own understanding.
"""

import jax, jax.numpy as jnp
import numpy as np

SIZE = 7
STRIDES = [4, 8, 16]


def setup_inputs(seed: int = 0) -> dict:
    key = jax.random.key(seed)
    k = jax.random.split(key, 6)
    f0 = jax.random.normal(k[0], (8, 64, 128, 128), dtype=jnp.float32)
    f1 = jax.random.normal(k[1], (8, 128, 64, 64), dtype=jnp.float32)
    f2 = jax.random.normal(k[2], (8, 256, 32, 32), dtype=jnp.float32)
    # pixel coords on the original 512x512 raster map
    pixel = jax.random.uniform(k[3], (2048, 2), dtype=jnp.float32) * 511.0
    batch_index = jax.random.randint(k[4], (2048,), 0, 8).astype(jnp.int64)
    angle = jax.random.normal(k[5], (2048,), dtype=jnp.float32)
    return {"feature_maps_0": f0, "feature_maps_1": f1, "feature_maps_2": f2,
            "pixel": pixel, "batch_index": batch_index, "angle": angle}


def _crop_single_stride(feature, pixel, batch_index, S):
    # heading_norm=False path of Cropper.crop_single_stride
    pixel = jnp.round(pixel)
    B, C, H, W = feature.shape
    feat = jnp.moveaxis(feature, 1, 3).reshape(B * H * W, C)
    N = pixel.shape[0]
    start = -int((S - 1) / 2)
    end = int((S + 1) / 2)
    shift = np.array([[x, y] for x in range(start, end) for y in range(start, end)],
                     dtype=np.float32)  # [S*S, 2]
    pix = pixel[:, None, :] + shift  # [N, S*S, 2]
    pix = pix.reshape(N, S * S, 2)
    maxv = jnp.array([H - 1, W - 1], dtype=pix.dtype)
    pix = jnp.maximum(jnp.minimum(pix, maxv), jnp.zeros((), dtype=pix.dtype))
    bidx = (batch_index * (H * W)).astype(pix.dtype)
    index = (bidx[:, None] + (pix[:, :, 0] * W + pix[:, :, 1])).reshape(-1).astype(jnp.int32)
    agent_feature = jnp.take(feat, index, axis=0)  # gather: [N*S*S, C]
    agent_feature = agent_feature.reshape(N, S, S, C)
    return jnp.moveaxis(agent_feature, 3, 1)  # [N, C, S, S]


def reference(feature_maps_0, feature_maps_1, feature_maps_2, pixel, batch_index, angle):
    feats = [feature_maps_0, feature_maps_1, feature_maps_2]
    crops = []
    for i, f in enumerate(feats):
        crops.append(_crop_single_stride(f, pixel / STRIDES[i], batch_index, SIZE))
    return jnp.concatenate(crops, axis=1)  # [N, sum(C_i), S, S]

if __name__ == "__main__":
    import jax
    _d = setup_inputs()
    print(jax.jit(kernel)(*tuple(_d.values())))

</pallas_src>

<mosaic_0001>
#map = affine_map<(d0, d1) -> (0, 0)>
#map1 = affine_map<(d0, d1) -> (0)>
module attributes {stable_mosaic.version = 14 : i64} {
  func.func @crop(%arg0: i32, %arg1: i32, %arg2: memref<131072x128xf32, #tpu.memory_space<hbm>>, %arg3: memref<32768x128xf32, #tpu.memory_space<hbm>>, %arg4: memref<8192x128xf32, #tpu.memory_space<hbm>>, %arg5: memref<8192x128xf32, #tpu.memory_space<hbm>>, %arg6: memref<4096xf32, #tpu.memory_space<hbm>>, %arg7: memref<2048xi32, #tpu.memory_space<hbm>>, %arg8: memref<2048x21952xf32, #tpu.memory_space<hbm>>, %arg9: memref<128xf32, #tpu.memory_space<vmem>>, %arg10: memref<64xi32, #tpu.memory_space<vmem>>, %arg11: memref<49xi32, #tpu.memory_space<vmem>>, %arg12: memref<49xi32, #tpu.memory_space<vmem>>, %arg13: memref<49xi32, #tpu.memory_space<vmem>>, %arg14: memref<49x128xf32, #tpu.memory_space<vmem>>, %arg15: memref<49x128xf32, #tpu.memory_space<vmem>>, %arg16: memref<49x128xf32, #tpu.memory_space<vmem>>, %arg17: memref<49x128xf32, #tpu.memory_space<vmem>>, %arg18: memref<!tpu.dma_semaphore, #tpu.memory_space<semaphore_mem>>, %arg19: memref<49xi32, #tpu.memory_space<vmem>>, %arg20: memref<49xi32, #tpu.memory_space<vmem>>, %arg21: memref<49xi32, #tpu.memory_space<vmem>>, %arg22: memref<49x128xf32, #tpu.memory_space<vmem>>, %arg23: memref<49x128xf32, #tpu.memory_space<vmem>>, %arg24: memref<49x128xf32, #tpu.memory_space<vmem>>, %arg25: memref<49x128xf32, #tpu.memory_space<vmem>>, %arg26: memref<!tpu.dma_semaphore, #tpu.memory_space<semaphore_mem>>, %arg27: memref<21952xf32, #tpu.memory_space<vmem>>, %arg28: memref<!tpu.dma_semaphore, #tpu.memory_space<semaphore_mem>>, %arg29: memref<21952xf32, #tpu.memory_space<vmem>>, %arg30: memref<!tpu.dma_semaphore, #tpu.memory_space<semaphore_mem>>) attributes {dimension_semantics = [#tpu.dimension_semantics<core_parallel>, #tpu.dimension_semantics<subcore_parallel>], iteration_bounds = array<i64: 2, 16>, scalar_prefetch = 0 : i64, scratch_operands = 22 : i64, tpu.core_type = #tpu.core_type<sc_vector_subcore>, window_params = [{transform_indices = #map}, {transform_indices = #map}, {transform_indices = #map}, {transform_indices = #map}, {transform_indices = #map1}, {transform_indices = #map1}, {transform_indices = #map}]} {
    %mul3A = arith.constant 2 : i32
    %mul3A_0 = arith.muli %arg1, %mul3A : i32
    %add3A = arith.addi %mul3A_0, %arg0 : i32
    %mul3A_1 = arith.constant 64 : i32
    %mul3A_2 = arith.muli %add3A, %mul3A_1 : i32
    %mul3A_3 = arith.constant 2 : i32
    %mul3A_4 = arith.muli %mul3A_2, %mul3A_3 : i32
    "tpu.region"() ({
      %run_scoped3A = tpu.sem_alloc : memref<!tpu.dma_semaphore, #tpu.memory_space<semaphore_mem>>
      %dma_start3A = tpu.memref_slice %arg6[%mul3A_4] : memref<4096xf32, #tpu.memory_space<hbm>> -> memref<128xf32, #tpu.memory_space<hbm>>
      %dma_start3A_275 = tpu.memref_slice %arg6[%mul3A_4] : memref<4096xf32, #tpu.memory_space<hbm>> -> memref<128xf32, #tpu.memory_space<hbm>>
      tpu.enqueue_dma source(%dma_start3A_275 : memref<128xf32, #tpu.memory_space<hbm>>) target(%arg9 : memref<128xf32, #tpu.memory_space<vmem>>) target_semaphore(%run_scoped3A : memref<!tpu.dma_semaphore, #tpu.memory_space<semaphore_mem>>)
      %dma_wait3A = tpu.memref_slice %arg6[%mul3A_4] : memref<4096xf32, #tpu.memory_space<hbm>> -> memref<128xf32, #tpu.memory_space<hbm>>
      %dma_wait3A_276 = tpu.memref_slice %arg6[%mul3A_4] : memref<4096xf32, #tpu.memory_space<hbm>> -> memref<128xf32, #tpu.memory_space<hbm>>
      tpu.wait_dma2 semaphore(%run_scoped3A : memref<!tpu.dma_semaphore, #tpu.memory_space<semaphore_mem>>) src(%dma_wait3A_276 : memref<128xf32, #tpu.memory_space<hbm>>) dst(%arg9 : memref<128xf32, #tpu.memory_space<vmem>>)
      tpu.yield
    }) : () -> ()
    "tpu.region"() ({
      %run_scoped3A = tpu.sem_alloc : memref<!tpu.dma_semaphore, #tpu.memory_space<semaphore_mem>>
      %dma_start3A = tpu.memref_slice %arg7[%mul3A_2] : memref<2048xi32, #tpu.memory_space<hbm>> -> memref<64xi32, #tpu.memory_space<hbm>>
      %dma_start3A_275 = tpu.memref_slice %arg7[%mul3A_2] : memref<2048xi32, #tpu.memory_space<hbm>> -> memref<64xi32, #tpu.memory_space<hbm>>
      tpu.enqueue_dma source(%dma_start3A_275 : memref<64xi32, #tpu.memory_space<hbm>>) target(%arg10 : memref<64xi32, #tpu.memory_space<vmem>>) target_semaphore(%run_scoped3A : memref<!tpu.dma_semaphore, #tpu.memory_space<semaphore_mem>>)
      %dma_wait3A = tpu.memref_slice %arg7[%mul3A_2] : memref<2048xi32, #tpu.memory_space<hbm>> -> memref<64xi32, #tpu.memory_space<hbm>>
      %dma_wait3A_276 = tpu.memref_slice %arg7[%mul3A_2] : memref<2048xi32, #tpu.memory_space<hbm>> -> memref<64xi32, #tpu.memory_space<hbm>>
      tpu.wait_dma2 semaphore(%run_scoped3A : memref<!tpu.dma_semaphore, #tpu.memory_space<semaphore_mem>>) src(%dma_wait3A_276 : memref<64xi32, #tpu.memory_space<hbm>>) dst(%arg10 : memref<64xi32, #tpu.memory_space<vmem>>)
      tpu.yield
    }) : () -> ()
    %iota3A = tpu.iota {dimensions = array<i32: 0>} : vector<16xi32>
    %broadcast_in_dim3A = arith.constant 0x4B000000 : f32
    %broadcast_in_dim3A_5 = vector.broadcast %broadcast_in_dim3A : f32 to vector<16xf32>
    %broadcast_in_dim3A_6 = arith.constant 0 : i32
    %broadcast_in_dim3A_7 = vector.broadcast %broadcast_in_dim3A_6 : i32 to vector<16xi32>
    %broadcast_in_dim3A_8 = arith.constant 1 : i32
    %broadcast_in_dim3A_9 = vector.broadcast %broadcast_in_dim3A_8 : i32 to vector<16xi32>
    %broadcast_in_dim3A_10 = arith.constant 0 : i32
    %broadcast_in_dim3A_11 = vector.broadcast %broadcast_in_dim3A_10 : i32 to vector<16xi32>
    %add3A_12 = arith.addi %iota3A, %broadcast_in_dim3A_11 : vector<16xi32>
    %broadcast_in_dim3A_13 = arith.constant 7 : i32
    %broadcast_in_dim3A_14 = vector.broadcast %broadcast_in_dim3A_13 : i32 to vector<16xi32>
    %div3A = arith.divsi %add3A_12, %broadcast_in_dim3A_14 : vector<16xi32>
    %broadcast_in_dim3A_15 = arith.constant 3 : i32
    %broadcast_in_dim3A_16 = vector.broadcast %broadcast_in_dim3A_15 : i32 to vector<16xi32>
    %sub3A = arith.subi %div3A, %broadcast_in_dim3A_16 : vector<16xi32>
    %broadcast_in_dim3A_17 = arith.constant 7 : i32
    %broadcast_in_dim3A_18 = vector.broadcast %broadcast_in_dim3A_17 : i32 to vector<16xi32>
    %rem3A = arith.remsi %add3A_12, %broadcast_in_dim3A_18 : vector<16xi32>
    %broadcast_in_dim3A_19 = arith.constant 3 : i32
    %broadcast_in_dim3A_20 = vector.broadcast %broadcast_in_dim3A_19 : i32 to vector<16xi32>
    %sub3A_21 = arith.subi %rem3A, %broadcast_in_dim3A_20 : vector<16xi32>
    %broadcast_in_dim3A_22 = arith.constant 49 : i32
    %broadcast_in_dim3A_23 = vector.broadcast %broadcast_in_dim3A_22 : i32 to vector<16xi32>
    %lt3A = arith.cmpi slt, %add3A_12, %broadcast_in_dim3A_23 : vector<16xi32>
    %broadcast_in_dim3A_24 = arith.constant 16 : i32
    %broadcast_in_dim3A_25 = vector.broadcast %broadcast_in_dim3A_24 : i32 to vector<16xi32>
    %add3A_26 = arith.addi %iota3A, %broadcast_in_dim3A_25 : vector<16xi32>
    %broadcast_in_dim3A_27 = arith.constant 7 : i32
    %broadcast_in_dim3A_28 = vector.broadcast %broadcast_in_dim3A_27 : i32 to vector<16xi32>
    %div3A_29 = arith.divsi %add3A_26, %broadcast_in_dim3A_28 : vector<16xi32>
    %broadcast_in_dim3A_30 = arith.constant 3 : i32
    %broadcast_in_dim3A_31 = vector.broadcast %broadcast_in_dim3A_30 : i32 to vector<16xi32>
    %sub3A_32 = arith.subi %div3A_29, %broadcast_in_dim3A_31 : vector<16xi32>
    %broadcast_in_dim3A_33 = arith.constant 7 : i32
    %broadcast_in_dim3A_34 = vector.broadcast %broadcast_in_dim3A_33 : i32 to vector<16xi32>
    %rem3A_35 = arith.remsi %add3A_26, %broadcast_in_dim3A_34 : vector<16xi32>
    %broadcast_in_dim3A_36 = arith.constant 3 : i32
    %broadcast_in_dim3A_37 = vector.broadcast %broadcast_in_dim3A_36 : i32 to vector<16xi32>
    %sub3A_38 = arith.subi %rem3A_35, %broadcast_in_dim3A_37 : vector<16xi32>
    %broadcast_in_dim3A_39 = arith.constant 49 : i32
    %broadcast_in_dim3A_40 = vector.broadcast %broadcast_in_dim3A_39 : i32 to vector<16xi32>
    %lt3A_41 = arith.cmpi slt, %add3A_26, %broadcast_in_dim3A_40 : vector<16xi32>
    %broadcast_in_dim3A_42 = arith.constant 32 : i32
    %broadcast_in_dim3A_43 = vector.broadcast %broadcast_in_dim3A_42 : i32 to vector<16xi32>
    %add3A_44 = arith.addi %iota3A, %broadcast_in_dim3A_43 : vector<16xi32>
    %broadcast_in_dim3A_45 = arith.constant 7 : i32
    %broadcast_in_dim3A_46 = vector.broadcast %broadcast_in_dim3A_45 : i32 to vector<16xi32>
    %div3A_47 = arith.divsi %add3A_44, %broadcast_in_dim3A_46 : vector<16xi32>
    %broadcast_in_dim3A_48 = arith.constant 3 : i32
    %broadcast_in_dim3A_49 = vector.broadcast %broadcast_in_dim3A_48 : i32 to vector<16xi32>
    %sub3A_50 = arith.subi %div3A_47, %broadcast_in_dim3A_49 : vector<16xi32>
    %broadcast_in_dim3A_51 = arith.constant 7 : i32
    %broadcast_in_dim3A_52 = vector.broadcast %broadcast_in_dim3A_51 : i32 to vector<16xi32>
    %rem3A_53 = arith.remsi %add3A_44, %broadcast_in_dim3A_52 : vector<16xi32>
    %broadcast_in_dim3A_54 = arith.constant 3 : i32
    %broadcast_in_dim3A_55 = vector.broadcast %broadcast_in_dim3A_54 : i32 to vector<16xi32>
    %sub3A_56 = arith.subi %rem3A_53, %broadcast_in_dim3A_55 : vector<16xi32>
    %broadcast_in_dim3A_57 = arith.constant 49 : i32
    %broadcast_in_dim3A_58 = vector.broadcast %broadcast_in_dim3A_57 : i32 to vector<16xi32>
    %lt3A_59 = arith.cmpi slt, %add3A_44, %broadcast_in_dim3A_58 : vector<16xi32>
    %broadcast_in_dim3A_60 = arith.constant 48 : i32
    %broadcast_in_dim3A_61 = vector.broadcast %broadcast_in_dim3A_60 : i32 to vector<16xi32>
    %add3A_62 = arith.addi %iota3A, %broadcast_in_dim3A_61 : vector<16xi32>
    %broadcast_in_dim3A_63 = arith.constant 7 : i32
    %broadcast_in_dim3A_64 = vector.broadcast %broadcast_in_dim3A_63 : i32 to vector<16xi32>
    %div3A_65 = arith.divsi %add3A_62, %broadcast_in_dim3A_64 : vector<16xi32>
    %broadcast_in_dim3A_66 = arith.constant 3 : i32
    %broadcast_in_dim3A_67 = vector.broadcast %broadcast_in_dim3A_66 : i32 to vector<16xi32>
    %sub3A_68 = arith.subi %div3A_65, %broadcast_in_dim3A_67 : vector<16xi32>
    %broadcast_in_dim3A_69 = arith.constant 7 : i32
    %broadcast_in_dim3A_70 = vector.broadcast %broadcast_in_dim3A_69 : i32 to vector<16xi32>
    %rem3A_71 = arith.remsi %add3A_62, %broadcast_in_dim3A_70 : vector<16xi32>
    %broadcast_in_dim3A_72 = arith.constant 3 : i32
    %broadcast_in_dim3A_73 = vector.broadcast %broadcast_in_dim3A_72 : i32 to vector<16xi32>
    %sub3A_74 = arith.subi %rem3A_71, %broadcast_in_dim3A_73 : vector<16xi32>
    %broadcast_in_dim3A_75 = arith.constant 49 : i32
    %broadcast_in_dim3A_76 = vector.broadcast %broadcast_in_dim3A_75 : i32 to vector<16xi32>
    %lt3A_77 = arith.cmpi slt, %add3A_62, %broadcast_in_dim3A_76 : vector<16xi32>
    %broadcast_in_dim3A_78 = arith.constant 0 : i32
    %broadcast_in_dim3A_79 = vector.broadcast %broadcast_in_dim3A_78 : i32 to vector<16xi32>
    %add3A_80 = arith.addi %iota3A, %broadcast_in_dim3A_79 : vector<16xi32>
    %broadcast_in_dim3A_81 = arith.constant 16 : i32
    %broadcast_in_dim3A_82 = vector.broadcast %broadcast_in_dim3A_81 : i32 to vector<16xi32>
    %add3A_83 = arith.addi %iota3A, %broadcast_in_dim3A_82 : vector<16xi32>
    %broadcast_in_dim3A_84 = arith.constant 32 : i32
    %broadcast_in_dim3A_85 = vector.broadcast %broadcast_in_dim3A_84 : i32 to vector<16xi32>
    %add3A_86 = arith.addi %iota3A, %broadcast_in_dim3A_85 : vector<16xi32>
    %broadcast_in_dim3A_87 = arith.constant 48 : i32
    %broadcast_in_dim3A_88 = vector.broadcast %broadcast_in_dim3A_87 : i32 to vector<16xi32>
    %add3A_89 = arith.addi %iota3A, %broadcast_in_dim3A_88 : vector<16xi32>
    %broadcast_in_dim3A_90 = arith.constant 64 : i32
    %broadcast_in_dim3A_91 = vector.broadcast %broadcast_in_dim3A_90 : i32 to vector<16xi32>
    %add3A_92 = arith.addi %iota3A, %broadcast_in_dim3A_91 : vector<16xi32>
    %broadcast_in_dim3A_93 = arith.constant 80 : i32
    %broadcast_in_dim3A_94 = vector.broadcast %broadcast_in_dim3A_93 : i32 to vector<16xi32>
    %add3A_95 = arith.addi %iota3A, %broadcast_in_dim3A_94 : vector<16xi32>
    %broadcast_in_dim3A_96 = arith.constant 96 : i32
    %broadcast_in_dim3A_97 = vector.broadcast %broadcast_in_dim3A_96 : i32 to vector<16xi32>
    %add3A_98 = arith.addi %iota3A, %broadcast_in_dim3A_97 : vector<16xi32>
    %broadcast_in_dim3A_99 = arith.constant 112 : i32
    %broadcast_in_dim3A_100 = vector.broadcast %broadcast_in_dim3A_99 : i32 to vector<16xi32>
    %add3A_101 = arith.addi %iota3A, %broadcast_in_dim3A_100 : vector<16xi32>
    %broadcast_in_dim3A_102 = arith.constant 0 : i32
    %broadcast_in_dim3A_103 = vector.broadcast %broadcast_in_dim3A_102 : i32 to vector<16xi32>
    %add3A_104 = arith.addi %add3A_80, %broadcast_in_dim3A_103 : vector<16xi32>
    %broadcast_in_dim3A_105 = arith.constant 49 : i32
    %broadcast_in_dim3A_106 = vector.broadcast %broadcast_in_dim3A_105 : i32 to vector<16xi32>
    %mul3A_107 = arith.muli %add3A_104, %broadcast_in_dim3A_106 : vector<16xi32>
    %broadcast_in_dim3A_108 = arith.constant 0 : i32
    %broadcast_in_dim3A_109 = vector.broadcast %broadcast_in_dim3A_108 : i32 to vector<16xi32>
    %add3A_110 = arith.addi %add3A_83, %broadcast_in_dim3A_109 : vector<16xi32>
    %broadcast_in_dim3A_111 = arith.constant 49 : i32
    %broadcast_in_dim3A_112 = vector.broadcast %broadcast_in_dim3A_111 : i32 to vector<16xi32>
    %mul3A_113 = arith.muli %add3A_110, %broadcast_in_dim3A_112 : vector<16xi32>
    %broadcast_in_dim3A_114 = arith.constant 0 : i32
    %broadcast_in_dim3A_115 = vector.broadcast %broadcast_in_dim3A_114 : i32 to vector<16xi32>
    %add3A_116 = arith.addi %add3A_86, %broadcast_in_dim3A_115 : vector<16xi32>
    %broadcast_in_dim3A_117 = arith.constant 49 : i32
    %broadcast_in_dim3A_118 = vector.broadcast %broadcast_in_dim3A_117 : i32 to vector<16xi32>
    %mul3A_119 = arith.muli %add3A_116, %broadcast_in_dim3A_118 : vector<16xi32>
    %broadcast_in_dim3A_120 = arith.constant 0 : i32
    %broadcast_in_dim3A_121 = vector.broadcast %broadcast_in_dim3A_120 : i32 to vector<16xi32>
    %add3A_122 = arith.addi %add3A_89, %broadcast_in_dim3A_121 : vector<16xi32>
    %broadcast_in_dim3A_123 = arith.constant 49 : i32
    %broadcast_in_dim3A_124 = vector.broadcast %broadcast_in_dim3A_123 : i32 to vector<16xi32>
    %mul3A_125 = arith.muli %add3A_122, %broadcast_in_dim3A_124 : vector<16xi32>
    %broadcast_in_dim3A_126 = arith.constant 64 : i32
    %broadcast_in_dim3A_127 = vector.broadcast %broadcast_in_dim3A_126 : i32 to vector<16xi32>
    %add3A_128 = arith.addi %add3A_80, %broadcast_in_dim3A_127 : vector<16xi32>
    %broadcast_in_dim3A_129 = arith.constant 49 : i32
    %broadcast_in_dim3A_130 = vector.broadcast %broadcast_in_dim3A_129 : i32 to vector<16xi32>
    %mul3A_131 = arith.muli %add3A_128, %broadcast_in_dim3A_130 : vector<16xi32>
    %broadcast_in_dim3A_132 = arith.constant 64 : i32
    %broadcast_in_dim3A_133 = vector.broadcast %broadcast_in_dim3A_132 : i32 to vector<16xi32>
    %add3A_134 = arith.addi %add3A_83, %broadcast_in_dim3A_133 : vector<16xi32>
    %broadcast_in_dim3A_135 = arith.constant 49 : i32
    %broadcast_in_dim3A_136 = vector.broadcast %broadcast_in_dim3A_135 : i32 to vector<16xi32>
    %mul3A_137 = arith.muli %add3A_134, %broadcast_in_dim3A_136 : vector<16xi32>
    %broadcast_in_dim3A_138 = arith.constant 64 : i32
    %broadcast_in_dim3A_139 = vector.broadcast %broadcast_in_dim3A_138 : i32 to vector<16xi32>
    %add3A_140 = arith.addi %add3A_86, %broadcast_in_dim3A_139 : vector<16xi32>
    %broadcast_in_dim3A_141 = arith.constant 49 : i32
    %broadcast_in_dim3A_142 = vector.broadcast %broadcast_in_dim3A_141 : i32 to vector<16xi32>
    %mul3A_143 = arith.muli %add3A_140, %broadcast_in_dim3A_142 : vector<16xi32>
    %broadcast_in_dim3A_144 = arith.constant 64 : i32
    %broadcast_in_dim3A_145 = vector.broadcast %broadcast_in_dim3A_144 : i32 to vector<16xi32>
    %add3A_146 = arith.addi %add3A_89, %broadcast_in_dim3A_145 : vector<16xi32>
    %broadcast_in_dim3A_147 = arith.constant 49 : i32
    %broadcast_in_dim3A_148 = vector.broadcast %broadcast_in_dim3A_147 : i32 to vector<16xi32>
    %mul3A_149 = arith.muli %add3A_146, %broadcast_in_dim3A_148 : vector<16xi32>
    %broadcast_in_dim3A_150 = arith.constant 64 : i32
    %broadcast_in_dim3A_151 = vector.broadcast %broadcast_in_dim3A_150 : i32 to vector<16xi32>
    %add3A_152 = arith.addi %add3A_92, %broadcast_in_dim3A_151 : vector<16xi32>
    %broadcast_in_dim3A_153 = arith.constant 49 : i32
    %broadcast_in_dim3A_154 = vector.broadcast %broadcast_in_dim3A_153 : i32 to vector<16xi32>
    %mul3A_155 = arith.muli %add3A_152, %broadcast_in_dim3A_154 : vector<16xi32>
    %broadcast_in_dim3A_156 = arith.constant 64 : i32
    %broadcast_in_dim3A_157 = vector.broadcast %broadcast_in_dim3A_156 : i32 to vector<16xi32>
    %add3A_158 = arith.addi %add3A_95, %broadcast_in_dim3A_157 : vector<16xi32>
    %broadcast_in_dim3A_159 = arith.constant 49 : i32
    %broadcast_in_dim3A_160 = vector.broadcast %broadcast_in_dim3A_159 : i32 to vector<16xi32>
    %mul3A_161 = arith.muli %add3A_158, %broadcast_in_dim3A_160 : vector<16xi32>
    %broadcast_in_dim3A_162 = arith.constant 64 : i32
    %broadcast_in_dim3A_163 = vector.broadcast %broadcast_in_dim3A_162 : i32 to vector<16xi32>
    %add3A_164 = arith.addi %add3A_98, %broadcast_in_dim3A_163 : vector<16xi32>
    %broadcast_in_dim3A_165 = arith.constant 49 : i32
    %broadcast_in_dim3A_166 = vector.broadcast %broadcast_in_dim3A_165 : i32 to vector<16xi32>
    %mul3A_167 = arith.muli %add3A_164, %broadcast_in_dim3A_166 : vector<16xi32>
    %broadcast_in_dim3A_168 = arith.constant 64 : i32
    %broadcast_in_dim3A_169 = vector.broadcast %broadcast_in_dim3A_168 : i32 to vector<16xi32>
    %add3A_170 = arith.addi %add3A_101, %broadcast_in_dim3A_169 : vector<16xi32>
    %broadcast_in_dim3A_171 = arith.constant 49 : i32
    %broadcast_in_dim3A_172 = vector.broadcast %broadcast_in_dim3A_171 : i32 to vector<16xi32>
    %mul3A_173 = arith.muli %add3A_170, %broadcast_in_dim3A_172 : vector<16xi32>
    %broadcast_in_dim3A_174 = arith.constant 192 : i32
    %broadcast_in_dim3A_175 = vector.broadcast %broadcast_in_dim3A_174 : i32 to vector<16xi32>
    %add3A_176 = arith.addi %add3A_80, %broadcast_in_dim3A_175 : vector<16xi32>
    %broadcast_in_dim3A_177 = arith.constant 49 : i32
    %broadcast_in_dim3A_178 = vector.broadcast %broadcast_in_dim3A_177 : i32 to vector<16xi32>
    %mul3A_179 = arith.muli %add3A_176, %broadcast_in_dim3A_178 : vector<16xi32>
    %broadcast_in_dim3A_180 = arith.constant 192 : i32
    %broadcast_in_dim3A_181 = vector.broadcast %broadcast_in_dim3A_180 : i32 to vector<16xi32>
    %add3A_182 = arith.addi %add3A_83, %broadcast_in_dim3A_181 : vector<16xi32>
    %broadcast_in_dim3A_183 = arith.constant 49 : i32
    %broadcast_in_dim3A_184 = vector.broadcast %broadcast_in_dim3A_183 : i32 to vector<16xi32>
    %mul3A_185 = arith.muli %add3A_182, %broadcast_in_dim3A_184 : vector<16xi32>
    %broadcast_in_dim3A_186 = arith.constant 192 : i32
    %broadcast_in_dim3A_187 = vector.broadcast %broadcast_in_dim3A_186 : i32 to vector<16xi32>
    %add3A_188 = arith.addi %add3A_86, %broadcast_in_dim3A_187 : vector<16xi32>
    %broadcast_in_dim3A_189 = arith.constant 49 : i32
    %broadcast_in_dim3A_190 = vector.broadcast %broadcast_in_dim3A_189 : i32 to vector<16xi32>
    %mul3A_191 = arith.muli %add3A_188, %broadcast_in_dim3A_190 : vector<16xi32>
    %broadcast_in_dim3A_192 = arith.constant 192 : i32
    %broadcast_in_dim3A_193 = vector.broadcast %broadcast_in_dim3A_192 : i32 to vector<16xi32>
    %add3A_194 = arith.addi %add3A_89, %broadcast_in_dim3A_193 : vector<16xi32>
    %broadcast_in_dim3A_195 = arith.constant 49 : i32
    %broadcast_in_dim3A_196 = vector.broadcast %broadcast_in_dim3A_195 : i32 to vector<16xi32>
    %mul3A_197 = arith.muli %add3A_194, %broadcast_in_dim3A_196 : vector<16xi32>
    %broadcast_in_dim3A_198 = arith.constant 192 : i32
    %broadcast_in_dim3A_199 = vector.broadcast %broadcast_in_dim3A_198 : i32 to vector<16xi32>
    %add3A_200 = arith.addi %add3A_92, %broadcast_in_dim3A_199 : vector<16xi32>
    %broadcast_in_dim3A_201 = arith.constant 49 : i32
    %broadcast_in_dim3A_202 = vector.broadcast %broadcast_in_dim3A_201 : i32 to vector<16xi32>
    %mul3A_203 = arith.muli %add3A_200, %broadcast_in_dim3A_202 : vector<16xi32>
    %broadcast_in_dim3A_204 = arith.constant 192 : i32
    %broadcast_in_dim3A_205 = vector.broadcast %broadcast_in_dim3A_204 : i32 to vector<16xi32>
    %add3A_206 = arith.addi %add3A_95, %broadcast_in_dim3A_205 : vector<16xi32>
    %broadcast_in_dim3A_207 = arith.constant 49 : i32
    %broadcast_in_dim3A_208 = vector.broadcast %broadcast_in_dim3A_207 : i32 to vector<16xi32>
    %mul3A_209 = arith.muli %add3A_206, %broadcast_in_dim3A_208 : vector<16xi32>
    %broadcast_in_dim3A_210 = arith.constant 192 : i32
    %broadcast_in_dim3A_211 = vector.broadcast %broadcast_in_dim3A_210 : i32 to vector<16xi32>
    %add3A_212 = arith.addi %add3A_98, %broadcast_in_dim3A_211 : vector<16xi32>
    %broadcast_in_dim3A_213 = arith.constant 49 : i32
    %broadcast_in_dim3A_214 = vector.broadcast %broadcast_in_dim3A_213 : i32 to vector<16xi32>
    %mul3A_215 = arith.muli %add3A_212, %broadcast_in_dim3A_214 : vector<16xi32>
    %broadcast_in_dim3A_216 = arith.constant 192 : i32
    %broadcast_in_dim3A_217 = vector.broadcast %broadcast_in_dim3A_216 : i32 to vector<16xi32>
    %add3A_218 = arith.addi %add3A_101, %broadcast_in_dim3A_217 : vector<16xi32>
    %broadcast_in_dim3A_219 = arith.constant 49 : i32
    %broadcast_in_dim3A_220 = vector.broadcast %broadcast_in_dim3A_219 : i32 to vector<16xi32>
    %mul3A_221 = arith.muli %add3A_218, %broadcast_in_dim3A_220 : vector<16xi32>
    %broadcast_in_dim3A_222 = arith.constant 320 : i32
    %broadcast_in_dim3A_223 = vector.broadcast %broadcast_in_dim3A_222 : i32 to vector<16xi32>
    %add3A_224 = arith.addi %add3A_80, %broadcast_in_dim3A_223 : vector<16xi32>
    %broadcast_in_dim3A_225 = arith.constant 49 : i32
    %broadcast_in_dim3A_226 = vector.broadcast %broadcast_in_dim3A_225 : i32 to vector<16xi32>
    %mul3A_227 = arith.muli %add3A_224, %broadcast_in_dim3A_226 : vector<16xi32>
    %broadcast_in_dim3A_228 = arith.constant 320 : i32
    %broadcast_in_dim3A_229 = vector.broadcast %broadcast_in_dim3A_228 : i32 to vector<16xi32>
    %add3A_230 = arith.addi %add3A_83, %broadcast_in_dim3A_229 : vector<16xi32>
    %broadcast_in_dim3A_231 = arith.constant 49 : i32
    %broadcast_in_dim3A_232 = vector.broadcast %broadcast_in_dim3A_231 : i32 to vector<16xi32>
    %mul3A_233 = arith.muli %add3A_230, %broadcast_in_dim3A_232 : vector<16xi32>
    %broadcast_in_dim3A_234 = arith.constant 320 : i32
    %broadcast_in_dim3A_235 = vector.broadcast %broadcast_in_dim3A_234 : i32 to vector<16xi32>
    %add3A_236 = arith.addi %add3A_86, %broadcast_in_dim3A_235 : vector<16xi32>
    %broadcast_in_dim3A_237 = arith.constant 49 : i32
    %broadcast_in_dim3A_238 = vector.broadcast %broadcast_in_dim3A_237 : i32 to vector<16xi32>
    %mul3A_239 = arith.muli %add3A_236, %broadcast_in_dim3A_238 : vector<16xi32>
    %broadcast_in_dim3A_240 = arith.constant 320 : i32
    %broadcast_in_dim3A_241 = vector.broadcast %broadcast_in_dim3A_240 : i32 to vector<16xi32>
    %add3A_242 = arith.addi %add3A_89, %broadcast_in_dim3A_241 : vector<16xi32>
    %broadcast_in_dim3A_243 = arith.constant 49 : i32
    %broadcast_in_dim3A_244 = vector.broadcast %broadcast_in_dim3A_243 : i32 to vector<16xi32>
    %mul3A_245 = arith.muli %add3A_242, %broadcast_in_dim3A_244 : vector<16xi32>
    %broadcast_in_dim3A_246 = arith.constant 320 : i32
    %broadcast_in_dim3A_247 = vector.broadcast %broadcast_in_dim3A_246 : i32 to vector<16xi32>
    %add3A_248 = arith.addi %add3A_92, %broadcast_in_dim3A_247 : vector<16xi32>
    %broadcast_in_dim3A_249 = arith.constant 49 : i32
    %broadcast_in_dim3A_250 = vector.broadcast %broadcast_in_dim3A_249 : i32 to vector<16xi32>
    %mul3A_251 = arith.muli %add3A_248, %broadcast_in_dim3A_250 : vector<16xi32>
    %broadcast_in_dim3A_252 = arith.constant 320 : i32
    %broadcast_in_dim3A_253 = vector.broadcast %broadcast_in_dim3A_252 : i32 to vector<16xi32>
    %add3A_254 = arith.addi %add3A_95, %broadcast_in_dim3A_253 : vector<16xi32>
    %broadcast_in_dim3A_255 = arith.constant 49 : i32
    %broadcast_in_dim3A_256 = vector.broadcast %broadcast_in_dim3A_255 : i32 to vector<16xi32>
    %mul3A_257 = arith.muli %add3A_254, %broadcast_in_dim3A_256 : vector<16xi32>
    %broadcast_in_dim3A_258 = arith.constant 320 : i32
    %broadcast_in_dim3A_259 = vector.broadcast %broadcast_in_dim3A_258 : i32 to vector<16xi32>
    %add3A_260 = arith.addi %add3A_98, %broadcast_in_dim3A_259 : vector<16xi32>
    %broadcast_in_dim3A_261 = arith.constant 49 : i32
    %broadcast_in_dim3A_262 = vector.broadcast %broadcast_in_dim3A_261 : i32 to vector<16xi32>
    %mul3A_263 = arith.muli %add3A_260, %broadcast_in_dim3A_262 : vector<16xi32>
    %broadcast_in_dim3A_264 = arith.constant 320 : i32
    %broadcast_in_dim3A_265 = vector.broadcast %broadcast_in_dim3A_264 : i32 to vector<16xi32>
    %add3A_266 = arith.addi %add3A_101, %broadcast_in_dim3A_265 : vector<16xi32>
    %broadcast_in_dim3A_267 = arith.constant 49 : i32
    %broadcast_in_dim3A_268 = vector.broadcast %broadcast_in_dim3A_267 : i32 to vector<16xi32>
    %mul3A_269 = arith.muli %add3A_266, %broadcast_in_dim3A_268 : vector<16xi32>
    %scan3A = arith.constant 0 : i32
    %scan3A_270 = arith.constant 0 : i32
    %scan3A_271 = arith.constant 32 : i32
    %scan3A_272 = arith.addi %scan3A_270, %scan3A_271 : i32
    %scan3A_273 = arith.constant 1 : i32
    scf.for %scan3A_275 = %scan3A_270 to %scan3A_272 step %scan3A_273  : i32 {
      %mul3A_276 = arith.constant 2 : i32
      %mul3A_277 = arith.muli %scan3A_275, %mul3A_276 : i32
      %broadcast_in_dim3A_278 = vector.broadcast %mul3A_277 : i32 to vector<16xi32>
      %mul3A_279 = arith.constant 2 : i32
      %mul3A_280 = vector.broadcast %mul3A_279 : i32 to vector<16xi32>
      %mul3A_281 = arith.muli %broadcast_in_dim3A_278, %mul3A_280 : vector<16xi32>
      %gather3A = tpu.vector_load_idx %arg9[%mul3A_281] : memref<128xf32, #tpu.memory_space<vmem>>[vector<16xi32>], vector<16xf32>,
      %mul3A_282 = arith.constant 2 : i32
      %mul3A_283 = vector.broadcast %mul3A_282 : i32 to vector<16xi32>
      %mul3A_284 = arith.muli %broadcast_in_dim3A_278, %mul3A_283 : vector<16xi32>
      %add3A_285 = arith.addi %mul3A_284, %broadcast_in_dim3A_9 : vector<16xi32>
      %gather3A_286 = tpu.vector_load_idx %arg9[%add3A_285] : memref<128xf32, #tpu.memory_space<vmem>>[vector<16xi32>], vector<16xf32>,
      %gather3A_287 = tpu.vector_load_idx %arg10[%broadcast_in_dim3A_278] : memref<64xi32, #tpu.memory_space<vmem>>[vector<16xi32>], vector<16xi32>,
      %broadcast_in_dim3A_288 = arith.constant 2.500000e-01 : f32
      %broadcast_in_dim3A_289 = vector.broadcast %broadcast_in_dim3A_288 : f32 to vector<16xf32>
      %mul3A_290 = arith.mulf %gather3A, %broadcast_in_dim3A_289 : vector<16xf32>
      %add3A_291 = arith.addf %mul3A_290, %broadcast_in_dim3A_5 : vector<16xf32>
      %sub3A_292 = arith.subf %add3A_291, %broadcast_in_dim3A_5 : vector<16xf32>
      %convert_element_type3A = arith.fptosi %sub3A_292 : vector<16xf32> to vector<16xi32>
      %mul3A_293 = arith.mulf %gather3A_286, %broadcast_in_dim3A_289 : vector<16xf32>
      %add3A_294 = arith.addf %mul3A_293, %broadcast_in_dim3A_5 : vector<16xf32>
      %sub3A_295 = arith.subf %add3A_294, %broadcast_in_dim3A_5 : vector<16xf32>
      %convert_element_type3A_296 = arith.fptosi %sub3A_295 : vector<16xf32> to vector<16xi32>
      %broadcast_in_dim3A_297 = arith.constant 16384 : i32
      %broadcast_in_dim3A_298 = vector.broadcast %broadcast_in_dim3A_297 : i32 to vector<16xi32>
      %mul3A_299 = arith.muli %gather3A_287, %broadcast_in_dim3A_298 : vector<16xi32>
      %add3A_300 = arith.addi %convert_element_type3A, %sub3A : vector<16xi32>
      %max3A = arith.maxsi %add3A_300, %broadcast_in_dim3A_7 : vector<16xi32>
      %broadcast_in_dim3A_301 = arith.constant 127 : i32
      %broadcast_in_dim3A_302 = vector.broadcast %broadcast_in_dim3A_301 : i32 to vector<16xi32>
      %min3A = arith.minsi %max3A, %broadcast_in_dim3A_302 : vector<16xi32>
      %add3A_303 = arith.addi %convert_element_type3A_296, %sub3A_21 : vector<16xi32>
      %max3A_304 = arith.maxsi %add3A_303, %broadcast_in_dim3A_7 : vector<16xi32>
      %broadcast_in_dim3A_305 = arith.constant 127 : i32
      %broadcast_in_dim3A_306 = vector.broadcast %broadcast_in_dim3A_305 : i32 to vector<16xi32>
      %min3A_307 = arith.minsi %max3A_304, %broadcast_in_dim3A_306 : vector<16xi32>
      %broadcast_in_dim3A_308 = arith.constant 128 : i32
      %broadcast_in_dim3A_309 = vector.broadcast %broadcast_in_dim3A_308 : i32 to vector<16xi32>
      %mul3A_310 = arith.muli %min3A, %broadcast_in_dim3A_309 : vector<16xi32>
      %add3A_311 = arith.addi %mul3A_299, %mul3A_310 : vector<16xi32>
      %add3A_312 = arith.addi %add3A_311, %min3A_307 : vector<16xi32>
      tpu.vector_store_idx %arg11[%add3A_12], %add3A_312 masked %lt3A : memref<49xi32, #tpu.memory_space<vmem>>[vector<16xi32>], vector<16xi32>, vector<16xi1>
      %add3A_313 = arith.addi %convert_element_type3A, %sub3A_32 : vector<16xi32>
      %max3A_314 = arith.maxsi %add3A_313, %broadcast_in_dim3A_7 : vector<16xi32>
      %broadcast_in_dim3A_315 = arith.constant 127 : i32
      %broadcast_in_dim3A_316 = vector.broadcast %broadcast_in_dim3A_315 : i32 to vector<16xi32>
      %min3A_317 = arith.minsi %max3A_314, %broadcast_in_dim3A_316 : vector<16xi32>
      %add3A_318 = arith.addi %convert_element_type3A_296, %sub3A_38 : vector<16xi32>
      %max3A_319 = arith.maxsi %add3A_318, %broadcast_in_dim3A_7 : vector<16xi32>
      %broadcast_in_dim3A_320 = arith.constant 127 : i32
      %broadcast_in_dim3A_321 = vector.broadcast %broadcast_in_dim3A_320 : i32 to vector<16xi32>
      %min3A_322 = arith.minsi %max3A_319, %broadcast_in_dim3A_321 : vector<16xi32>
      %broadcast_in_dim3A_323 = arith.constant 128 : i32
      %broadcast_in_dim3A_324 = vector.broadcast %broadcast_in_dim3A_323 : i32 to vector<16xi32>
      %mul3A_325 = arith.muli %min3A_317, %broadcast_in_dim3A_324 : vector<16xi32>
      %add3A_326 = arith.addi %mul3A_299, %mul3A_325 : vector<16xi32>
      %add3A_327 = arith.addi %add3A_326, %min3A_322 : vector<16xi32>
      tpu.vector_store_idx %arg11[%add3A_26], %add3A_327 masked %lt3A_41 : memref<49xi32, #tpu.memory_space<vmem>>[vector<16xi32>], vector<16xi32>, vector<16xi1>
      %add3A_328 = arith.addi %convert_element_type3A, %sub3A_50 : vector<16xi32>
      %max3A_329 = arith.maxsi %add3A_328, %broadcast_in_dim3A_7 : vector<16xi32>
      %broadcast_in_dim3A_330 = arith.constant 127 : i32
      %broadcast_in_dim3A_331 = vector.broadcast %broadcast_in_dim3A_330 : i32 to vector<16xi32>
      %min3A_332 = arith.minsi %max3A_329, %broadcast_in_dim3A_331 : vector<16xi32>
      %add3A_333 = arith.addi %convert_element_type3A_296, %sub3A_56 : vector<16xi32>
      %max3A_334 = arith.maxsi %add3A_333, %broadcast_in_dim3A_7 : vector<16xi32>
      %broadcast_in_dim3A_335 = arith.constant 127 : i32
      %broadcast_in_dim3A_336 = vector.broadcast %broadcast_in_dim3A_335 : i32 to vector<16xi32>
      %min3A_337 = arith.minsi %max3A_334, %broadcast_in_dim3A_336 : vector<16xi32>
      %broadcast_in_dim3A_338 = arith.constant 128 : i32
      %broadcast_in_dim3A_339 = vector.broadcast %broadcast_in_dim3A_338 : i32 to vector<16xi32>
      %mul3A_340 = arith.muli %min3A_332, %broadcast_in_dim3A_339 : vector<16xi32>
      %add3A_341 = arith.addi %mul3A_299, %mul3A_340 : vector<16xi32>
      %add3A_342 = arith.addi %add3A_341, %min3A_337 : vector<16xi32>
      tpu.vector_store_idx %arg11[%add3A_44], %add3A_342 masked %lt3A_59 : memref<49xi32, #tpu.memory_space<vmem>>[vector<16xi32>], vector<16xi32>, vector<16xi1>
      %add3A_343 = arith.addi %convert_element_type3A, %sub3A_68 : vector<16xi32>
      %max3A_344 = arith.maxsi %add3A_343, %broadcast_in_dim3A_7 : vector<16xi32>
      %broadcast_in_dim3A_345 = arith.constant 127 : i32
      %broadcast_in_dim3A_346 = vector.broadcast %broadcast_in_dim3A_345 : i32 to vector<16xi32>
      %min3A_347 = arith.minsi %max3A_344, %broadcast_in_dim3A_346 : vector<16xi32>
      %add3A_348 = arith.addi %convert_element_type3A_296, %sub3A_74 : vector<16xi32>
      %max3A_349 = arith.maxsi %add3A_348, %broadcast_in_dim3A_7 : vector<16xi32>
      %broadcast_in_dim3A_350 = arith.constant 127 : i32
      %broadcast_in_dim3A_351 = vector.broadcast %broadcast_in_dim3A_350 : i32 to vector<16xi32>
      %min3A_352 = arith.minsi %max3A_349, %broadcast_in_dim3A_351 : vector<16xi32>
      %broadcast_in_dim3A_353 = arith.constant 128 : i32
      %broadcast_in_dim3A_354 = vector.broadcast %broadcast_in_dim3A_353 : i32 to vector<16xi32>
      %mul3A_355 = arith.muli %min3A_347, %broadcast_in_dim3A_354 : vector<16xi32>
      %add3A_356 = arith.addi %mul3A_299, %mul3A_355 : vector<16xi32>
      %add3A_357 = arith.addi %add3A_356, %min3A_352 : vector<16xi32>
      tpu.vector_store_idx %arg11[%add3A_62], %add3A_357 masked %lt3A_77 : memref<49xi32, #tpu.memory_space<vmem>>[vector<16xi32>], vector<16xi32>, vector<16xi1>
      %broadcast_in_dim3A_358 = arith.constant 1.250000e-01 : f32
      %broadcast_in_dim3A_359 = vector.broadcast %broadcast_in_dim3A_358 : f32 to vector<16xf32>
      %mul3A_360 = arith.mulf %gather3A, %broadcast_in_dim3A_359 : vector<16xf32>
      %add3A_361 = arith.addf %mul3A_360, %broadcast_in_dim3A_5 : vector<16xf32>
      %sub3A_362 = arith.subf %add3A_361, %broadcast_in_dim3A_5 : vector<16xf32>
      %convert_element_type3A_363 = arith.fptosi %sub3A_362 : vector<16xf32> to vector<16xi32>
      %mul3A_364 = arith.mulf %gather3A_286, %broadcast_in_dim3A_359 : vector<16xf32>
      %add3A_365 = arith.addf %mul3A_364, %broadcast_in_dim3A_5 : vector<16xf32>
      %sub3A_366 = arith.subf %add3A_365, %broadcast_in_dim3A_5 : vector<16xf32>
      %convert_element_type3A_367 = arith.fptosi %sub3A_366 : vector<16xf32> to vector<16xi32>
      %broadcast_in_dim3A_368 = arith.constant 4096 : i32
      %broadcast_in_dim3A_369 = vector.broadcast %broadcast_in_dim3A_368 : i32 to vector<16xi32>
      %mul3A_370 = arith.muli %gather3A_287, %broadcast_in_dim3A_369 : vector<16xi32>
      %add3A_371 = arith.addi %convert_element_type3A_363, %sub3A : vector<16xi32>
      %max3A_372 = arith.maxsi %add3A_371, %broadcast_in_dim3A_7 : vector<16xi32>
      %broadcast_in_dim3A_373 = arith.constant 63 : i32
      %broadcast_in_dim3A_374 = vector.broadcast %broadcast_in_dim3A_373 : i32 to vector<16xi32>
      %min3A_375 = arith.minsi %max3A_372, %broadcast_in_dim3A_374 : vector<16xi32>
      %add3A_376 = arith.addi %convert_element_type3A_367, %sub3A_21 : vector<16xi32>
      %max3A_377 = arith.maxsi %add3A_376, %broadcast_in_dim3A_7 : vector<16xi32>
      %broadcast_in_dim3A_378 = arith.constant 63 : i32
      %broadcast_in_dim3A_379 = vector.broadcast %broadcast_in_dim3A_378 : i32 to vector<16xi32>
      %min3A_380 = arith.minsi %max3A_377, %broadcast_in_dim3A_379 : vector<16xi32>
      %broadcast_in_dim3A_381 = arith.constant 64 : i32
      %broadcast_in_dim3A_382 = vector.broadcast %broadcast_in_dim3A_381 : i32 to vector<16xi32>
      %mul3A_383 = arith.muli %min3A_375, %broadcast_in_dim3A_382 : vector<16xi32>
      %add3A_384 = arith.addi %mul3A_370, %mul3A_383 : vector<16xi32>
      %add3A_385 = arith.addi %add3A_384, %min3A_380 : vector<16xi32>
      tpu.vector_store_idx %arg12[%add3A_12], %add3A_385 masked %lt3A : memref<49xi32, #tpu.memory_space<vmem>>[vector<16xi32>], vector<16xi32>, vector<16xi1>
      %add3A_386 = arith.addi %convert_element_type3A_363, %sub3A_32 : vector<16xi32>
      %max3A_387 = arith.maxsi %add3A_386, %broadcast_in_dim3A_7 : vector<16xi32>
      %broadcast_in_dim3A_388 = arith.constant 63 : i32
      %broadcast_in_dim3A_389 = vector.broadcast %broadcast_in_dim3A_388 : i32 to vector<16xi32>
      %min3A_390 = arith.minsi %max3A_387, %broadcast_in_dim3A_389 : vector<16xi32>
      %add3A_391 = arith.addi %convert_element_type3A_367, %sub3A_38 : vector<16xi32>
      %max3A_392 = arith.maxsi %add3A_391, %broadcast_in_dim3A_7 : vector<16xi32>
      %broadcast_in_dim3A_393 = arith.constant 63 : i32
      %broadcast_in_dim3A_394 = vector.broadcast %broadcast_in_dim3A_393 : i32 to vector<16xi32>
      %min3A_395 = arith.minsi %max3A_392, %broadcast_in_dim3A_394 : vector<16xi32>
      %broadcast_in_dim3A_396 = arith.constant 64 : i32
      %broadcast_in_dim3A_397 = vector.broadcast %broadcast_in_dim3A_396 : i32 to vector<16xi32>
      %mul3A_398 = arith.muli %min3A_390, %broadcast_in_dim3A_397 : vector<16xi32>
      %add3A_399 = arith.addi %mul3A_370, %mul3A_398 : vector<16xi32>
      %add3A_400 = arith.addi %add3A_399, %min3A_395 : vector<16xi32>
      tpu.vector_store_idx %arg12[%add3A_26], %add3A_400 masked %lt3A_41 : memref<49xi32, #tpu.memory_space<vmem>>[vector<16xi32>], vector<16xi32>, vector<16xi1>
      %add3A_401 = arith.addi %convert_element_type3A_363, %sub3A_50 : vector<16xi32>
      %max3A_402 = arith.maxsi %add3A_401, %broadcast_in_dim3A_7 : vector<16xi32>
      %broadcast_in_dim3A_403 = arith.constant 63 : i32
      %broadcast_in_dim3A_404 = vector.broadcast %broadcast_in_dim3A_403 : i32 to vector<16xi32>
      %min3A_405 = arith.minsi %max3A_402, %broadcast_in_dim3A_404 : vector<16xi32>
      %add3A_406 = arith.addi %convert_element_type3A_367, %sub3A_56 : vector<16xi32>
      %max3A_407 = arith.maxsi %add3A_406, %broadcast_in_dim3A_7 : vector<16xi32>
      %broadcast_in_dim3A_408 = arith.constant 63 : i32
      %broadcast_in_dim3A_409 = vector.broadcast %broadcast_in_dim3A_408 : i32 to vector<16xi32>
      %min3A_410 = arith.minsi %max3A_407, %broadcast_in_dim3A_409 : vector<16xi32>
      %broadcast_in_dim3A_411 = arith.constant 64 : i32
      %broadcast_in_dim3A_412 = vector.broadcast %broadcast_in_dim3A_411 : i32 to vector<16xi32>
      %mul3A_413 = arith.muli %min3A_405, %broadcast_in_dim3A_412 : vector<16xi32>
      %add3A_414 = arith.addi %mul3A_370, %mul3A_413 : vector<16xi32>
      %add3A_415 = arith.addi %add3A_414, %min3A_410 : vector<16xi32>
      tpu.vector_store_idx %arg12[%add3A_44], %add3A_415 masked %lt3A_59 : memref<49xi32, #tpu.memory_space<vmem>>[vector<16xi32>], vector<16xi32>, vector<16xi1>
      %add3A_416 = arith.addi %convert_element_type3A_363, %sub3A_68 : vector<16xi32>
      %max3A_417 = arith.maxsi %add3A_416, %broadcast_in_dim3A_7 : vector<16xi32>
      %broadcast_in_dim3A_418 = arith.constant 63 : i32
      %broadcast_in_dim3A_419 = vector.broadcast %broadcast_in_dim3A_418 : i32 to vector<16xi32>
      %min3A_420 = arith.minsi %max3A_417, %broadcast_in_dim3A_419 : vector<16xi32>
      %add3A_421 = arith.addi %convert_element_type3A_367, %sub3A_74 : vector<16xi32>
      %max3A_422 = arith.maxsi %add3A_421, %broadcast_in_dim3A_7 : vector<16xi32>
      %broadcast_in_dim3A_423 = arith.constant 63 : i32
      %broadcast_in_dim3A_424 = vector.broadcast %broadcast_in_dim3A_423 : i32 to vector<16xi32>
      %min3A_425 = arith.minsi %max3A_422, %broadcast_in_dim3A_424 : vector<16xi32>
      %broadcast_in_dim3A_426 = arith.constant 64 : i32
      %broadcast_in_dim3A_427 = vector.broadcast %broadcast_in_dim3A_426 : i32 to vector<16xi32>
      %mul3A_428 = arith.muli %min3A_420, %broadcast_in_dim3A_427 : vector<16xi32>
      %add3A_429 = arith.addi %mul3A_370, %mul3A_428 : vector<16xi32>
      %add3A_430 = arith.addi %add3A_429, %min3A_425 : vector<16xi32>
      tpu.vector_store_idx %arg12[%add3A_62], %add3A_430 masked %lt3A_77 : memref<49xi32, #tpu.memory_space<vmem>>[vector<16xi32>], vector<16xi32>, vector<16xi1>
      %broadcast_in_dim3A_431 = arith.constant 6.250000e-02 : f32
      %broadcast_in_dim3A_432 = vector.broadcast %broadcast_in_dim3A_431 : f32 to vector<16xf32>
      %mul3A_433 = arith.mulf %gather3A, %broadcast_in_dim3A_432 : vector<16xf32>
      %add3A_434 = arith.addf %mul3A_433, %broadcast_in_dim3A_5 : vector<16xf32>
      %sub3A_435 = arith.subf %add3A_434, %broadcast_in_dim3A_5 : vector<16xf32>
      %convert_element_type3A_436 = arith.fptosi %sub3A_435 : vector<16xf32> to vector<16xi32>
      %mul3A_437 = arith.mulf %gather3A_286, %broadcast_in_dim3A_432 : vector<16xf32>
      %add3A_438 = arith.addf %mul3A_437, %broadcast_in_dim3A_5 : vector<16xf32>
      %sub3A_439 = arith.subf %add3A_438, %broadcast_in_dim3A_5 : vector<16xf32>
      %convert_element_type3A_440 = arith.fptosi %sub3A_439 : vector<16xf32> to vector<16xi32>
      %broadcast_in_dim3A_441 = arith.constant 1024 : i32
      %broadcast_in_dim3A_442 = vector.broadcast %broadcast_in_dim3A_441 : i32 to vector<16xi32>
      %mul3A_443 = arith.muli %gather3A_287, %broadcast_in_dim3A_442 : vector<16xi32>
      %add3A_444 = arith.addi %convert_element_type3A_436, %sub3A : vector<16xi32>
      %max3A_445 = arith.maxsi %add3A_444, %broadcast_in_dim3A_7 : vector<16xi32>
      %broadcast_in_dim3A_446 = arith.constant 31 : i32
      %broadcast_in_dim3A_447 = vector.broadcast %broadcast_in_dim3A_446 : i32 to vector<16xi32>
      %min3A_448 = arith.minsi %max3A_445, %broadcast_in_dim3A_447 : vector<16xi32>
      %add3A_449 = arith.addi %convert_element_type3A_440, %sub3A_21 : vector<16xi32>
      %max3A_450 = arith.maxsi %add3A_449, %broadcast_in_dim3A_7 : vector<16xi32>
      %broadcast_in_dim3A_451 = arith.constant 31 : i32
      %broadcast_in_dim3A_452 = vector.broadcast %broadcast_in_dim3A_451 : i32 to vector<16xi32>
      %min3A_453 = arith.minsi %max3A_450, %broadcast_in_dim3A_452 : vector<16xi32>
      %broadcast_in_dim3A_454 = arith.constant 32 : i32
      %broadcast_in_dim3A_455 = vector.broadcast %broadcast_in_dim3A_454 : i32 to vector<16xi32>
      %mul3A_456 = arith.muli %min3A_448, %broadcast_in_dim3A_455 : vector<16xi32>
      %add3A_457 = arith.addi %mul3A_443, %mul3A_456 : vector<16xi32>
      %add3A_458 = arith.addi %add3A_457, %min3A_453 : vector<16xi32>
      tpu.vector_store_idx %arg13[%add3A_12], %add3A_458 masked %lt3A : memref<49xi32, #tpu.memory_space<vmem>>[vector<16xi32>], vector<16xi32>, vector<16xi1>
      %add3A_459 = arith.addi %convert_element_type3A_436, %sub3A_32 : vector<16xi32>
      %max3A_460 = arith.maxsi %add3A_459, %broadcast_in_dim3A_7 : vector<16xi32>
      %broadcast_in_dim3A_461 = arith.constant 31 : i32
      %broadcast_in_dim3A_462 = vector.broadcast %broadcast_in_dim3A_461 : i32 to vector<16xi32>
      %min3A_463 = arith.minsi %max3A_460, %broadcast_in_dim3A_462 : vector<16xi32>
      %add3A_464 = arith.addi %convert_element_type3A_440, %sub3A_38 : vector<16xi32>
      %max3A_465 = arith.maxsi %add3A_464, %broadcast_in_dim3A_7 : vector<16xi32>
      %broadcast_in_dim3A_466 = arith.constant 31 : i32
      %broadcast_in_dim3A_467 = vector.broadcast %broadcast_in_dim3A_466 : i32 to vector<16xi32>
      %min3A_468 = arith.minsi %max3A_465, %broadcast_in_dim3A_467 : vector<16xi32>
      %broadcast_in_dim3A_469 = arith.constant 32 : i32
      %broadcast_in_dim3A_470 = vector.broadcast %broadcast_in_dim3A_469 : i32 to vector<16xi32>
      %mul3A_471 = arith.muli %min3A_463, %broadcast_in_dim3A_470 : vector<16xi32>
      %add3A_472 = arith.addi %mul3A_443, %mul3A_471 : vector<16xi32>
      %add3A_473 = arith.addi %add3A_472, %min3A_468 : vector<16xi32>
      tpu.vector_store_idx %arg13[%add3A_26], %add3A_473 masked %lt3A_41 : memref<49xi32, #tpu.memory_space<vmem>>[vector<16xi32>], vector<16xi32>, vector<16xi1>
      %add3A_474 = arith.addi %convert_element_type3A_436, %sub3A_50 : vector<16xi32>
      %max3A_475 = arith.maxsi %add3A_474, %broadcast_in_dim3A_7 : vector<16xi32>
      %broadcast_in_dim3A_476 = arith.constant 31 : i32
      %broadcast_in_dim3A_477 = vector.broadcast %broadcast_in_dim3A_476 : i32 to vector<16xi32>
      %min3A_478 = arith.minsi %max3A_475, %broadcast_in_dim3A_477 : vector<16xi32>
      %add3A_479 = arith.addi %convert_element_type3A_440, %sub3A_56 : vector<16xi32>
      %max3A_480 = arith.maxsi %add3A_479, %broadcast_in_dim3A_7 : vector<16xi32>
      %broadcast_in_dim3A_481 = arith.constant 31 : i32
      %broadcast_in_dim3A_482 = vector.broadcast %broadcast_in_dim3A_481 : i32 to vector<16xi32>
      %min3A_483 = arith.minsi %max3A_480, %broadcast_in_dim3A_482 : vector<16xi32>
      %broadcast_in_dim3A_484 = arith.constant 32 : i32
      %broadcast_in_dim3A_485 = vector.broadcast %broadcast_in_dim3A_484 : i32 to vector<16xi32>
      %mul3A_486 = arith.muli %min3A_478, %broadcast_in_dim3A_485 : vector<16xi32>
      %add3A_487 = arith.addi %mul3A_443, %mul3A_486 : vector<16xi32>
      %add3A_488 = arith.addi %add3A_487, %min3A_483 : vector<16xi32>
      tpu.vector_store_idx %arg13[%add3A_44], %add3A_488 masked %lt3A_59 : memref<49xi32, #tpu.memory_space<vmem>>[vector<16xi32>], vector<16xi32>, vector<16xi1>
      %add3A_489 = arith.addi %convert_element_type3A_436, %sub3A_68 : vector<16xi32>
      %max3A_490 = arith.maxsi %add3A_489, %broadcast_in_dim3A_7 : vector<16xi32>
      %broadcast_in_dim3A_491 = arith.constant 31 : i32
      %broadcast_in_dim3A_492 = vector.broadcast %broadcast_in_dim3A_491 : i32 to vector<16xi32>
      %min3A_493 = arith.minsi %max3A_490, %broadcast_in_dim3A_492 : vector<16xi32>
      %add3A_494 = arith.addi %convert_element_type3A_440, %sub3A_74 : vector<16xi32>
      %max3A_495 = arith.maxsi %add3A_494, %broadcast_in_dim3A_7 : vector<16xi32>
      %broadcast_in_dim3A_496 = arith.constant 31 : i32
      %broadcast_in_dim3A_497 = vector.broadcast %broadcast_in_dim3A_496 : i32 to vector<16xi32>
      %min3A_498 = arith.minsi %max3A_495, %broadcast_in_dim3A_497 : vector<16xi32>
      %broadcast_in_dim3A_499 = arith.constant 32 : i32
      %broadcast_in_dim3A_500 = vector.broadcast %broadcast_in_dim3A_499 : i32 to vector<16xi32>
      %mul3A_501 = arith.muli %min3A_493, %broadcast_in_dim3A_500 : vector<16xi32>
      %add3A_502 = arith.addi %mul3A_443, %mul3A_501 : vector<16xi32>
      %add3A_503 = arith.addi %add3A_502, %min3A_498 : vector<16xi32>
      tpu.vector_store_idx %arg13[%add3A_62], %add3A_503 masked %lt3A_77 : memref<49xi32, #tpu.memory_space<vmem>>[vector<16xi32>], vector<16xi32>, vector<16xi1>
      %dma_start3A = arith.constant 0 : i32
      %dma_start3A_504 = arith.constant 0 : i32
      %dma_start3A_505 = tpu.memref_slice %arg2[%dma_start3A, %dma_start3A_504] : memref<131072x128xf32, #tpu.memory_space<hbm>> -> memref<131072x128xf32, #tpu.memory_space<hbm>>
      tpu.enqueue_indirect_dma source(%dma_start3A_505 : memref<131072x128xf32, #tpu.memory_space<hbm>>) target(%arg14 : memref<49x128xf32, #tpu.memory_space<vmem>>) offsets(%arg11 : memref<49xi32, #tpu.memory_space<vmem>>) semaphore(%arg18 : memref<!tpu.dma_semaphore, #tpu.memory_space<semaphore_mem>>)
      %dma_start3A_506 = arith.constant 0 : i32
      %dma_start3A_507 = arith.constant 0 : i32
      %dma_start3A_508 = tpu.memref_slice %arg3[%dma_start3A_506, %dma_start3A_507] : memref<32768x128xf32, #tpu.memory_space<hbm>> -> memref<32768x128xf32, #tpu.memory_space<hbm>>
      tpu.enqueue_indirect_dma source(%dma_start3A_508 : memref<32768x128xf32, #tpu.memory_space<hbm>>) target(%arg15 : memref<49x128xf32, #tpu.memory_space<vmem>>) offsets(%arg12 : memref<49xi32, #tpu.memory_space<vmem>>) semaphore(%arg18 : memref<!tpu.dma_semaphore, #tpu.memory_space<semaphore_mem>>)
      %dma_start3A_509 = arith.constant 0 : i32
      %dma_start3A_510 = arith.constant 0 : i32
      %dma_start3A_511 = tpu.memref_slice %arg4[%dma_start3A_509, %dma_start3A_510] : memref<8192x128xf32, #tpu.memory_space<hbm>> -> memref<8192x128xf32, #tpu.memory_space<hbm>>
      tpu.enqueue_indirect_dma source(%dma_start3A_511 : memref<8192x128xf32, #tpu.memory_space<hbm>>) target(%arg16 : memref<49x128xf32, #tpu.memory_space<vmem>>) offsets(%arg13 : memref<49xi32, #tpu.memory_space<vmem>>) semaphore(%arg18 : memref<!tpu.dma_semaphore, #tpu.memory_space<semaphore_mem>>)
      %dma_start3A_512 = arith.constant 0 : i32
      %dma_start3A_513 = arith.constant 0 : i32
      %dma_start3A_514 = tpu.memref_slice %arg5[%dma_start3A_512, %dma_start3A_513] : memref<8192x128xf32, #tpu.memory_space<hbm>> -> memref<8192x128xf32, #tpu.memory_space<hbm>>
      tpu.enqueue_indirect_dma source(%dma_start3A_514 : memref<8192x128xf32, #tpu.memory_space<hbm>>) target(%arg17 : memref<49x128xf32, #tpu.memory_space<vmem>>) offsets(%arg13 : memref<49xi32, #tpu.memory_space<vmem>>) semaphore(%arg18 : memref<!tpu.dma_semaphore, #tpu.memory_space<semaphore_mem>>)
      %add3A_515 = arith.constant 1 : i32
      %add3A_516 = arith.addi %mul3A_277, %add3A_515 : i32
      %broadcast_in_dim3A_517 = vector.broadcast %add3A_516 : i32 to vector<16xi32>
      %mul3A_518 = arith.constant 2 : i32
      %mul3A_519 = vector.broadcast %mul3A_518 : i32 to vector<16xi32>
      %mul3A_520 = arith.muli %broadcast_in_dim3A_517, %mul3A_519 : vector<16xi32>
      %gather3A_521 = tpu.vector_load_idx %arg9[%mul3A_520] : memref<128xf32, #tpu.memory_space<vmem>>[vector<16xi32>], vector<16xf32>,
      %mul3A_522 = arith.constant 2 : i32
      %mul3A_523 = vector.broadcast %mul3A_522 : i32 to vector<16xi32>
      %mul3A_524 = arith.muli %broadcast_in_dim3A_517, %mul3A_523 : vector<16xi32>
      %add3A_525 = arith.addi %mul3A_524, %broadcast_in_dim3A_9 : vector<16xi32>
      %gather3A_526 = tpu.vector_load_idx %arg9[%add3A_525] : memref<128xf32, #tpu.memory_space<vmem>>[vector<16xi32>], vector<16xf32>,
      %gather3A_527 = tpu.vector_load_idx %arg10[%broadcast_in_dim3A_517] : memref<64xi32, #tpu.memory_space<vmem>>[vector<16xi32>], vector<16xi32>,
      %broadcast_in_dim3A_528 = arith.constant 2.500000e-01 : f32
      %broadcast_in_dim3A_529 = vector.broadcast %broadcast_in_dim3A_528 : f32 to vector<16xf32>
      %mul3A_530 = arith.mulf %gather3A_521, %broadcast_in_dim3A_529 : vector<16xf32>
      %add3A_531 = arith.addf %mul3A_530, %broadcast_in_dim3A_5 : vector<16xf32>
      %sub3A_532 = arith.subf %add3A_531, %broadcast_in_dim3A_5 : vector<16xf32>
      %convert_element_type3A_533 = arith.fptosi %sub3A_532 : vector<16xf32> to vector<16xi32>
      %mul3A_534 = arith.mulf %gather3A_526, %broadcast_in_dim3A_529 : vector<16xf32>
      %add3A_535 = arith.addf %mul3A_534, %broadcast_in_dim3A_5 : vector<16xf32>
      %sub3A_536 = arith.subf %add3A_535, %broadcast_in_dim3A_5 : vector<16xf32>
      %convert_element_type3A_537 = arith.fptosi %sub3A_536 : vector<16xf32> to vector<16xi32>
      %broadcast_in_dim3A_538 = arith.constant 16384 : i32
      %broadcast_in_dim3A_539 = vector.broadcast %broadcast_in_dim3A_538 : i32 to vector<16xi32>
      %mul3A_540 = arith.muli %gather3A_527, %broadcast_in_dim3A_539 : vector<16xi32>
      %add3A_541 = arith.addi %convert_element_type3A_533, %sub3A : vector<16xi32>
      %max3A_542 = arith.maxsi %add3A_541, %broadcast_in_dim3A_7 : vector<16xi32>
      %broadcast_in_dim3A_543 = arith.constant 127 : i32
      %broadcast_in_dim3A_544 = vector.broadcast %broadcast_in_dim3A_543 : i32 to vector<16xi32>
      %min3A_545 = arith.minsi %max3A_542, %broadcast_in_dim3A_544 : vector<16xi32>
      %add3A_546 = arith.addi %convert_element_type3A_537, %sub3A_21 : vector<16xi32>
      %max3A_547 = arith.maxsi %add3A_546, %broadcast_in_dim3A_7 : vector<16xi32>
      %broadcast_in_dim3A_548 = arith.constant 127 : i32
      %broadcast_in_dim3A_549 = vector.broadcast %broadcast_in_dim3A_548 : i32 to vector<16xi32>
      %min3A_550 = arith.minsi %max3A_547, %broadcast_in_dim3A_549 : vector<16xi32>
      %broadcast_in_dim3A_551 = arith.constant 128 : i32
      %broadcast_in_dim3A_552 = vector.broadcast %broadcast_in_dim3A_551 : i32 to vector<16xi32>
      %mul3A_553 = arith.muli %min3A_545, %broadcast_in_dim3A_552 : vector<16xi32>
      %add3A_554 = arith.addi %mul3A_540, %mul3A_553 : vector<16xi32>
      %add3A_555 = arith.addi %add3A_554, %min3A_550 : vector<16xi32>
      tpu.vector_store_idx %arg19[%add3A_12], %add3A_555 masked %lt3A : memref<49xi32, #tpu.memory_space<vmem>>[vector<16xi32>], vector<16xi32>, vector<16xi1>
      %add3A_556 = arith.addi %convert_element_type3A_533, %sub3A_32 : vector<16xi32>
      %max3A_557 = arith.maxsi %add3A_556, %broadcast_in_dim3A_7 : vector<16xi32>
      %broadcast_in_dim3A_558 = arith.constant 127 : i32
      %broadcast_in_dim3A_559 = vector.broadcast %broadcast_in_dim3A_558 : i32 to vector<16xi32>
      %min3A_560 = arith.minsi %max3A_557, %broadcast_in_dim3A_559 : vector<16xi32>
      %add3A_561 = arith.addi %convert_element_type3A_537, %sub3A_38 : vector<16xi32>
      %max3A_562 = arith.maxsi %add3A_561, %broadcast_in_dim3A_7 : vector<16xi32>
      %broadcast_in_dim3A_563 = arith.constant 127 : i32
      %broadcast_in_dim3A_564 = vector.broadcast %broadcast_in_dim3A_563 : i32 to vector<16xi32>
      %min3A_565 = arith.minsi %max3A_562, %broadcast_in_dim3A_564 : vector<16xi32>
      %broadcast_in_dim3A_566 = arith.constant 128 : i32
      %broadcast_in_dim3A_567 = vector.broadcast %broadcast_in_dim3A_566 : i32 to vector<16xi32>
      %mul3A_568 = arith.muli %min3A_560, %broadcast_in_dim3A_567 : vector<16xi32>
      %add3A_569 = arith.addi %mul3A_540, %mul3A_568 : vector<16xi32>
      %add3A_570 = arith.addi %add3A_569, %min3A_565 : vector<16xi32>
      tpu.vector_store_idx %arg19[%add3A_26], %add3A_570 masked %lt3A_41 : memref<49xi32, #tpu.memory_space<vmem>>[vector<16xi32>], vector<16xi32>, vector<16xi1>
      %add3A_571 = arith.addi %convert_element_type3A_533, %sub3A_50 : vector<16xi32>
      %max3A_572 = arith.maxsi %add3A_571, %broadcast_in_dim3A_7 : vector<16xi32>
      %broadcast_in_dim3A_573 = arith.constant 127 : i32
      %broadcast_in_dim3A_574 = vector.broadcast %broadcast_in_dim3A_573 : i32 to vector<16xi32>
      %min3A_575 = arith.minsi %max3A_572, %broadcast_in_dim3A_574 : vector<16xi32>
      %add3A_576 = arith.addi %convert_element_type3A_537, %sub3A_56 : vector<16xi32>
      %max3A_577 = arith.maxsi %add3A_576, %broadcast_in_dim3A_7 : vector<16xi32>
      %broadcast_in_dim3A_578 = arith.constant 127 : i32
      %broadcast_in_dim3A_579 = vector.broadcast %broadcast_in_dim3A_578 : i32 to vector<16xi32>
      %min3A_580 = arith.minsi %max3A_577, %broadcast_in_dim3A_579 : vector<16xi32>
      %broadcast_in_dim3A_581 = arith.constant 128 : i32
      %broadcast_in_dim3A_582 = vector.broadcast %broadcast_in_dim3A_581 : i32 to vector<16xi32>
      %mul3A_583 = arith.muli %min3A_575, %broadcast_in_dim3A_582 : vector<16xi32>
      %add3A_584 = arith.addi %mul3A_540, %mul3A_583 : vector<16xi32>
      %add3A_585 = arith.addi %add3A_584, %min3A_580 : vector<16xi32>
      tpu.vector_store_idx %arg19[%add3A_44], %add3A_585 masked %lt3A_59 : memref<49xi32, #tpu.memory_space<vmem>>[vector<16xi32>], vector<16xi32>, vector<16xi1>
      %add3A_586 = arith.addi %convert_element_type3A_533, %sub3A_68 : vector<16xi32>
      %max3A_587 = arith.maxsi %add3A_586, %broadcast_in_dim3A_7 : vector<16xi32>
      %broadcast_in_dim3A_588 = arith.constant 127 : i32
      %broadcast_in_dim3A_589 = vector.broadcast %broadcast_in_dim3A_588 : i32 to vector<16xi32>
      %min3A_590 = arith.minsi %max3A_587, %broadcast_in_dim3A_589 : vector<16xi32>
      %add3A_591 = arith.addi %convert_element_type3A_537, %sub3A_74 : vector<16xi32>
      %max3A_592 = arith.maxsi %add3A_591, %broadcast_in_dim3A_7 : vector<16xi32>
      %broadcast_in_dim3A_593 = arith.constant 127 : i32
      %broadcast_in_dim3A_594 = vector.broadcast %broadcast_in_dim3A_593 : i32 to vector<16xi32>
      %min3A_595 = arith.minsi %max3A_592, %broadcast_in_dim3A_594 : vector<16xi32>
      %broadcast_in_dim3A_596 = arith.constant 128 : i32
      %broadcast_in_dim3A_597 = vector.broadcast %broadcast_in_dim3A_596 : i32 to vector<16xi32>
      %mul3A_598 = arith.muli %min3A_590, %broadcast_in_dim3A_597 : vector<16xi32>
      %add3A_599 = arith.addi %mul3A_540, %mul3A_598 : vector<16xi32>
      %add3A_600 = arith.addi %add3A_599, %min3A_595 : vector<16xi32>
      tpu.vector_store_idx %arg19[%add3A_62], %add3A_600 masked %lt3A_77 : memref<49xi32, #tpu.memory_space<vmem>>[vector<16xi32>], vector<16xi32>, vector<16xi1>
      %broadcast_in_dim3A_601 = arith.constant 1.250000e-01 : f32
      %broadcast_in_dim3A_602 = vector.broadcast %broadcast_in_dim3A_601 : f32 to vector<16xf32>
      %mul3A_603 = arith.mulf %gather3A_521, %broadcast_in_dim3A_602 : vector<16xf32>
      %add3A_604 = arith.addf %mul3A_603, %broadcast_in_dim3A_5 : vector<16xf32>
      %sub3A_605 = arith.subf %add3A_604, %broadcast_in_dim3A_5 : vector<16xf32>
      %convert_element_type3A_606 = arith.fptosi %sub3A_605 : vector<16xf32> to vector<16xi32>
      %mul3A_607 = arith.mulf %gather3A_526, %broadcast_in_dim3A_602 : vector<16xf32>
      %add3A_608 = arith.addf %mul3A_607, %broadcast_in_dim3A_5 : vector<16xf32>
      %sub3A_609 = arith.subf %add3A_608, %broadcast_in_dim3A_5 : vector<16xf32>
      %convert_element_type3A_610 = arith.fptosi %sub3A_609 : vector<16xf32> to vector<16xi32>
      %broadcast_in_dim3A_611 = arith.constant 4096 : i32
      %broadcast_in_dim3A_612 = vector.broadcast %broadcast_in_dim3A_611 : i32 to vector<16xi32>
      %mul3A_613 = arith.muli %gather3A_527, %broadcast_in_dim3A_612 : vector<16xi32>
      %add3A_614 = arith.addi %convert_element_type3A_606, %sub3A : vector<16xi32>
      %max3A_615 = arith.maxsi %add3A_614, %broadcast_in_dim3A_7 : vector<16xi32>
      %broadcast_in_dim3A_616 = arith.constant 63 : i32
      %broadcast_in_dim3A_617 = vector.broadcast %broadcast_in_dim3A_616 : i32 to vector<16xi32>
      %min3A_618 = arith.minsi %max3A_615, %broadcast_in_dim3A_617 : vector<16xi32>
      %add3A_619 = arith.addi %convert_element_type3A_610, %sub3A_21 : vector<16xi32>
      %max3A_620 = arith.maxsi %add3A_619, %broadcast_in_dim3A_7 : vector<16xi32>
      %broadcast_in_dim3A_621 = arith.constant 63 : i32
      %broadcast_in_dim3A_622 = vector.broadcast %broadcast_in_dim3A_621 : i32 to vector<16xi32>
      %min3A_623 = arith.minsi %max3A_620, %broadcast_in_dim3A_622 : vector<16xi32>
      %broadcast_in_dim3A_624 = arith.constant 64 : i32
      %broadcast_in_dim3A_625 = vector.broadcast %broadcast_in_dim3A_624 : i32 to vector<16xi32>
      %mul3A_626 = arith.muli %min3A_618, %broadcast_in_dim3A_625 : vector<16xi32>
      %add3A_627 = arith.addi %mul3A_613, %mul3A_626 : vector<16xi32>
      %add3A_628 = arith.addi %add3A_627, %min3A_623 : vector<16xi32>
      tpu.vector_store_idx %arg20[%add3A_12], %add3A_628 masked %lt3A : memref<49xi32, #tpu.memory_space<vmem>>[vector<16xi32>], vector<16xi32>, vector<16xi1>
      %add3A_629 = arith.addi %convert_element_type3A_606, %sub3A_32 : vector<16xi32>
      %max3A_630 = arith.maxsi %add3A_629, %broadcast_in_dim3A_7 : vector<16xi32>
      %broadcast_in_dim3A_631 = arith.constant 63 : i32
      %broadcast_in_dim3A_632 = vector.broadcast %broadcast_in_dim3A_631 : i32 to vector<16xi32>
      %min3A_633 = arith.minsi %max3A_630, %broadcast_in_dim3A_632 : vector<16xi32>
      %add3A_634 = arith.addi %convert_element_type3A_610, %sub3A_38 : vector<16xi32>
      %max3A_635 = arith.maxsi %add3A_634, %broadcast_in_dim3A_7 : vector<16xi32>
      %broadcast_in_dim3A_636 = arith.constant 63 : i32
      %broadcast_in_dim3A_637 = vector.broadcast %broadcast_in_dim3A_636 : i32 to vector<16xi32>
      %min3A_638 = arith.minsi %max3A_635, %broadcast_in_dim3A_637 : vector<16xi32>
      %broadcast_in_dim3A_639 = arith.constant 64 : i32
      %broadcast_in_dim3A_640 = vector.broadcast %broadcast_in_dim3A_639 : i32 to vector<16xi32>
      %mul3A_641 = arith.muli %min3A_633, %broadcast_in_dim3A_640 : vector<16xi32>
      %add3A_642 = arith.addi %mul3A_613, %mul3A_641 : vector<16xi32>
      %add3A_643 = arith.addi %add3A_642, %min3A_638 : vector<16xi32>
      tpu.vector_store_idx %arg20[%add3A_26], %add3A_643 masked %lt3A_41 : memref<49xi32, #tpu.memory_space<vmem>>[vector<16xi32>], vector<16xi32>, vector<16xi1>
      %add3A_644 = arith.addi %convert_element_type3A_606, %sub3A_50 : vector<16xi32>
      %max3A_645 = arith.maxsi %add3A_644, %broadcast_in_dim3A_7 : vector<16xi32>
      %broadcast_in_dim3A_646 = arith.constant 63 : i32
      %broadcast_in_dim3A_647 = vector.broadcast %broadcast_in_dim3A_646 : i32 to vector<16xi32>
      %min3A_648 = arith.minsi %max3A_645, %broadcast_in_dim3A_647 : vector<16xi32>
      %add3A_649 = arith.addi %convert_element_type3A_610, %sub3A_56 : vector<16xi32>
      %max3A_650 = arith.maxsi %add3A_649, %broadcast_in_dim3A_7 : vector<16xi32>
      %broadcast_in_dim3A_651 = arith.constant 63 : i32
      %broadcast_in_dim3A_652 = vector.broadcast %broadcast_in_dim3A_651 : i32 to vector<16xi32>
      %min3A_653 = arith.minsi %max3A_650, %broadcast_in_dim3A_652 : vector<16xi32>
      %broadcast_in_dim3A_654 = arith.constant 64 : i32
      %broadcast_in_dim3A_655 = vector.broadcast %broadcast_in_dim3A_654 : i32 to vector<16xi32>
      %mul3A_656 = arith.muli %min3A_648, %broadcast_in_dim3A_655 : vector<16xi32>
      %add3A_657 = arith.addi %mul3A_613, %mul3A_656 : vector<16xi32>
      %add3A_658 = arith.addi %add3A_657, %min3A_653 : vector<16xi32>
      tpu.vector_store_idx %arg20[%add3A_44], %add3A_658 masked %lt3A_59 : memref<49xi32, #tpu.memory_space<vmem>>[vector<16xi32>], vector<16xi32>, vector<16xi1>
      %add3A_659 = arith.addi %convert_element_type3A_606, %sub3A_68 : vector<16xi32>
      %max3A_660 = arith.maxsi %add3A_659, %broadcast_in_dim3A_7 : vector<16xi32>
      %broadcast_in_dim3A_661 = arith.constant 63 : i32
      %broadcast_in_dim3A_662 = vector.broadcast %broadcast_in_dim3A_661 : i32 to vector<16xi32>
      %min3A_663 = arith.minsi %max3A_660, %broadcast_in_dim3A_662 : vector<16xi32>
      %add3A_664 = arith.addi %convert_element_type3A_610, %sub3A_74 : vector<16xi32>
      %max3A_665 = arith.maxsi %add3A_664, %broadcast_in_dim3A_7 : vector<16xi32>
      %broadcast_in_dim3A_666 = arith.constant 63 : i32
      %broadcast_in_dim3A_667 = vector.broadcast %broadcast_in_dim3A_666 : i32 to vector<16xi32>
      %min3A_668 = arith.minsi %max3A_665, %broadcast_in_dim3A_667 : vector<16xi32>
      %broadcast_in_dim3A_669 = arith.constant 64 : i32
      %broadcast_in_dim3A_670 = vector.broadcast %broadcast_in_dim3A_669 : i32 to vector<16xi32>
      %mul3A_671 = arith.muli %min3A_663, %broadcast_in_dim3A_670 : vector<16xi32>
      %add3A_672 = arith.addi %mul3A_613, %mul3A_671 : vector<16xi32>
      %add3A_673 = arith.addi %add3A_672, %min3A_668 : vector<16xi32>
      tpu.vector_store_idx %arg20[%add3A_62], %add3A_673 masked %lt3A_77 : memref<49xi32, #tpu.memory_space<vmem>>[vector<16xi32>], vector<16xi32>, vector<16xi1>
      %broadcast_in_dim3A_674 = arith.constant 6.250000e-02 : f32
      %broadcast_in_dim3A_675 = vector.broadcast %broadcast_in_dim3A_674 : f32 to vector<16xf32>
      %mul3A_676 = arith.mulf %gather3A_521, %broadcast_in_dim3A_675 : vector<16xf32>
      %add3A_677 = arith.addf %mul3A_676, %broadcast_in_dim3A_5 : vector<16xf32>
      %sub3A_678 = arith.subf %add3A_677, %broadcast_in_dim3A_5 : vector<16xf32>
      %convert_element_type3A_679 = arith.fptosi %sub3A_678 : vector<16xf32> to vector<16xi32>
      %mul3A_680 = arith.mulf %gather3A_526, %broadcast_in_dim3A_675 : vector<16xf32>
      %add3A_681 = arith.addf %mul3A_680, %broadcast_in_dim3A_5 : vector<16xf32>
      %sub3A_682 = arith.subf %add3A_681, %broadcast_in_dim3A_5 : vector<16xf32>
      %convert_element_type3A_683 = arith.fptosi %sub3A_682 : vector<16xf32> to vector<16xi32>
      %broadcast_in_dim3A_684 = arith.constant 1024 : i32
      %broadcast_in_dim3A_685 = vector.broadcast %broadcast_in_dim3A_684 : i32 to vector<16xi32>
      %mul3A_686 = arith.muli %gather3A_527, %broadcast_in_dim3A_685 : vector<16xi32>
      %add3A_687 = arith.addi %convert_element_type3A_679, %sub3A : vector<16xi32>
      %max3A_688 = arith.maxsi %add3A_687, %broadcast_in_dim3A_7 : vector<16xi32>
      %broadcast_in_dim3A_689 = arith.constant 31 : i32
      %broadcast_in_dim3A_690 = vector.broadcast %broadcast_in_dim3A_689 : i32 to vector<16xi32>
      %min3A_691 = arith.minsi %max3A_688, %broadcast_in_dim3A_690 : vector<16xi32>
      %add3A_692 = arith.addi %convert_element_type3A_683, %sub3A_21 : vector<16xi32>
      %max3A_693 = arith.maxsi %add3A_692, %broadcast_in_dim3A_7 : vector<16xi32>
      %broadcast_in_dim3A_694 = arith.constant 31 : i32
      %broadcast_in_dim3A_695 = vector.broadcast %broadcast_in_dim3A_694 : i32 to vector<16xi32>
      %min3A_696 = arith.minsi %max3A_693, %broadcast_in_dim3A_695 : vector<16xi32>
      %broadcast_in_dim3A_697 = arith.constant 32 : i32
      %broadcast_in_dim3A_698 = vector.broadcast %broadcast_in_dim3A_697 : i32 to vector<16xi32>
      %mul3A_699 = arith.muli %min3A_691, %broadcast_in_dim3A_698 : vector<16xi32>
      %add3A_700 = arith.addi %mul3A_686, %mul3A_699 : vector<16xi32>
      %add3A_701 = arith.addi %add3A_700, %min3A_696 : vector<16xi32>
      tpu.vector_store_idx %arg21[%add3A_12], %add3A_701 masked %lt3A : memref<49xi32, #tpu.memory_space<vmem>>[vector<16xi32>], vector<16xi32>, vector<16xi1>
      %add3A_702 = arith.addi %convert_element_type3A_679, %sub3A_32 : vector<16xi32>
      %max3A_703 = arith.maxsi %add3A_702, %broadcast_in_dim3A_7 : vector<16xi32>
      %broadcast_in_dim3A_704 = arith.constant 31 : i32
      %broadcast_in_dim3A_705 = vector.broadcast %broadcast_in_dim3A_704 : i32 to vector<16xi32>
      %min3A_706 = arith.minsi %max3A_703, %broadcast_in_dim3A_705 : vector<16xi32>
      %add3A_707 = arith.addi %convert_element_type3A_683, %sub3A_38 : vector<16xi32>
      %max3A_708 = arith.maxsi %add3A_707, %broadcast_in_dim3A_7 : vector<16xi32>
      %broadcast_in_dim3A_709 = arith.constant 31 : i32
      %broadcast_in_dim3A_710 = vector.broadcast %broadcast_in_dim3A_709 : i32 to vector<16xi32>
      %min3A_711 = arith.minsi %max3A_708, %broadcast_in_dim3A_710 : vector<16xi32>
      %broadcast_in_dim3A_712 = arith.constant 32 : i32
      %broadcast_in_dim3A_713 = vector.broadcast %broadcast_in_dim3A_712 : i32 to vector<16xi32>
      %mul3A_714 = arith.muli %min3A_706, %broadcast_in_dim3A_713 : vector<16xi32>
      %add3A_715 = arith.addi %mul3A_686, %mul3A_714 : vector<16xi32>
      %add3A_716 = arith.addi %add3A_715, %min3A_711 : vector<16xi32>
      tpu.vector_store_idx %arg21[%add3A_26], %add3A_716 masked %lt3A_41 : memref<49xi32, #tpu.memory_space<vmem>>[vector<16xi32>], vector<16xi32>, vector<16xi1>
      %add3A_717 = arith.addi %convert_element_type3A_679, %sub3A_50 : vector<16xi32>
      %max3A_718 = arith.maxsi %add3A_717, %broadcast_in_dim3A_7 : vector<16xi32>
      %broadcast_in_dim3A_719 = arith.constant 31 : i32
      %broadcast_in_dim3A_720 = vector.broadcast %broadcast_in_dim3A_719 : i32 to vector<16xi32>
      %min3A_721 = arith.minsi %max3A_718, %broadcast_in_dim3A_720 : vector<16xi32>
      %add3A_722 = arith.addi %convert_element_type3A_683, %sub3A_56 : vector<16xi32>
      %max3A_723 = arith.maxsi %add3A_722, %broadcast_in_dim3A_7 : vector<16xi32>
      %broadcast_in_dim3A_724 = arith.constant 31 : i32
      %broadcast_in_dim3A_725 = vector.broadcast %broadcast_in_dim3A_724 : i32 to vector<16xi32>
      %min3A_726 = arith.minsi %max3A_723, %broadcast_in_dim3A_725 : vector<16xi32>
      %broadcast_in_dim3A_727 = arith.constant 32 : i32
      %broadcast_in_dim3A_728 = vector.broadcast %broadcast_in_dim3A_727 : i32 to vector<16xi32>
      %mul3A_729 = arith.muli %min3A_721, %broadcast_in_dim3A_728 : vector<16xi32>
      %add3A_730 = arith.addi %mul3A_686, %mul3A_729 : vector<16xi32>
      %add3A_731 = arith.addi %add3A_730, %min3A_726 : vector<16xi32>
      tpu.vector_store_idx %arg21[%add3A_44], %add3A_731 masked %lt3A_59 : memref<49xi32, #tpu.memory_space<vmem>>[vector<16xi32>], vector<16xi32>, vector<16xi1>
      %add3A_732 = arith.addi %convert_element_type3A_679, %sub3A_68 : vector<16xi32>
      %max3A_733 = arith.maxsi %add3A_732, %broadcast_in_dim3A_7 : vector<16xi32>
      %broadcast_in_dim3A_734 = arith.constant 31 : i32
      %broadcast_in_dim3A_735 = vector.broadcast %broadcast_in_dim3A_734 : i32 to vector<16xi32>
      %min3A_736 = arith.minsi %max3A_733, %broadcast_in_dim3A_735 : vector<16xi32>
      %add3A_737 = arith.addi %convert_element_type3A_683, %sub3A_74 : vector<16xi32>
      %max3A_738 = arith.maxsi %add3A_737, %broadcast_in_dim3A_7 : vector<16xi32>
      %broadcast_in_dim3A_739 = arith.constant 31 : i32
      %broadcast_in_dim3A_740 = vector.broadcast %broadcast_in_dim3A_739 : i32 to vector<16xi32>
      %min3A_741 = arith.minsi %max3A_738, %broadcast_in_dim3A_740 : vector<16xi32>
      %broadcast_in_dim3A_742 = arith.constant 32 : i32
      %broadcast_in_dim3A_743 = vector.broadcast %broadcast_in_dim3A_742 : i32 to vector<16xi32>
      %mul3A_744 = arith.muli %min3A_736, %broadcast_in_dim3A_743 : vector<16xi32>
      %add3A_745 = arith.addi %mul3A_686, %mul3A_744 : vector<16xi32>
      %add3A_746 = arith.addi %add3A_745, %min3A_741 : vector<16xi32>
      tpu.vector_store_idx %arg21[%add3A_62], %add3A_746 masked %lt3A_77 : memref<49xi32, #tpu.memory_space<vmem>>[vector<16xi32>], vector<16xi32>, vector<16xi1>
      %dma_start3A_747 = arith.constant 0 : i32
      %dma_start3A_748 = arith.constant 0 : i32
      %dma_start3A_749 = tpu.memref_slice %arg2[%dma_start3A_747, %dma_start3A_748] : memref<131072x128xf32, #tpu.memory_space<hbm>> -> memref<131072x128xf32, #tpu.memory_space<hbm>>
      tpu.enqueue_indirect_dma source(%dma_start3A_749 : memref<131072x128xf32, #tpu.memory_space<hbm>>) target(%arg22 : memref<49x128xf32, #tpu.memory_space<vmem>>) offsets(%arg19 : memref<49xi32, #tpu.memory_space<vmem>>) semaphore(%arg26 : memref<!tpu.dma_semaphore, #tpu.memory_space<semaphore_mem>>)
      %dma_start3A_750 = arith.constant 0 : i32
      %dma_start3A_751 = arith.constant 0 : i32
      %dma_start3A_752 = tpu.memref_slice %arg3[%dma_start3A_750, %dma_start3A_751] : memref<32768x128xf32, #tpu.memory_space<hbm>> -> memref<32768x128xf32, #tpu.memory_space<hbm>>
      tpu.enqueue_indirect_dma source(%dma_start3A_752 : memref<32768x128xf32, #tpu.memory_space<hbm>>) target(%arg23 : memref<49x128xf32, #tpu.memory_space<vmem>>) offsets(%arg20 : memref<49xi32, #tpu.memory_space<vmem>>) semaphore(%arg26 : memref<!tpu.dma_semaphore, #tpu.memory_space<semaphore_mem>>)
      %dma_start3A_753 = arith.constant 0 : i32
      %dma_start3A_754 = arith.constant 0 : i32
      %dma_start3A_755 = tpu.memref_slice %arg4[%dma_start3A_753, %dma_start3A_754] : memref<8192x128xf32, #tpu.memory_space<hbm>> -> memref<8192x128xf32, #tpu.memory_space<hbm>>
      tpu.enqueue_indirect_dma source(%dma_start3A_755 : memref<8192x128xf32, #tpu.memory_space<hbm>>) target(%arg24 : memref<49x128xf32, #tpu.memory_space<vmem>>) offsets(%arg21 : memref<49xi32, #tpu.memory_space<vmem>>) semaphore(%arg26 : memref<!tpu.dma_semaphore, #tpu.memory_space<semaphore_mem>>)
      %dma_start3A_756 = arith.constant 0 : i32
      %dma_start3A_757 = arith.constant 0 : i32
      %dma_start3A_758 = tpu.memref_slice %arg5[%dma_start3A_756, %dma_start3A_757] : memref<8192x128xf32, #tpu.memory_space<hbm>> -> memref<8192x128xf32, #tpu.memory_space<hbm>>
      tpu.enqueue_indirect_dma source(%dma_start3A_758 : memref<8192x128xf32, #tpu.memory_space<hbm>>) target(%arg25 : memref<49x128xf32, #tpu.memory_space<vmem>>) offsets(%arg21 : memref<49xi32, #tpu.memory_space<vmem>>) semaphore(%arg26 : memref<!tpu.dma_semaphore, #tpu.memory_space<semaphore_mem>>)
      %dma_wait3A = arith.constant 0 : i32
      %dma_wait3A_759 = arith.constant 0 : i32
      %dma_wait3A_760 = tpu.memref_slice %arg2[%dma_wait3A, %dma_wait3A_759] : memref<131072x128xf32, #tpu.memory_space<hbm>> -> memref<131072x128xf32, #tpu.memory_space<hbm>>
      tpu.wait_indirect_dma semaphore(%arg18 : memref<!tpu.dma_semaphore, #tpu.memory_space<semaphore_mem>>) src(%dma_wait3A_760 : memref<131072x128xf32, #tpu.memory_space<hbm>>) dst(%arg14 : memref<49x128xf32, #tpu.memory_space<vmem>>)
      %dma_wait3A_761 = arith.constant 0 : i32
      %dma_wait3A_762 = arith.constant 0 : i32
      %dma_wait3A_763 = tpu.memref_slice %arg3[%dma_wait3A_761, %dma_wait3A_762] : memref<32768x128xf32, #tpu.memory_space<hbm>> -> memref<32768x128xf32, #tpu.memory_space<hbm>>
      tpu.wait_indirect_dma semaphore(%arg18 : memref<!tpu.dma_semaphore, #tpu.memory_space<semaphore_mem>>) src(%dma_wait3A_763 : memref<32768x128xf32, #tpu.memory_space<hbm>>) dst(%arg15 : memref<49x128xf32, #tpu.memory_space<vmem>>)
      %dma_wait3A_764 = arith.constant 0 : i32
      %dma_wait3A_765 = arith.constant 0 : i32
      %dma_wait3A_766 = tpu.memref_slice %arg4[%dma_wait3A_764, %dma_wait3A_765] : memref<8192x128xf32, #tpu.memory_space<hbm>> -> memref<8192x128xf32, #tpu.memory_space<hbm>>
      tpu.wait_indirect_dma semaphore(%arg18 : memref<!tpu.dma_semaphore, #tpu.memory_space<semaphore_mem>>) src(%dma_wait3A_766 : memref<8192x128xf32, #tpu.memory_space<hbm>>) dst(%arg16 : memref<49x128xf32, #tpu.memory_space<vmem>>)
      %dma_wait3A_767 = arith.constant 0 : i32
      %dma_wait3A_768 = arith.constant 0 : i32
      %dma_wait3A_769 = tpu.memref_slice %arg5[%dma_wait3A_767, %dma_wait3A_768] : memref<8192x128xf32, #tpu.memory_space<hbm>> -> memref<8192x128xf32, #tpu.memory_space<hbm>>
      tpu.wait_indirect_dma semaphore(%arg18 : memref<!tpu.dma_semaphore, #tpu.memory_space<semaphore_mem>>) src(%dma_wait3A_769 : memref<8192x128xf32, #tpu.memory_space<hbm>>) dst(%arg17 : memref<49x128xf32, #tpu.memory_space<vmem>>)
      %scan3A_770 = arith.constant 0 : i32
      %scan3A_771 = arith.constant 0 : i32
      %scan3A_772 = arith.constant 49 : i32
      %scan3A_773 = arith.addi %scan3A_771, %scan3A_772 : i32
      %scan3A_774 = arith.constant 1 : i32
      scf.for %scan3A_824 = %scan3A_771 to %scan3A_773 step %scan3A_774  : i32 {
        %broadcast_in_dim3A_825 = vector.broadcast %scan3A_824 : i32 to vector<16xi32>
        %gather3A_826 = tpu.vector_load_idx %arg14[%broadcast_in_dim3A_825, %add3A_80] : memref<49x128xf32, #tpu.memory_space<vmem>>[vector<16xi32>, vector<16xi32>], vector<16xf32>,
        %add3A_827 = arith.addi %mul3A_107, %broadcast_in_dim3A_825 : vector<16xi32>
        tpu.vector_store_idx %arg27[%add3A_827], %gather3A_826 : memref<21952xf32, #tpu.memory_space<vmem>>[vector<16xi32>], vector<16xf32>,
        %gather3A_828 = tpu.vector_load_idx %arg14[%broadcast_in_dim3A_825, %add3A_83] : memref<49x128xf32, #tpu.memory_space<vmem>>[vector<16xi32>, vector<16xi32>], vector<16xf32>,
        %add3A_829 = arith.addi %mul3A_113, %broadcast_in_dim3A_825 : vector<16xi32>
        tpu.vector_store_idx %arg27[%add3A_829], %gather3A_828 : memref<21952xf32, #tpu.memory_space<vmem>>[vector<16xi32>], vector<16xf32>,
        %gather3A_830 = tpu.vector_load_idx %arg14[%broadcast_in_dim3A_825, %add3A_86] : memref<49x128xf32, #tpu.memory_space<vmem>>[vector<16xi32>, vector<16xi32>], vector<16xf32>,
        %add3A_831 = arith.addi %mul3A_119, %broadcast_in_dim3A_825 : vector<16xi32>
        tpu.vector_store_idx %arg27[%add3A_831], %gather3A_830 : memref<21952xf32, #tpu.memory_space<vmem>>[vector<16xi32>], vector<16xf32>,
        %gather3A_832 = tpu.vector_load_idx %arg14[%broadcast_in_dim3A_825, %add3A_89] : memref<49x128xf32, #tpu.memory_space<vmem>>[vector<16xi32>, vector<16xi32>], vector<16xf32>,
        %add3A_833 = arith.addi %mul3A_125, %broadcast_in_dim3A_825 : vector<16xi32>
        tpu.vector_store_idx %arg27[%add3A_833], %gather3A_832 : memref<21952xf32, #tpu.memory_space<vmem>>[vector<16xi32>], vector<16xf32>,
        %gather3A_834 = tpu.vector_load_idx %arg15[%broadcast_in_dim3A_825, %add3A_80] : memref<49x128xf32, #tpu.memory_space<vmem>>[vector<16xi32>, vector<16xi32>], vector<16xf32>,
        %add3A_835 = arith.addi %mul3A_131, %broadcast_in_dim3A_825 : vector<16xi32>
        tpu.vector_store_idx %arg27[%add3A_835], %gather3A_834 : memref<21952xf32, #tpu.memory_space<vmem>>[vector<16xi32>], vector<16xf32>,
        %gather3A_836 = tpu.vector_load_idx %arg15[%broadcast_in_dim3A_825, %add3A_83] : memref<49x128xf32, #tpu.memory_space<vmem>>[vector<16xi32>, vector<16xi32>], vector<16xf32>,
        %add3A_837 = arith.addi %mul3A_137, %broadcast_in_dim3A_825 : vector<16xi32>
        tpu.vector_store_idx %arg27[%add3A_837], %gather3A_836 : memref<21952xf32, #tpu.memory_space<vmem>>[vector<16xi32>], vector<16xf32>,
        %gather3A_838 = tpu.vector_load_idx %arg15[%broadcast_in_dim3A_825, %add3A_86] : memref<49x128xf32, #tpu.memory_space<vmem>>[vector<16xi32>, vector<16xi32>], vector<16xf32>,
        %add3A_839 = arith.addi %mul3A_143, %broadcast_in_dim3A_825 : vector<16xi32>
        tpu.vector_store_idx %arg27[%add3A_839], %gather3A_838 : memref<21952xf32, #tpu.memory_space<vmem>>[vector<16xi32>], vector<16xf32>,
        %gather3A_840 = tpu.vector_load_idx %arg15[%broadcast_in_dim3A_825, %add3A_89] : memref<49x128xf32, #tpu.memory_space<vmem>>[vector<16xi32>, vector<16xi32>], vector<16xf32>,
        %add3A_841 = arith.addi %mul3A_149, %broadcast_in_dim3A_825 : vector<16xi32>
        tpu.vector_store_idx %arg27[%add3A_841], %gather3A_840 : memref<21952xf32, #tpu.memory_space<vmem>>[vector<16xi32>], vector<16xf32>,
        %gather3A_842 = tpu.vector_load_idx %arg15[%broadcast_in_dim3A_825, %add3A_92] : memref<49x128xf32, #tpu.memory_space<vmem>>[vector<16xi32>, vector<16xi32>], vector<16xf32>,
        %add3A_843 = arith.addi %mul3A_155, %broadcast_in_dim3A_825 : vector<16xi32>
        tpu.vector_store_idx %arg27[%add3A_843], %gather3A_842 : memref<21952xf32, #tpu.memory_space<vmem>>[vector<16xi32>], vector<16xf32>,
        %gather3A_844 = tpu.vector_load_idx %arg15[%broadcast_in_dim3A_825, %add3A_95] : memref<49x128xf32, #tpu.memory_space<vmem>>[vector<16xi32>, vector<16xi32>], vector<16xf32>,
        %add3A_845 = arith.addi %mul3A_161, %broadcast_in_dim3A_825 : vector<16xi32>
        tpu.vector_store_idx %arg27[%add3A_845], %gather3A_844 : memref<21952xf32, #tpu.memory_space<vmem>>[vector<16xi32>], vector<16xf32>,
        %gather3A_846 = tpu.vector_load_idx %arg15[%broadcast_in_dim3A_825, %add3A_98] : memref<49x128xf32, #tpu.memory_space<vmem>>[vector<16xi32>, vector<16xi32>], vector<16xf32>,
        %add3A_847 = arith.addi %mul3A_167, %broadcast_in_dim3A_825 : vector<16xi32>
        tpu.vector_store_idx %arg27[%add3A_847], %gather3A_846 : memref<21952xf32, #tpu.memory_space<vmem>>[vector<16xi32>], vector<16xf32>,
        %gather3A_848 = tpu.vector_load_idx %arg15[%broadcast_in_dim3A_825, %add3A_101] : memref<49x128xf32, #tpu.memory_space<vmem>>[vector<16xi32>, vector<16xi32>], vector<16xf32>,
        %add3A_849 = arith.addi %mul3A_173, %broadcast_in_dim3A_825 : vector<16xi32>
        tpu.vector_store_idx %arg27[%add3A_849], %gather3A_848 : memref<21952xf32, #tpu.memory_space<vmem>>[vector<16xi32>], vector<16xf32>,
        %gather3A_850 = tpu.vector_load_idx %arg16[%broadcast_in_dim3A_825, %add3A_80] : memref<49x128xf32, #tpu.memory_space<vmem>>[vector<16xi32>, vector<16xi32>], vector<16xf32>,
        %add3A_851 = arith.addi %mul3A_179, %broadcast_in_dim3A_825 : vector<16xi32>
        tpu.vector_store_idx %arg27[%add3A_851], %gather3A_850 : memref<21952xf32, #tpu.memory_space<vmem>>[vector<16xi32>], vector<16xf32>,
        %gather3A_852 = tpu.vector_load_idx %arg16[%broadcast_in_dim3A_825, %add3A_83] : memref<49x128xf32, #tpu.memory_space<vmem>>[vector<16xi32>, vector<16xi32>], vector<16xf32>,
        %add3A_853 = arith.addi %mul3A_185, %broadcast_in_dim3A_825 : vector<16xi32>
        tpu.vector_store_idx %arg27[%add3A_853], %gather3A_852 : memref<21952xf32, #tpu.memory_space<vmem>>[vector<16xi32>], vector<16xf32>,
        %gather3A_854 = tpu.vector_load_idx %arg16[%broadcast_in_dim3A_825, %add3A_86] : memref<49x128xf32, #tpu.memory_space<vmem>>[vector<16xi32>, vector<16xi32>], vector<16xf32>,
        %add3A_855 = arith.addi %mul3A_191, %broadcast_in_dim3A_825 : vector<16xi32>
        tpu.vector_store_idx %arg27[%add3A_855], %gather3A_854 : memref<21952xf32, #tpu.memory_space<vmem>>[vector<16xi32>], vector<16xf32>,
        %gather3A_856 = tpu.vector_load_idx %arg16[%broadcast_in_dim3A_825, %add3A_89] : memref<49x128xf32, #tpu.memory_space<vmem>>[vector<16xi32>, vector<16xi32>], vector<16xf32>,
        %add3A_857 = arith.addi %mul3A_197, %broadcast_in_dim3A_825 : vector<16xi32>
        tpu.vector_store_idx %arg27[%add3A_857], %gather3A_856 : memref<21952xf32, #tpu.memory_space<vmem>>[vector<16xi32>], vector<16xf32>,
        %gather3A_858 = tpu.vector_load_idx %arg16[%broadcast_in_dim3A_825, %add3A_92] : memref<49x128xf32, #tpu.memory_space<vmem>>[vector<16xi32>, vector<16xi32>], vector<16xf32>,
        %add3A_859 = arith.addi %mul3A_203, %broadcast_in_dim3A_825 : vector<16xi32>
        tpu.vector_store_idx %arg27[%add3A_859], %gather3A_858 : memref<21952xf32, #tpu.memory_space<vmem>>[vector<16xi32>], vector<16xf32>,
        %gather3A_860 = tpu.vector_load_idx %arg16[%broadcast_in_dim3A_825, %add3A_95] : memref<49x128xf32, #tpu.memory_space<vmem>>[vector<16xi32>, vector<16xi32>], vector<16xf32>,
        %add3A_861 = arith.addi %mul3A_209, %broadcast_in_dim3A_825 : vector<16xi32>
        tpu.vector_store_idx %arg27[%add3A_861], %gather3A_860 : memref<21952xf32, #tpu.memory_space<vmem>>[vector<16xi32>], vector<16xf32>,
        %gather3A_862 = tpu.vector_load_idx %arg16[%broadcast_in_dim3A_825, %add3A_98] : memref<49x128xf32, #tpu.memory_space<vmem>>[vector<16xi32>, vector<16xi32>], vector<16xf32>,
        %add3A_863 = arith.addi %mul3A_215, %broadcast_in_dim3A_825 : vector<16xi32>
        tpu.vector_store_idx %arg27[%add3A_863], %gather3A_862 : memref<21952xf32, #tpu.memory_space<vmem>>[vector<16xi32>], vector<16xf32>,
        %gather3A_864 = tpu.vector_load_idx %arg16[%broadcast_in_dim3A_825, %add3A_101] : memref<49x128xf32, #tpu.memory_space<vmem>>[vector<16xi32>, vector<16xi32>], vector<16xf32>,
        %add3A_865 = arith.addi %mul3A_221, %broadcast_in_dim3A_825 : vector<16xi32>
        tpu.vector_store_idx %arg27[%add3A_865], %gather3A_864 : memref<21952xf32, #tpu.memory_space<vmem>>[vector<16xi32>], vector<16xf32>,
        %gather3A_866 = tpu.vector_load_idx %arg17[%broadcast_in_dim3A_825, %add3A_80] : memref<49x128xf32, #tpu.memory_space<vmem>>[vector<16xi32>, vector<16xi32>], vector<16xf32>,
        %add3A_867 = arith.addi %mul3A_227, %broadcast_in_dim3A_825 : vector<16xi32>
        tpu.vector_store_idx %arg27[%add3A_867], %gather3A_866 : memref<21952xf32, #tpu.memory_space<vmem>>[vector<16xi32>], vector<16xf32>,
        %gather3A_868 = tpu.vector_load_idx %arg17[%broadcast_in_dim3A_825, %add3A_83] : memref<49x128xf32, #tpu.memory_space<vmem>>[vector<16xi32>, vector<16xi32>], vector<16xf32>,
        %add3A_869 = arith.addi %mul3A_233, %broadcast_in_dim3A_825 : vector<16xi32>
        tpu.vector_store_idx %arg27[%add3A_869], %gather3A_868 : memref<21952xf32, #tpu.memory_space<vmem>>[vector<16xi32>], vector<16xf32>,
        %gather3A_870 = tpu.vector_load_idx %arg17[%broadcast_in_dim3A_825, %add3A_86] : memref<49x128xf32, #tpu.memory_space<vmem>>[vector<16xi32>, vector<16xi32>], vector<16xf32>,
        %add3A_871 = arith.addi %mul3A_239, %broadcast_in_dim3A_825 : vector<16xi32>
        tpu.vector_store_idx %arg27[%add3A_871], %gather3A_870 : memref<21952xf32, #tpu.memory_space<vmem>>[vector<16xi32>], vector<16xf32>,
        %gather3A_872 = tpu.vector_load_idx %arg17[%broadcast_in_dim3A_825, %add3A_89] : memref<49x128xf32, #tpu.memory_space<vmem>>[vector<16xi32>, vector<16xi32>], vector<16xf32>,
        %add3A_873 = arith.addi %mul3A_245, %broadcast_in_dim3A_825 : vector<16xi32>
        tpu.vector_store_idx %arg27[%add3A_873], %gather3A_872 : memref<21952xf32, #tpu.memory_space<vmem>>[vector<16xi32>], vector<16xf32>,
        %gather3A_874 = tpu.vector_load_idx %arg17[%broadcast_in_dim3A_825, %add3A_92] : memref<49x128xf32, #tpu.memory_space<vmem>>[vector<16xi32>, vector<16xi32>], vector<16xf32>,
        %add3A_875 = arith.addi %mul3A_251, %broadcast_in_dim3A_825 : vector<16xi32>
        tpu.vector_store_idx %arg27[%add3A_875], %gather3A_874 : memref<21952xf32, #tpu.memory_space<vmem>>[vector<16xi32>], vector<16xf32>,
        %gather3A_876 = tpu.vector_load_idx %arg17[%broadcast_in_dim3A_825, %add3A_95] : memref<49x128xf32, #tpu.memory_space<vmem>>[vector<16xi32>, vector<16xi32>], vector<16xf32>,
        %add3A_877 = arith.addi %mul3A_257, %broadcast_in_dim3A_825 : vector<16xi32>
        tpu.vector_store_idx %arg27[%add3A_877], %gather3A_876 : memref<21952xf32, #tpu.memory_space<vmem>>[vector<16xi32>], vector<16xf32>,
        %gather3A_878 = tpu.vector_load_idx %arg17[%broadcast_in_dim3A_825, %add3A_98] : memref<49x128xf32, #tpu.memory_space<vmem>>[vector<16xi32>, vector<16xi32>], vector<16xf32>,
        %add3A_879 = arith.addi %mul3A_263, %broadcast_in_dim3A_825 : vector<16xi32>
        tpu.vector_store_idx %arg27[%add3A_879], %gather3A_878 : memref<21952xf32, #tpu.memory_space<vmem>>[vector<16xi32>], vector<16xf32>,
        %gather3A_880 = tpu.vector_load_idx %arg17[%broadcast_in_dim3A_825, %add3A_101] : memref<49x128xf32, #tpu.memory_space<vmem>>[vector<16xi32>, vector<16xi32>], vector<16xf32>,
        %add3A_881 = arith.addi %mul3A_269, %broadcast_in_dim3A_825 : vector<16xi32>
        tpu.vector_store_idx %arg27[%add3A_881], %gather3A_880 : memref<21952xf32, #tpu.memory_space<vmem>>[vector<16xi32>], vector<16xf32>,
      }
      %scan3A_775 = arith.constant 49 : i32
      %add3A_776 = arith.addi %mul3A_2, %mul3A_277 : i32
      %add3A_777 = arith.constant 0 : i32
      %add3A_778 = arith.addi %add3A_776, %add3A_777 : i32
      %dma_start3A_779 = arith.constant 0 : i32
      %dma_start3A_780 = tpu.memref_slice %arg8[%add3A_778, %dma_start3A_779] : memref<2048x21952xf32, #tpu.memory_space<hbm>> -> memref<1x21952xf32, #tpu.memory_space<hbm>>
      %dma_start3A_781 = tpu.memref_squeeze %dma_start3A_780 : memref<1x21952xf32, #tpu.memory_space<hbm>> -> memref<21952xf32, #tpu.memory_space<hbm>>
      %dma_start3A_782 = arith.constant 0 : i32
      %dma_start3A_783 = tpu.memref_slice %arg8[%add3A_778, %dma_start3A_782] : memref<2048x21952xf32, #tpu.memory_space<hbm>> -> memref<1x21952xf32, #tpu.memory_space<hbm>>
      %dma_start3A_784 = tpu.memref_squeeze %dma_start3A_783 : memref<1x21952xf32, #tpu.memory_space<hbm>> -> memref<21952xf32, #tpu.memory_space<hbm>>
      tpu.enqueue_dma source(%arg27 : memref<21952xf32, #tpu.memory_space<vmem>>) target(%dma_start3A_784 : memref<21952xf32, #tpu.memory_space<hbm>>) target_semaphore(%arg28 : memref<!tpu.dma_semaphore, #tpu.memory_space<semaphore_mem>>)
      %dma_wait3A_785 = arith.constant 0 : i32
      %dma_wait3A_786 = arith.constant 0 : i32
      %dma_wait3A_787 = tpu.memref_slice %arg2[%dma_wait3A_785, %dma_wait3A_786] : memref<131072x128xf32, #tpu.memory_space<hbm>> -> memref<131072x128xf32, #tpu.memory_space<hbm>>
      tpu.wait_indirect_dma semaphore(%arg26 : memref<!tpu.dma_semaphore, #tpu.memory_space<semaphore_mem>>) src(%dma_wait3A_787 : memref<131072x128xf32, #tpu.memory_space<hbm>>) dst(%arg22 : memref<49x128xf32, #tpu.memory_space<vmem>>)
      %dma_wait3A_788 = arith.constant 0 : i32
      %dma_wait3A_789 = arith.constant 0 : i32
      %dma_wait3A_790 = tpu.memref_slice %arg3[%dma_wait3A_788, %dma_wait3A_789] : memref<32768x128xf32, #tpu.memory_space<hbm>> -> memref<32768x128xf32, #tpu.memory_space<hbm>>
      tpu.wait_indirect_dma semaphore(%arg26 : memref<!tpu.dma_semaphore, #tpu.memory_space<semaphore_mem>>) src(%dma_wait3A_790 : memref<32768x128xf32, #tpu.memory_space<hbm>>) dst(%arg23 : memref<49x128xf32, #tpu.memory_space<vmem>>)
      %dma_wait3A_791 = arith.constant 0 : i32
      %dma_wait3A_792 = arith.constant 0 : i32
      %dma_wait3A_793 = tpu.memref_slice %arg4[%dma_wait3A_791, %dma_wait3A_792] : memref<8192x128xf32, #tpu.memory_space<hbm>> -> memref<8192x128xf32, #tpu.memory_space<hbm>>
      tpu.wait_indirect_dma semaphore(%arg26 : memref<!tpu.dma_semaphore, #tpu.memory_space<semaphore_mem>>) src(%dma_wait3A_793 : memref<8192x128xf32, #tpu.memory_space<hbm>>) dst(%arg24 : memref<49x128xf32, #tpu.memory_space<vmem>>)
      %dma_wait3A_794 = arith.constant 0 : i32
      %dma_wait3A_795 = arith.constant 0 : i32
      %dma_wait3A_796 = tpu.memref_slice %arg5[%dma_wait3A_794, %dma_wait3A_795] : memref<8192x128xf32, #tpu.memory_space<hbm>> -> memref<8192x128xf32, #tpu.memory_space<hbm>>
      tpu.wait_indirect_dma semaphore(%arg26 : memref<!tpu.dma_semaphore, #tpu.memory_space<semaphore_mem>>) src(%dma_wait3A_796 : memref<8192x128xf32, #tpu.memory_space<hbm>>) dst(%arg25 : memref<49x128xf32, #tpu.memory_space<vmem>>)
      %scan3A_797 = arith.constant 0 : i32
      %scan3A_798 = arith.constant 0 : i32
      %scan3A_799 = arith.constant 49 : i32
      %scan3A_800 = arith.addi %scan3A_798, %scan3A_799 : i32
      %scan3A_801 = arith.constant 1 : i32
      scf.for %scan3A_824 = %scan3A_798 to %scan3A_800 step %scan3A_801  : i32 {
        %broadcast_in_dim3A_825 = vector.broadcast %scan3A_824 : i32 to vector<16xi32>
        %gather3A_826 = tpu.vector_load_idx %arg22[%broadcast_in_dim3A_825, %add3A_80] : memref<49x128xf32, #tpu.memory_space<vmem>>[vector<16xi32>, vector<16xi32>], vector<16xf32>,
        %add3A_827 = arith.addi %mul3A_107, %broadcast_in_dim3A_825 : vector<16xi32>
        tpu.vector_store_idx %arg29[%add3A_827], %gather3A_826 : memref<21952xf32, #tpu.memory_space<vmem>>[vector<16xi32>], vector<16xf32>,
        %gather3A_828 = tpu.vector_load_idx %arg22[%broadcast_in_dim3A_825, %add3A_83] : memref<49x128xf32, #tpu.memory_space<vmem>>[vector<16xi32>, vector<16xi32>], vector<16xf32>,
        %add3A_829 = arith.addi %mul3A_113, %broadcast_in_dim3A_825 : vector<16xi32>
        tpu.vector_store_idx %arg29[%add3A_829], %gather3A_828 : memref<21952xf32, #tpu.memory_space<vmem>>[vector<16xi32>], vector<16xf32>,
        %gather3A_830 = tpu.vector_load_idx %arg22[%broadcast_in_dim3A_825, %add3A_86] : memref<49x128xf32, #tpu.memory_space<vmem>>[vector<16xi32>, vector<16xi32>], vector<16xf32>,
        %add3A_831 = arith.addi %mul3A_119, %broadcast_in_dim3A_825 : vector<16xi32>
        tpu.vector_store_idx %arg29[%add3A_831], %gather3A_830 : memref<21952xf32, #tpu.memory_space<vmem>>[vector<16xi32>], vector<16xf32>,
        %gather3A_832 = tpu.vector_load_idx %arg22[%broadcast_in_dim3A_825, %add3A_89] : memref<49x128xf32, #tpu.memory_space<vmem>>[vector<16xi32>, vector<16xi32>], vector<16xf32>,
        %add3A_833 = arith.addi %mul3A_125, %broadcast_in_dim3A_825 : vector<16xi32>
        tpu.vector_store_idx %arg29[%add3A_833], %gather3A_832 : memref<21952xf32, #tpu.memory_space<vmem>>[vector<16xi32>], vector<16xf32>,
        %gather3A_834 = tpu.vector_load_idx %arg23[%broadcast_in_dim3A_825, %add3A_80] : memref<49x128xf32, #tpu.memory_space<vmem>>[vector<16xi32>, vector<16xi32>], vector<16xf32>,
        %add3A_835 = arith.addi %mul3A_131, %broadcast_in_dim3A_825 : vector<16xi32>
        tpu.vector_store_idx %arg29[%add3A_835], %gather3A_834 : memref<21952xf32, #tpu.memory_space<vmem>>[vector<16xi32>], vector<16xf32>,
        %gather3A_836 = tpu.vector_load_idx %arg23[%broadcast_in_dim3A_825, %add3A_83] : memref<49x128xf32, #tpu.memory_space<vmem>>[vector<16xi32>, vector<16xi32>], vector<16xf32>,
        %add3A_837 = arith.addi %mul3A_137, %broadcast_in_dim3A_825 : vector<16xi32>
        tpu.vector_store_idx %arg29[%add3A_837], %gather3A_836 : memref<21952xf32, #tpu.memory_space<vmem>>[vector<16xi32>], vector<16xf32>,
        %gather3A_838 = tpu.vector_load_idx %arg23[%broadcast_in_dim3A_825, %add3A_86] : memref<49x128xf32, #tpu.memory_space<vmem>>[vector<16xi32>, vector<16xi32>], vector<16xf32>,
        %add3A_839 = arith.addi %mul3A_143, %broadcast_in_dim3A_825 : vector<16xi32>
        tpu.vector_store_idx %arg29[%add3A_839], %gather3A_838 : memref<21952xf32, #tpu.memory_space<vmem>>[vector<16xi32>], vector<16xf32>,
        %gather3A_840 = tpu.vector_load_idx %arg23[%broadcast_in_dim3A_825, %add3A_89] : memref<49x128xf32, #tpu.memory_space<vmem>>[vector<16xi32>, vector<16xi32>], vector<16xf32>,
        %add3A_841 = arith.addi %mul3A_149, %broadcast_in_dim3A_825 : vector<16xi32>
        tpu.vector_store_idx %arg29[%add3A_841], %gather3A_840 : memref<21952xf32, #tpu.memory_space<vmem>>[vector<16xi32>], vector<16xf32>,
        %gather3A_842 = tpu.vector_load_idx %arg23[%broadcast_in_dim3A_825, %add3A_92] : memref<49x128xf32, #tpu.memory_space<vmem>>[vector<16xi32>, vector<16xi32>], vector<16xf32>,
        %add3A_843 = arith.addi %mul3A_155, %broadcast_in_dim3A_825 : vector<16xi32>
        tpu.vector_store_idx %arg29[%add3A_843], %gather3A_842 : memref<21952xf32, #tpu.memory_space<vmem>>[vector<16xi32>], vector<16xf32>,
        %gather3A_844 = tpu.vector_load_idx %arg23[%broadcast_in_dim3A_825, %add3A_95] : memref<49x128xf32, #tpu.memory_space<vmem>>[vector<16xi32>, vector<16xi32>], vector<16xf32>,
        %add3A_845 = arith.addi %mul3A_161, %broadcast_in_dim3A_825 : vector<16xi32>
        tpu.vector_store_idx %arg29[%add3A_845], %gather3A_844 : memref<21952xf32, #tpu.memory_space<vmem>>[vector<16xi32>], vector<16xf32>,
        %gather3A_846 = tpu.vector_load_idx %arg23[%broadcast_in_dim3A_825, %add3A_98] : memref<49x128xf32, #tpu.memory_space<vmem>>[vector<16xi32>, vector<16xi32>], vector<16xf32>,
        %add3A_847 = arith.addi %mul3A_167, %broadcast_in_dim3A_825 : vector<16xi32>
        tpu.vector_store_idx %arg29[%add3A_847], %gather3A_846 : memref<21952xf32, #tpu.memory_space<vmem>>[vector<16xi32>], vector<16xf32>,
        %gather3A_848 = tpu.vector_load_idx %arg23[%broadcast_in_dim3A_825, %add3A_101] : memref<49x128xf32, #tpu.memory_space<vmem>>[vector<16xi32>, vector<16xi32>], vector<16xf32>,
        %add3A_849 = arith.addi %mul3A_173, %broadcast_in_dim3A_825 : vector<16xi32>
        tpu.vector_store_idx %arg29[%add3A_849], %gather3A_848 : memref<21952xf32, #tpu.memory_space<vmem>>[vector<16xi32>], vector<16xf32>,
        %gather3A_850 = tpu.vector_load_idx %arg24[%broadcast_in_dim3A_825, %add3A_80] : memref<49x128xf32, #tpu.memory_space<vmem>>[vector<16xi32>, vector<16xi32>], vector<16xf32>,
        %add3A_851 = arith.addi %mul3A_179, %broadcast_in_dim3A_825 : vector<16xi32>
        tpu.vector_store_idx %arg29[%add3A_851], %gather3A_850 : memref<21952xf32, #tpu.memory_space<vmem>>[vector<16xi32>], vector<16xf32>,
        %gather3A_852 = tpu.vector_load_idx %arg24[%broadcast_in_dim3A_825, %add3A_83] : memref<49x128xf32, #tpu.memory_space<vmem>>[vector<16xi32>, vector<16xi32>], vector<16xf32>,
        %add3A_853 = arith.addi %mul3A_185, %broadcast_in_dim3A_825 : vector<16xi32>
        tpu.vector_store_idx %arg29[%add3A_853], %gather3A_852 : memref<21952xf32, #tpu.memory_space<vmem>>[vector<16xi32>], vector<16xf32>,
        %gather3A_854 = tpu.vector_load_idx %arg24[%broadcast_in_dim3A_825, %add3A_86] : memref<49x128xf32, #tpu.memory_space<vmem>>[vector<16xi32>, vector<16xi32>], vector<16xf32>,
        %add3A_855 = arith.addi %mul3A_191, %broadcast_in_dim3A_825 : vector<16xi32>
        tpu.vector_store_idx %arg29[%add3A_855], %gather3A_854 : memref<21952xf32, #tpu.memory_space<vmem>>[vector<16xi32>], vector<16xf32>,
        %gather3A_856 = tpu.vector_load_idx %arg24[%broadcast_in_dim3A_825, %add3A_89] : memref<49x128xf32, #tpu.memory_space<vmem>>[vector<16xi32>, vector<16xi32>], vector<16xf32>,
        %add3A_857 = arith.addi %mul3A_197, %broadcast_in_dim3A_825 : vector<16xi32>
        tpu.vector_store_idx %arg29[%add3A_857], %gather3A_856 : memref<21952xf32, #tpu.memory_space<vmem>>[vector<16xi32>], vector<16xf32>,
        %gather3A_858 = tpu.vector_load_idx %arg24[%broadcast_in_dim3A_825, %add3A_92] : memref<49x128xf32, #tpu.memory_space<vmem>>[vector<16xi32>, vector<16xi32>], vector<16xf32>,
        %add3A_859 = arith.addi %mul3A_203, %broadcast_in_dim3A_825 : vector<16xi32>
        tpu.vector_store_idx %arg29[%add3A_859], %gather3A_858 : memref<21952xf32, #tpu.memory_space<vmem>>[vector<16xi32>], vector<16xf32>,
        %gather3A_860 = tpu.vector_load_idx %arg24[%broadcast_in_dim3A_825, %add3A_95] : memref<49x128xf32, #tpu.memory_space<vmem>>[vector<16xi32>, vector<16xi32>], vector<16xf32>,
        %add3A_861 = arith.addi %mul3A_209, %broadcast_in_dim3A_825 : vector<16xi32>
        tpu.vector_store_idx %arg29[%add3A_861], %gather3A_860 : memref<21952xf32, #tpu.memory_space<vmem>>[vector<16xi32>], vector<16xf32>,
        %gather3A_862 = tpu.vector_load_idx %arg24[%broadcast_in_dim3A_825, %add3A_98] : memref<49x128xf32, #tpu.memory_space<vmem>>[vector<16xi32>, vector<16xi32>], vector<16xf32>,
        %add3A_863 = arith.addi %mul3A_215, %broadcast_in_dim3A_825 : vector<16xi32>
        tpu.vector_store_idx %arg29[%add3A_863], %gather3A_862 : memref<21952xf32, #tpu.memory_space<vmem>>[vector<16xi32>], vector<16xf32>,
        %gather3A_864 = tpu.vector_load_idx %arg24[%broadcast_in_dim3A_825, %add3A_101] : memref<49x128xf32, #tpu.memory_space<vmem>>[vector<16xi32>, vector<16xi32>], vector<16xf32>,
        %add3A_865 = arith.addi %mul3A_221, %broadcast_in_dim3A_825 : vector<16xi32>
        tpu.vector_store_idx %arg29[%add3A_865], %gather3A_864 : memref<21952xf32, #tpu.memory_space<vmem>>[vector<16xi32>], vector<16xf32>,
        %gather3A_866 = tpu.vector_load_idx %arg25[%broadcast_in_dim3A_825, %add3A_80] : memref<49x128xf32, #tpu.memory_space<vmem>>[vector<16xi32>, vector<16xi32>], vector<16xf32>,
        %add3A_867 = arith.addi %mul3A_227, %broadcast_in_dim3A_825 : vector<16xi32>
        tpu.vector_store_idx %arg29[%add3A_867], %gather3A_866 : memref<21952xf32, #tpu.memory_space<vmem>>[vector<16xi32>], vector<16xf32>,
        %gather3A_868 = tpu.vector_load_idx %arg25[%broadcast_in_dim3A_825, %add3A_83] : memref<49x128xf32, #tpu.memory_space<vmem>>[vector<16xi32>, vector<16xi32>], vector<16xf32>,
        %add3A_869 = arith.addi %mul3A_233, %broadcast_in_dim3A_825 : vector<16xi32>
        tpu.vector_store_idx %arg29[%add3A_869], %gather3A_868 : memref<21952xf32, #tpu.memory_space<vmem>>[vector<16xi32>], vector<16xf32>,
        %gather3A_870 = tpu.vector_load_idx %arg25[%broadcast_in_dim3A_825, %add3A_86] : memref<49x128xf32, #tpu.memory_space<vmem>>[vector<16xi32>, vector<16xi32>], vector<16xf32>,
        %add3A_871 = arith.addi %mul3A_239, %broadcast_in_dim3A_825 : vector<16xi32>
        tpu.vector_store_idx %arg29[%add3A_871], %gather3A_870 : memref<21952xf32, #tpu.memory_space<vmem>>[vector<16xi32>], vector<16xf32>,
        %gather3A_872 = tpu.vector_load_idx %arg25[%broadcast_in_dim3A_825, %add3A_89] : memref<49x128xf32, #tpu.memory_space<vmem>>[vector<16xi32>, vector<16xi32>], vector<16xf32>,
        %add3A_873 = arith.addi %mul3A_245, %broadcast_in_dim3A_825 : vector<16xi32>
        tpu.vector_store_idx %arg29[%add3A_873], %gather3A_872 : memref<21952xf32, #tpu.memory_space<vmem>>[vector<16xi32>], vector<16xf32>,
        %gather3A_874 = tpu.vector_load_idx %arg25[%broadcast_in_dim3A_825, %add3A_92] : memref<49x128xf32, #tpu.memory_space<vmem>>[vector<16xi32>, vector<16xi32>], vector<16xf32>,
        %add3A_875 = arith.addi %mul3A_251, %broadcast_in_dim3A_825 : vector<16xi32>
        tpu.vector_store_idx %arg29[%add3A_875], %gather3A_874 : memref<21952xf32, #tpu.memory_space<vmem>>[vector<16xi32>], vector<16xf32>,
        %gather3A_876 = tpu.vector_load_idx %arg25[%broadcast_in_dim3A_825, %add3A_95] : memref<49x128xf32, #tpu.memory_space<vmem>>[vector<16xi32>, vector<16xi32>], vector<16xf32>,
        %add3A_877 = arith.addi %mul3A_257, %broadcast_in_dim3A_825 : vector<16xi32>
        tpu.vector_store_idx %arg29[%add3A_877], %gather3A_876 : memref<21952xf32, #tpu.memory_space<vmem>>[vector<16xi32>], vector<16xf32>,
        %gather3A_878 = tpu.vector_load_idx %arg25[%broadcast_in_dim3A_825, %add3A_98] : memref<49x128xf32, #tpu.memory_space<vmem>>[vector<16xi32>, vector<16xi32>], vector<16xf32>,
        %add3A_879 = arith.addi %mul3A_263, %broadcast_in_dim3A_825 : vector<16xi32>
        tpu.vector_store_idx %arg29[%add3A_879], %gather3A_878 : memref<21952xf32, #tpu.memory_space<vmem>>[vector<16xi32>], vector<16xf32>,
        %gather3A_880 = tpu.vector_load_idx %arg25[%broadcast_in_dim3A_825, %add3A_101] : memref<49x128xf32, #tpu.memory_space<vmem>>[vector<16xi32>, vector<16xi32>], vector<16xf32>,
        %add3A_881 = arith.addi %mul3A_269, %broadcast_in_dim3A_825 : vector<16xi32>
        tpu.vector_store_idx %arg29[%add3A_881], %gather3A_880 : memref<21952xf32, #tpu.memory_space<vmem>>[vector<16xi32>], vector<16xf32>,
      }
      %scan3A_802 = arith.constant 49 : i32
      %add3A_803 = arith.addi %mul3A_2, %mul3A_277 : i32
      %add3A_804 = arith.constant 1 : i32
      %add3A_805 = arith.addi %add3A_803, %add3A_804 : i32
      %dma_start3A_806 = arith.constant 0 : i32
      %dma_start3A_807 = tpu.memref_slice %arg8[%add3A_805, %dma_start3A_806] : memref<2048x21952xf32, #tpu.memory_space<hbm>> -> memref<1x21952xf32, #tpu.memory_space<hbm>>
      %dma_start3A_808 = tpu.memref_squeeze %dma_start3A_807 : memref<1x21952xf32, #tpu.memory_space<hbm>> -> memref<21952xf32, #tpu.memory_space<hbm>>
      %dma_start3A_809 = arith.constant 0 : i32
      %dma_start3A_810 = tpu.memref_slice %arg8[%add3A_805, %dma_start3A_809] : memref<2048x21952xf32, #tpu.memory_space<hbm>> -> memref<1x21952xf32, #tpu.memory_space<hbm>>
      %dma_start3A_811 = tpu.memref_squeeze %dma_start3A_810 : memref<1x21952xf32, #tpu.memory_space<hbm>> -> memref<21952xf32, #tpu.memory_space<hbm>>
      tpu.enqueue_dma source(%arg29 : memref<21952xf32, #tpu.memory_space<vmem>>) target(%dma_start3A_811 : memref<21952xf32, #tpu.memory_space<hbm>>) target_semaphore(%arg30 : memref<!tpu.dma_semaphore, #tpu.memory_space<semaphore_mem>>)
      %dma_wait3A_812 = arith.constant 0 : i32
      %dma_wait3A_813 = tpu.memref_slice %arg8[%add3A_778, %dma_wait3A_812] : memref<2048x21952xf32, #tpu.memory_space<hbm>> -> memref<1x21952xf32, #tpu.memory_space<hbm>>
      %dma_wait3A_814 = tpu.memref_squeeze %dma_wait3A_813 : memref<1x21952xf32, #tpu.memory_space<hbm>> -> memref<21952xf32, #tpu.memory_space<hbm>>
      %dma_wait3A_815 = arith.constant 0 : i32
      %dma_wait3A_816 = tpu.memref_slice %arg8[%add3A_778, %dma_wait3A_815] : memref<2048x21952xf32, #tpu.memory_space<hbm>> -> memref<1x21952xf32, #tpu.memory_space<hbm>>
      %dma_wait3A_817 = tpu.memref_squeeze %dma_wait3A_816 : memref<1x21952xf32, #tpu.memory_space<hbm>> -> memref<21952xf32, #tpu.memory_space<hbm>>
      tpu.wait_dma2 semaphore(%arg28 : memref<!tpu.dma_semaphore, #tpu.memory_space<semaphore_mem>>) src(%arg27 : memref<21952xf32, #tpu.memory_space<vmem>>) dst(%dma_wait3A_817 : memref<21952xf32, #tpu.memory_space<hbm>>)
      %dma_wait3A_818 = arith.constant 0 : i32
      %dma_wait3A_819 = tpu.memref_slice %arg8[%add3A_805, %dma_wait3A_818] : memref<2048x21952xf32, #tpu.memory_space<hbm>> -> memref<1x21952xf32, #tpu.memory_space<hbm>>
      %dma_wait3A_820 = tpu.memref_squeeze %dma_wait3A_819 : memref<1x21952xf32, #tpu.memory_space<hbm>> -> memref<21952xf32, #tpu.memory_space<hbm>>
      %dma_wait3A_821 = arith.constant 0 : i32
      %dma_wait3A_822 = tpu.memref_slice %arg8[%add3A_805, %dma_wait3A_821] : memref<2048x21952xf32, #tpu.memory_space<hbm>> -> memref<1x21952xf32, #tpu.memory_space<hbm>>
      %dma_wait3A_823 = tpu.memref_squeeze %dma_wait3A_822 : memref<1x21952xf32, #tpu.memory_space<hbm>> -> memref<21952xf32, #tpu.memory_space<hbm>>
      tpu.wait_dma2 semaphore(%arg30 : memref<!tpu.dma_semaphore, #tpu.memory_space<semaphore_mem>>) src(%arg29 : memref<21952xf32, #tpu.memory_space<vmem>>) dst(%dma_wait3A_823 : memref<21952xf32, #tpu.memory_space<hbm>>)
    }
    %scan3A_274 = arith.constant 32 : i32
    return
  }
}

module attributes {stable_mosaic.version = 14 : i64} {
  func.func @body(%arg0: i32, %arg1: i32, %arg2: memref<1x256x512xf32, #tpu.memory_space<vmem>>, %arg3: memref<256x256xf32, #tpu.memory_space<vmem>>, %arg4: memref<1x512x128xf32, #tpu.memory_space<vmem>>, %arg5: memref<1x512x128xf32, #tpu.memory_space<vmem>>) attributes {dimension_semantics = [#tpu.dimension_semantics<arbitrary>, #tpu.dimension_semantics<arbitrary>], iteration_bounds = array<i64: 8, 2>, scalar_prefetch = 0 : i64, scratch_operands = 0 : i64, tpu.core_type = #tpu.core_type<tc>, window_params = [{transform_indices = @transform_0, window_bounds = array<i64: 1, 256, 512>}, {pipeline_mode = #tpu.pipeline_mode<synchronous>, transform_indices = @transform_1, window_bounds = array<i64: 256, 256>}, {transform_indices = @transform_2, window_bounds = array<i64: 1, 512, 128>}, {transform_indices = @transform_3, window_bounds = array<i64: 1, 512, 128>}]} {
    %get3A = arith.constant 0 : index
    %get3A_0 = arith.constant 0 : index
    %get3A_1 = arith.constant 0 : index
    %get3A_2 = vector.load %arg2[%get3A, %get3A_0, %get3A_1] : memref<1x256x512xf32, #tpu.memory_space<vmem>>, vector<1x256x512xf32>
    %get3A_3 = vector.shape_cast %get3A_2 : vector<1x256x512xf32> to vector<256x512xf32>
    %get3A_4 = arith.constant 0 : index
    %get3A_5 = arith.constant 0 : index
    %get3A_6 = vector.load %arg3[%get3A_4, %get3A_5] : memref<256x256xf32, #tpu.memory_space<vmem>>, vector<256x128xf32>
    %dot_general3A = arith.constant dense<0.000000e+00> : vector<512x128xf32>
    %dot_general3A_7 = tpu.matmul %get3A_3, %get3A_6, %dot_general3A {dimension_numbers = #tpu.dot_dimension_numbers<[0], [0], [1], [1], [0, 1, 1, 1], [], []>, transpose_lhs_hint = false} : vector<256x512xf32>, vector<256x128xf32>, vector<512x128xf32> -> vector<512x128xf32>
    %swap3A = arith.constant 0 : index
    %swap3A_8 = arith.constant 0 : index
    %swap3A_9 = arith.constant 0 : index
    %swap3A_10 = vector.load %arg4[%swap3A, %swap3A_8, %swap3A_9] : memref<1x512x128xf32, #tpu.memory_space<vmem>>, vector<1x512x128xf32>
    %swap3A_11 = vector.shape_cast %swap3A_10 : vector<1x512x128xf32> to vector<512x128xf32>
    %swap3A_12 = vector.shape_cast %dot_general3A_7 : vector<512x128xf32> to vector<1x512x128xf32>
    tpu.vector_store %arg4[%swap3A, %swap3A_8, %swap3A_9], %swap3A_12 {strides = array<i32>} : memref<1x512x128xf32, #tpu.memory_space<vmem>>, vector<1x512x128xf32>,
    %get3A_13 = arith.constant 0 : index
    %get3A_14 = arith.constant 0 : index
    %get3A_15 = arith.constant 0 : index
    %get3A_16 = vector.load %arg2[%get3A_13, %get3A_14, %get3A_15] : memref<1x256x512xf32, #tpu.memory_space<vmem>>, vector<1x256x512xf32>
    %get3A_17 = vector.shape_cast %get3A_16 : vector<1x256x512xf32> to vector<256x512xf32>
    %get3A_18 = arith.constant 0 : index
    %get3A_19 = arith.constant 128 : index
    %get3A_20 = vector.load %arg3[%get3A_18, %get3A_19] : memref<256x256xf32, #tpu.memory_space<vmem>>, vector<256x128xf32>
    %dot_general3A_21 = arith.constant dense<0.000000e+00> : vector<512x128xf32>
    %dot_general3A_22 = tpu.matmul %get3A_17, %get3A_20, %dot_general3A_21 {dimension_numbers = #tpu.dot_dimension_numbers<[0], [0], [1], [1], [0, 1, 1, 1], [], []>, transpose_lhs_hint = false} : vector<256x512xf32>, vector<256x128xf32>, vector<512x128xf32> -> vector<512x128xf32>
    %swap3A_23 = arith.constant 0 : index
    %swap3A_24 = arith.constant 0 : index
    %swap3A_25 = arith.constant 0 : index
    %swap3A_26 = vector.load %arg5[%swap3A_23, %swap3A_24, %swap3A_25] : memref<1x512x128xf32, #tpu.memory_space<vmem>>, vector<1x512x128xf32>
    %swap3A_27 = vector.shape_cast %swap3A_26 : vector<1x512x128xf32> to vector<512x128xf32>
    %swap3A_28 = vector.shape_cast %dot_general3A_22 : vector<512x128xf32> to vector<1x512x128xf32>
    tpu.vector_store %arg5[%swap3A_23, %swap3A_24, %swap3A_25], %swap3A_28 {strides = array<i32>} : memref<1x512x128xf32, #tpu.memory_space<vmem>>, vector<1x512x128xf32>,
    return
  }
  func.func @transform_0(%arg0: i32, %arg1: i32) -> (i32, i32, i32) {
    %c0_i32 = arith.constant 0 : i32
    %c0_i32_0 = arith.constant 0 : i32
    return %arg0, %c0_i32, %arg1 : i32, i32, i32
  }
  func.func @transform_1(%arg0: i32, %arg1: i32) -> (i32, i32) {
    %c0_i32 = arith.constant 0 : i32
    %c0_i32_0 = arith.constant 0 : i32
    %c0_i32_1 = arith.constant 0 : i32
    return %c0_i32, %c0_i32_0 : i32, i32
  }
  func.func @transform_2(%arg0: i32, %arg1: i32) -> (i32, i32, i32) {
    %c0_i32 = arith.constant 0 : i32
    %c0_i32_0 = arith.constant 0 : i32
    return %arg0, %arg1, %c0_i32 : i32, i32, i32
  }
  func.func @transform_3(%arg0: i32, %arg1: i32) -> (i32, i32, i32) {
    %c0_i32 = arith.constant 0 : i32
    %c0_i32_0 = arith.constant 0 : i32
    return %arg0, %arg1, %c0_i32 : i32, i32, i32
  }
}

module attributes {stable_mosaic.version = 14 : i64} {
  func.func @body(%arg0: i32, %arg1: i32, %arg2: memref<1x128x1024xf32, #tpu.memory_space<vmem>>, %arg3: memref<128x128xf32, #tpu.memory_space<vmem>>, %arg4: memref<1x1024x128xf32, #tpu.memory_space<vmem>>) attributes {dimension_semantics = [#tpu.dimension_semantics<arbitrary>, #tpu.dimension_semantics<arbitrary>], iteration_bounds = array<i64: 8, 4>, scalar_prefetch = 0 : i64, scratch_operands = 0 : i64, tpu.core_type = #tpu.core_type<tc>, window_params = [{transform_indices = @transform_0, window_bounds = array<i64: 1, 128, 1024>}, {pipeline_mode = #tpu.pipeline_mode<synchronous>, transform_indices = @transform_1, window_bounds = array<i64: 128, 128>}, {transform_indices = @transform_2, window_bounds = array<i64: 1, 1024, 128>}]} {
    %get3A = arith.constant 0 : index
    %get3A_0 = arith.constant 0 : index
    %get3A_1 = arith.constant 0 : index
    %get3A_2 = vector.load %arg2[%get3A, %get3A_0, %get3A_1] : memref<1x128x1024xf32, #tpu.memory_space<vmem>>, vector<1x128x1024xf32>
    %get3A_3 = vector.shape_cast %get3A_2 : vector<1x128x1024xf32> to vector<128x1024xf32>
    %get3A_4 = arith.constant 0 : index
    %get3A_5 = arith.constant 0 : index
    %get3A_6 = vector.load %arg3[%get3A_4, %get3A_5] : memref<128x128xf32, #tpu.memory_space<vmem>>, vector<128x128xf32>
    %dot_general3A = arith.constant dense<0.000000e+00> : vector<1024x128xf32>
    %dot_general3A_7 = tpu.matmul %get3A_3, %get3A_6, %dot_general3A {dimension_numbers = #tpu.dot_dimension_numbers<[0], [0], [1], [1], [0, 1, 1, 1], [], []>, transpose_lhs_hint = false} : vector<128x1024xf32>, vector<128x128xf32>, vector<1024x128xf32> -> vector<1024x128xf32>
    %swap3A = arith.constant 0 : index
    %swap3A_8 = arith.constant 0 : index
    %swap3A_9 = arith.constant 0 : index
    %swap3A_10 = vector.load %arg4[%swap3A, %swap3A_8, %swap3A_9] : memref<1x1024x128xf32, #tpu.memory_space<vmem>>, vector<1x1024x128xf32>
    %swap3A_11 = vector.shape_cast %swap3A_10 : vector<1x1024x128xf32> to vector<1024x128xf32>
    %swap3A_12 = vector.shape_cast %dot_general3A_7 : vector<1024x128xf32> to vector<1x1024x128xf32>
    tpu.vector_store %arg4[%swap3A, %swap3A_8, %swap3A_9], %swap3A_12 {strides = array<i32>} : memref<1x1024x128xf32, #tpu.memory_space<vmem>>, vector<1x1024x128xf32>,
    return
  }
  func.func @transform_0(%arg0: i32, %arg1: i32) -> (i32, i32, i32) {
    %c0_i32 = arith.constant 0 : i32
    %c0_i32_0 = arith.constant 0 : i32
    return %arg0, %c0_i32, %arg1 : i32, i32, i32
  }
  func.func @transform_1(%arg0: i32, %arg1: i32) -> (i32, i32) {
    %c0_i32 = arith.constant 0 : i32
    %c0_i32_0 = arith.constant 0 : i32
    %c0_i32_1 = arith.constant 0 : i32
    return %c0_i32, %c0_i32_0 : i32, i32
  }
  func.func @transform_2(%arg0: i32, %arg1: i32) -> (i32, i32, i32) {
    %c0_i32 = arith.constant 0 : i32
    %c0_i32_0 = arith.constant 0 : i32
    return %arg0, %arg1, %c0_i32 : i32, i32, i32
  }
}

module attributes {stable_mosaic.version = 14 : i64} {
  func.func @body(%arg0: i32, %arg1: i32, %arg2: memref<1x64x1024xf32, #tpu.memory_space<vmem>>, %arg3: memref<64x128xf32, #tpu.memory_space<vmem>>, %arg4: memref<1x1024x128xf32, #tpu.memory_space<vmem>>) attributes {dimension_semantics = [#tpu.dimension_semantics<arbitrary>, #tpu.dimension_semantics<arbitrary>], iteration_bounds = array<i64: 8, 16>, scalar_prefetch = 0 : i64, scratch_operands = 0 : i64, tpu.core_type = #tpu.core_type<tc>, window_params = [{transform_indices = @transform_0, window_bounds = array<i64: 1, 64, 1024>}, {pipeline_mode = #tpu.pipeline_mode<synchronous>, transform_indices = @transform_1, window_bounds = array<i64: 64, 128>}, {transform_indices = @transform_2, window_bounds = array<i64: 1, 1024, 128>}]} {
    %get3A = arith.constant 0 : index
    %get3A_0 = arith.constant 0 : index
    %get3A_1 = arith.constant 0 : index
    %get3A_2 = vector.load %arg2[%get3A, %get3A_0, %get3A_1] : memref<1x64x1024xf32, #tpu.memory_space<vmem>>, vector<1x64x1024xf32>
    %get3A_3 = vector.shape_cast %get3A_2 : vector<1x64x1024xf32> to vector<64x1024xf32>
    %get3A_4 = arith.constant 0 : index
    %get3A_5 = arith.constant 0 : index
    %get3A_6 = vector.load %arg3[%get3A_4, %get3A_5] : memref<64x128xf32, #tpu.memory_space<vmem>>, vector<64x128xf32>
    %dot_general3A = arith.constant dense<0.000000e+00> : vector<1024x128xf32>
    %dot_general3A_7 = tpu.matmul %get3A_3, %get3A_6, %dot_general3A {dimension_numbers = #tpu.dot_dimension_numbers<[0], [0], [1], [1], [0, 1, 1, 1], [], []>, transpose_lhs_hint = false} : vector<64x1024xf32>, vector<64x128xf32>, vector<1024x128xf32> -> vector<1024x128xf32>
    %swap3A = arith.constant 0 : index
    %swap3A_8 = arith.constant 0 : index
    %swap3A_9 = arith.constant 0 : index
    %swap3A_10 = vector.load %arg4[%swap3A, %swap3A_8, %swap3A_9] : memref<1x1024x128xf32, #tpu.memory_space<vmem>>, vector<1x1024x128xf32>
    %swap3A_11 = vector.shape_cast %swap3A_10 : vector<1x1024x128xf32> to vector<1024x128xf32>
    %swap3A_12 = vector.shape_cast %dot_general3A_7 : vector<1024x128xf32> to vector<1x1024x128xf32>
    tpu.vector_store %arg4[%swap3A, %swap3A_8, %swap3A_9], %swap3A_12 {strides = array<i32>} : memref<1x1024x128xf32, #tpu.memory_space<vmem>>, vector<1x1024x128xf32>,
    return
  }
  func.func @transform_0(%arg0: i32, %arg1: i32) -> (i32, i32, i32) {
    %c0_i32 = arith.constant 0 : i32
    %c0_i32_0 = arith.constant 0 : i32
    return %arg0, %c0_i32, %arg1 : i32, i32, i32
  }
  func.func @transform_1(%arg0: i32, %arg1: i32) -> (i32, i32) {
    %c0_i32 = arith.constant 0 : i32
    %c0_i32_0 = arith.constant 0 : i32
    %c0_i32_1 = arith.constant 0 : i32
    return %c0_i32, %c0_i32_0 : i32, i32
  }
  func.func @transform_2(%arg0: i32, %arg1: i32) -> (i32, i32, i32) {
    %c0_i32 = arith.constant 0 : i32
    %c0_i32_0 = arith.constant 0 : i32
    return %arg0, %arg1, %c0_i32 : i32, i32, i32
  }
}

</mosaic_0001>

<sc_bundles>
// kernel: kernel.6.cloned.1.call-start
scs
__scs_entry_jumppad:
0x0: {  	(pc) =	sbr.rel $0x88, $3  }
0x1: {  	(tag) =	ssettag $0x0;
	lr =	simm.s32 $0x1  }
0x2: {  	[smem:$0x3F9C] =	sst lr;
	_ =	strace $0xD0000000  }
0x3: {  	_ = 	snop  }
0x4: {  	_ = 	snop  }
0x5: {  	_ = 	snop  }
0x6: {  	_ = 	snop  }
0x7: {  	_ = 	snop  }
__scs_overlays_trampoline_lowered:
0x8: {  	[smem:$0x3FAB] =	sst s0  }
0x9: {  	[smem:$0x3FAC] =	sst s1  }
0xa: {  	[smem:$0x3FAD] =	sst s2  }
0xb: {  	[smem:$0x3FAE] =	sst s3  }
0xc: {  	[smem:$0x3FAF] =	sst s4  }
0xd: {  	[smem:$0x3FB0] =	sst s5  }
0xe: {  	[smem:$0x3FB1] =	sst s6  }
0xf: {  	[smem:$0x3FB2] =	sst s7  }
0x10: {  	[smem:$0x3FB3] =	sst s8  }
0x11: {  	[smem:$0x3FB4] =	sst s9;
	s0 =	simm.s32 @!p0 $0x0  }
0x12: {  	s1 =	sld [smem:$0x3F9A];
	s0 =	simm.s32 @p0 $0x1  }
0x13: {  	[smem:$0x3FB5] =	sst s0;
	s0 =	simm.s32 @!p1 $0x0  }
0x14: {  	s2 =	sld [smem:$0x3F99];
	s0 =	simm.s32 @p1 $0x1  }
0x15: {  	[smem:$0x3FB6] =	sst s0;
	s0 =	simm.s32 @!p2 $0x0  }
0x16: {  	s3 =	sld [smem:$0x3FDB];
	s0 =	simm.s32 @p2 $0x1  }
0x17: {  	s4 =	simm.s32 $0x1BF5;
	[smem:$0x3FB8] =	sst s0  }
0x18: {  	s0 =	sld [smem:$0x3F9B];
	_ =	swait.ge [sflag:s4], $0x0  }
0x19: {  	s7 =	sld [smem:$0x3F9C]  }
0x1a: {  	s8 =	sadd.s32 $0xFFFFE003, lr  }
0x1b: {  	s9 =	sadd.s32 $0xFFFFFEF7, lr;
	s5 =	simm.s32 $0xFFFFFFFF;
	p2 =	slt.u32 s8, $0xFFFFF086  }
0x1c: {  	p1 =	slt.u32 s9, $0xF7A;
	s5 =	simm.s32 @!p2 $0x0  }
0x1d: {  	s5 =	simm.s32 @p1 $0x1;
	p0 =	seq.s32 s7, s2  }
0x1e: {  	s7 =	smul.u32 @!p0 $0xF7A, s2;
	p2 =	seq.s32 @!p0 s5, $0x0  }
0x1f: {  	s9 =	smul.u32 $0xF7A, s1;
	s8 =	simm.s32 @!p0 $0x1BF5;
	p2 =	por !p2, p0  }
0x20: {  	[sflag:s8] =	ssyncset.s32 @!p0 $0xFFFFF086;
	s6 =	sadd.s32 @!p0 s3, s7;
	s7 =	simm.s32 @!p0 $0x108  }
0x21: {  	s3 =	sadd.s32 s3, s9;
	s6 =	sadd.s32 @!p0 $0x88, s6;
	s7 =	simm.s32 @p2 $0x1082  }
0x22: {  	[simem:s7], [sflag:s8] =	dma.local @!p0 [hbm:s6], $0xF7A  }
0x23: {  	s9 =	sor.u32 $0xD0000000, s2;
	s6 =	simm.s32 $0x108;
	_ =	swait.ge @!p0 [sflag:s8], $0x0  }
0x24: {  	s3 =	sadd.s32 $0x88, s3;
	s6 =	simm.s32 @!p1 $0x1082;
	[sflag:s4] =	ssyncset.s32 $0xFFFFF086  }
0x25: {  	[simem:s6], [sflag:s4] =	dma.local [hbm:s3], $0xF7A  }
0x26: {  	[smem:$0x3F9C] =	sst s1;
	(tag) =	ssettag s2;
	_ =	strace s9  }
0x27: {  	s1 =	sld [smem:$0x3FAC]  }
0x28: {  	s2 =	sld [smem:$0x3FAD]  }
0x29: {  	s4 =	sld [smem:$0x3FAF]  }
0x2a: {  	p0 =	seq.s32 s5, $0x0;
	s5 =	sld [smem:$0x3FB0]  }
0x2b: {  	s6 =	sld [smem:$0x3FB1]  }
0x2c: {  	s7 =	sld [smem:$0x3FB2]  }
0x2d: {  	s3 =	simm.s32 $0x108;
	s8 =	sld [smem:$0x3FB3]  }
0x2e: {  	s3 =	simm.s32 @!p0 $0x1082;
	s9 =	sld [smem:$0x3FB4]  }
0x2f: {  	lr =	sadd.s32 s0, s3;
	s0 =	sld [smem:$0x3FAB]  }
0x30: {  	s3 =	sld [smem:$0x3FAE]  }
0x31: {  	[smem:$0x3FB7] =	sst s10  }
0x32: {  	s10 =	sld [smem:$0x3FB5];
	_ =	sdelay $0x3  }
0x33: {  	p0 =	seq.s32 s10, $0x1;
	s10 =	sld [smem:$0x3FB7];
	_ =	sdelay $0x3  }
0x34: {  	[smem:$0x3FB7] =	sst s10  }
0x35: {  	s10 =	sld [smem:$0x3FB6];
	_ =	sdelay $0x3  }
0x36: {  	p1 =	seq.s32 s10, $0x1;
	s10 =	sld [smem:$0x3FB7];
	_ =	sdelay $0x3  }
0x37: {  	[smem:$0x3FB7] =	sst s10  }
0x38: {  	s10 =	sld [smem:$0x3FB8]  }
0x39: {  	_ = 	snop;
	(pc) =	sbr.ind lr, $3  }
0x3a: {  	_ = 	snop  }
0x3b: {  	_ = 	snop  }
0x3c: {  	p2 =	seq.s32 s10, $0x1;
	s10 =	sld [smem:$0x3FB7]  }
0x3d: {  	_ =	shalt  }
0x3e: {  	_ =	shalt  }
0x3f: {  	_ =	shalt  }
0x40: {  	_ =	shalt  }
0x41: {  	_ =	shalt  }
0x42: {  	_ =	shalt  }
0x43: {  	_ =	shalt  }
0x44: {  	_ =	shalt  }
0x45: {  	_ =	shalt  }
0x46: {  	_ =	shalt  }
0x47: {  	_ =	shalt  }
0x48: {  	_ =	shalt  }
0x49: {  	_ =	shalt  }
0x4a: {  	_ =	shalt  }
0x4b: {  	_ =	shalt  }
0x4c: {  	_ =	shalt  }
0x4d: {  	_ =	shalt  }
0x4e: {  	_ =	shalt  }
0x4f: {  	_ =	shalt  }
0x50: {  	_ =	shalt  }
0x51: {  	_ =	shalt  }
0x52: {  	_ =	shalt  }
0x53: {  	_ =	shalt  }
0x54: {  	_ =	shalt  }
0x55: {  	_ =	shalt  }
0x56: {  	_ =	shalt  }
0x57: {  	_ =	shalt  }
0x58: {  	_ =	shalt  }
0x59: {  	_ =	shalt  }
0x5a: {  	_ =	shalt  }
0x5b: {  	_ =	shalt  }
0x5c: {  	_ =	shalt  }
0x5d: {  	_ =	shalt  }
0x5e: {  	_ =	shalt  }
0x5f: {  	_ =	shalt  }
0x60: {  	_ =	shalt  }
0x61: {  	_ =	shalt  }
0x62: {  	_ =	shalt  }
0x63: {  	_ =	shalt  }
0x64: {  	_ =	shalt  }
0x65: {  	_ =	shalt  }
0x66: {  	_ =	shalt  }
0x67: {  	_ =	shalt  }
0x68: {  	_ =	shalt  }
0x69: {  	_ =	shalt  }
0x6a: {  	_ =	shalt  }
0x6b: {  	_ =	shalt  }
0x6c: {  	_ =	shalt  }
0x6d: {  	_ =	shalt  }
0x6e: {  	_ =	shalt  }
0x6f: {  	_ =	shalt  }
0x70: {  	_ =	shalt  }
0x71: {  	_ =	shalt  }
0x72: {  	_ =	shalt  }
0x73: {  	_ =	shalt  }
0x74: {  	_ =	shalt  }
0x75: {  	_ =	shalt  }
0x76: {  	_ =	shalt  }
0x77: {  	_ =	shalt  }
0x78: {  	_ =	shalt  }
0x79: {  	_ =	shalt  }
0x7a: {  	_ =	shalt  }
0x7b: {  	_ =	shalt  }
0x7c: {  	_ =	shalt  }
0x7d: {  	_ =	shalt  }
0x7e: {  	_ =	shalt  }
0x7f: {  	_ =	shalt  }
0x80: {  	_ =	shalt  }
0x81: {  	_ =	shalt  }
0x82: {  	_ =	shalt  }
0x83: {  	_ =	shalt  }
0x84: {  	_ =	shalt  }
0x85: {  	_ =	shalt  }
0x86: {  	_ =	shalt  }
0x87: {  	_ =	shalt  }
.Lfunc_end0:
.L_simem_size_0:
called_computation.1_lowered:
.L_overlay_start_0:
0x88: {  	s2 =	sld [smem:$0x3FD9]  }
0x89: {  	s3 =	sld [smem:$0x3FFE];
	_ =	sdelay $0x1  }
0x8a: {  	s1 =	srdreg.scid  }
0x8b: {  	s0 =	sand.u32 $0x1, s1  }
0x8c: {  	s17 =	sshll.u32 s0, $0xA;
	s2 =	sadd.s32 s3, s2  }
0x8d: {  	s2 =	sadd.s32 s2, s17  }
0x8e: {  	[smem:$0x3FC3] =	sst s2  }
0x8f: {  	_ = 	snop  }
0x90: {  	s2 =	sld [smem:$0x3FC5]  }
0x91: {  	s18 =	sld [smem:$0x3FD0];
	(tm) =	ssettm $0x1  }
0x92: {  	s4 =	sld [smem:$0x3FFB];
	_ =	sdelay $0x3  }
0x93: {  	_ =	strace s4  }
0x94: {  	s4 =	sld [smem:$0x3FFC];
	_ =	sdelay $0x3  }
0x95: {  	_ =	strace s4  }
0x96: {  	s4 =	sld [smem:$0x3FFD];
	_ =	sdelay $0x3  }
0x97: {  	_ =	strace s4  }
0x98: {  	_ =	strace $0x8FFFFFFF  }
0x99: {  	s19 =	sld [smem:$0x3FDB];
	_ =	sdelay $0x1  }
0x9a: {  	s5 =	simm.s32 $_scs_section_size  }
0x9b: {  	s6 =	simm.s32 $_size__tile_overlayer_lowered;
	s7 =	simm.s32 $_tile_overlayer_lowered  }
0x9c: {  	s22 =	simm.s32 $0x1BFF;
	s21 =	sshll.u32 s7, $0x1;
	s4 =	sadd.s32 s5, s19  }
0x9d: {  	s8 =	simm.s32 $0x0;
	s20 =	sshll.u32 s6, $0x1;
	s6 =	sadd.s32 s21, s4  }
0x9e: {  	[timem:s8], [sflag:s22] =	dma.local [hbm:s6], s20  }
0x9f: {  	_ =	swait.ge [sflag:s22], s20  }
0xa0: {  	s5 =	ssub.s32 $0x0, s20;
	[sflag:s22] =	ssyncset.done $0x0  }
0xa1: {  	[sflag:s22] =	ssyncadd.s32 s5;
	_ =	sdelay $0x1  }
0xa2: {  	s23 =	simm.s32 $0x1B8B  }
0xa3: {  	_ =	swait.ge [sflag:s23], $0x1  }
0xa4: {  	[sflag:s23] =	ssyncset.done $0x0  }
0xa5: {  	s25 =	simm.s32 $0x1B8E;
	s24 =	sld [smem:$0x3FFE];
	[sflag:s23] =	ssyncadd.s32 $0xFFFFFFFF  }
0xa6: {  	s26 =	simm.s32 $execute0_lowered;
	[smem:$0x3FD2] =	sst s25  }
0xa7: {  	s6 =	sshll.u32 s26, $0x1;
	_ =	strace $0x80000046;
	[dreg:$0x1] =	wrdreg $0xFFFFFFFF  }
0xa8: {  	s28 =	simm.s32 $_size_execute0_lowered;
	s4 =	sadd.s32 s4, s6;
	[dreg:$0x0] =	wrdreg $0x0  }
0xa9: {  	s6 =	sshll.u32 s28, $0x1;
	[dreg:$0x2] =	wrdreg s4  }
0xaa: {  	[dreg:$0x3] =	wrdreg s6  }
0xab: {  	[dreg:$0x4] =	wrdreg $0xC0  }
0xac: {  	_ =	task [dreg:s8], $0x5FFFF  }
0xad: {  	[dreg:$0x1] =	wrdreg $0xFFFFFFFF  }
0xae: {  	[dreg:$0x0] =	wrdreg $0x60  }
0xaf: {  	[dreg:$0x2] =	wrdreg s18  }
0xb0: {  	[dreg:$0x3] =	wrdreg s24  }
0xb1: {  	[dreg:$0x4] =	wrdreg s2  }
0xb2: {  	[dreg:$0x5] =	wrdreg $0x9  }
0xb3: {  	_ =	task.clear_ibuf [dreg:s8], $0x6FFFF;
	_ =	strace $0x90000046  }
0xb4: {  	s29 =	simm.s32 $0x9;
	_ =	strace $0x80000048  }
0xb5: {  	_ =	swait.ge [sflag:s29], $0x1  }
0xb6: {  	[sflag:s29] =	ssyncadd.s32 $0xFFFFFFFF  }
0xb7: {  	_ =	strace $0x90000048  }
0xb8: {  	_ =	sfence  }
0xb9: {  	s30 =	sld [smem:$0x0];
	_ =	sdelay $0x2  }
0xba: {  	s31 =	sshll.u32 s1, $0xD;
	s1 =	sshrl.u32 s1, $0x2  }
0xbb: {  	s3 =	sand.u32 $0x4000, s31;
	s1 =	sadd.s32 s1, s30  }
0xbc: {  	s0 =	sor.u32 s3, s0;
	s1 =	sshll.u32 s1, $0x11  }
0xbd: {  	s0 =	sor.u32 s1, s0  }
0xbe: {  	s0 =	sadd.s32 $0x8F2B, s0  }
0xbf: {  	[sflag:s0] =	ssyncadd.remote.s32 $0x1  }
0xc0: {  	_ =	sfence.sel $0xFFFF  }
0xc1: {  	[dreg:$0x0] =	wrdreg $0xFFFFFFFF;
	(pc) =	sbr.abs _section_cstart, $3  }
0xc2: {  	[dreg:$0x1] =	wrdreg $0xFFFFFFFF  }
0xc3: {  	_ =	task.clear_ibuf [dreg:s8], $0x2FFFF;
	_ =	strace $0x9FFFFFFF  }
0xc4: {  	(tm) =	ssettm $0x7FFFFFFF  }
0xc5: {  	_ =	shalt  }
tec
execute0_lowered:
.L_overlay_start_1:
0x0: {  	(tag) =	ssettag $0x1  }
0x1: {  	s0 =	rddreg [dreg:$0x1]  }
0x2: {  	s1 =	rddreg [dreg:$0x2];
	v0 =	vimm.s32 $0xED3210FE;
	s2 =	simm.s32 $0x0;
	vm0 =	vcmask $0x1B00;
	vm12 =	vcmask $0x371C  }
0x3: {  	s22 =	srdreg.scid;
	s3 =	stileid.u32;
	v3 =	vimm.s32 $0xFED3210;
	v4 =	vimm.s32 $0xFED3210F;
	v5 =	vimm.s32 $0x550003FF;
	s13 =	simm.s32 $0x80  }
0x4: {  	v1 =	vimm.s32 $0xFFFFFFFF;
	s14 =	simm.s32 $0x100;
	v7 =	vimm.s32 $0x10FED321;
	s15 =	simm.s32 $0x180;
	v8 =	vimm.s32 $0x4040403;
	s16 =	simm.s32 $0x200  }
0x5: {  	vm13 =	vcmask $0xF00;
	s17 =	simm.s32 $0x31;
	s18 =	simm.s32 $0x280;
	v9 =	vimm.s32 $0x3210FED3;
	s19 =	simm.s32 $0x1E80;
	v2 =	vunpack.c.l.s4.s8 v0  }
0x6: {  	vm1 =	vcmask $0x2710;
	s20 =	simm.s32 $0x3A80;
	s21 =	simm.s32 $0x5680;
	vm14 =	vcmask $0x1F10;
	s28 =	simm.s32 $0xAC00;
	vm15 =	vcmask $0x3B20  }
0x7: {  	s29 =	simm.s32 $0xC800;
	s30 =	simm.s32 $0x1;
	s31 =	simm.s32 $0xE400;
	v0 =	vsel vm0, $0xFFFFFFFD, v1;
	v1 =	vunpack.c.0.s8.s32 v2;
	v2 =	vimm.s32 $0xD3210FED  }
0x8: {  	s10 =	simm.s32 $0x4;
	[smem:$0x7FF] =	sst s2;
	s4 =	sadd.s32 $0x141200, s0;
	v3 =	vunpack.c.l.s4.s8 v3;
	v4 =	vunpack.c.l.s4.s8 v4;
	v2 =	vunpack.c.l.s4.s8 v2  }
0x9: {  	s2 =	sand.u32 $0x1, s22;
	s3 =	sshll.u32 s3, $0x1;
	s5 =	sadd.s32 $0x101200, s0;
	v5 =	vunpack.c.l.s2.s4 v5;
	v7 =	vunpack.c.l.s4.s8 v7;
	v8 =	vunpack.c.0.s8.s32 v8  }
0xa: {  	s6 =	sadd.s32 $0x121200, s0;
	v9 =	vunpack.c.l.s4.s8 v9;
	s22 =	simm.s32 $0x7280;
	s3 =	sor.u32 s2, s3;
	v10 =	vunpack.c.0.s8.s32 v2;
	v2 =	vimm.s32 $0x2010101  }
0xb: {  	_ =	strace $0x80000047;
	s2 =	ssub.s32 $0x2, s2;
	s7 =	sshll.u32 s3, $0x4;
	v3 =	vunpack.c.0.s8.s32 v3;
	v4 =	vunpack.c.0.s8.s32 v4;
	v6 =	vunpack.c.0.s8.s32 v2  }
0xc: {  	v0 =	vsel vm12, $0xFFFFFFFE, v0;
	s8 =	sshrl.u32 s2, $0x1;
	s24 =	sshll.u32 s3, $0x6;
	s26 =	sshll.u32 s3, $0x3;
	v5 =	vunpack.c.l.s4.s8 v5;
	v8 =	vnsel vm13, $0x6, v8  }
0xd: {  	s3 =	simm.s32 $0x2;
	s9 =	sadd.s32 s7, s0;
	s7 =	sadd.s32 $0x1C1200, s0;
	v3 =	vcombine.low v4, v3;
	v4 =	vnsel vm13, $0x3, v6;
	v6 =	vimm.s32 $0x210FED32  }
0xe: {  	v7 =	vunpack.c.0.s8.s32 v7;
	s23 =	ssub.s32 s2, s8;
	[dreg:$0x4] =	wrdreg s24;
	s1 =	sadd.s32 s1, s26;
	v8 =	vsel vm14, $0x4, v8;
	v6 =	vunpack.c.l.s4.s8 v6  }
0xf: {  	v11 =	vunpack.c.0.s8.s32 v9;
	s24 =	simm.s32 $0x7380;
	s26 =	simm.s32 $0x9000;
	s2 =	simm.s32 $0x13A00;
	v5 =	vunpack.c.0.s8.s32 v5;
	v8 =	vsel vm15, $0x5, v8  }
0x10: {  	s25 =	sadd.s32 $0x1000, s9;
	[dreg:$0x6] =	wrdreg s1;
	s0 =	smax.u32 s23, $0x1;
	v2 =	vlaneseq.u32;
	v1 =	vcombine.low v10, v1;
	v6 =	vunpack.c.0.s8.s32 v6  }
0x11: {  	s23 =	simm.s32 $0x7300;
	s9 =	simm.s32 $0x3;
	[dreg:$0x5] =	wrdreg s25;
	v9 =	vor.u32 $0x20, v2;
	v10 =	vcombine.low v11, v10;
	v11 =	vor.u32 $0x30, v2  }
0x12: {  	s1 =	simm.s32 $0x0;
	[dreg:$0x7] =	wrdreg s0;
	s25 =	simm.s32 $0x7400;
	v4 =	vsel vm1, $0x2, v4;
	v6 =	vcombine.low v7, v6;
	v7 =	vor.u32 $0x10, v2  }
.LBB2_1:
0x13: {  	[dreg:$0x8] =	wrdreg s1  }
0x14: {  	s0 =	simm.s32 $0x0;
	s11 =	rddreg [dreg:$0x5];
	s8 =	simm.s32 $0x5  }
0x15: {  	[tilespmem:s0], [sflag:$0x5] =	stream.linear.gather [hbm4b:s11+s0], $0x80, $0x38;
	[tilespmem:$0x19000] =	vst v63  }
0x16: {  	_ =	swait.ge [sflag:s8], $0x80  }
0x17: {  	[sflag:s8] =	ssyncset.done $0x0  }
0x18: {  	s12 =	rddreg [dreg:$0x6];
	[sflag:s8] =	ssyncadd.s32 $0xFFFFFF80  }
0x19: {  	[tilespmem:s13], [sflag:$0x5] =	stream.linear.gather [hbm4b:s12+s0], $0x40, $0x38;
	[tilespmem:$0x19000] =	vst v63  }
0x1a: {  	_ =	swait.ge [sflag:s8], $0x40  }
0x1b: {  	[sflag:s8] =	ssyncset.done $0x0  }
0x1c: {  	s12 =	simm.s32 $0x0;
	[sflag:s8] =	ssyncadd.s32 $0xFFFFFFC0  }
.LBB2_2:
0x1d: {  	s11 =	sshll.u32 s12, $0x1  }
0x1e: {  	v12 =	vmov s11  }
0x1f: {  	v13 =	vshll.u32 v12, $0x1;
	_ =	sdelay $0x1  }
0x20: {  	v14 =	vor.u32 $0x1, v13;
	_ =	sdelay $0x1  }
0x21: {  	s1 =	simm.s32 $0x0  }
0x22: {  	v13 =	vld.idx.msk [tilespmem:v13+s1+$0x0], $0xffff;
	_ =	sdelay $0x1  }
0x23: {  	v14 =	vld.idx.msk [tilespmem:v14+s1+$0x0], $0xffff;
	_ =	sdelay $0x2  }
0x24: {  	v15 =	vmul.f32 $2.500000000e-01, v13  }
0x25: {  	v22 =	vmul.f32 $1.250000000e-01, v13;
	v13 =	vmul.f32 $6.250000000e-02, v13  }
0x26: {  	v16 =	vmul.f32 $2.500000000e-01, v14;
	v15 =	vadd.f32 $8.388608000e+06, v15  }
0x27: {  	v23 =	vmul.f32 $1.250000000e-01, v14;
	v22 =	vadd.f32 $8.388608000e+06, v22;
	v13 =	vadd.f32 $8.388608000e+06, v13  }
0x28: {  	v12 =	vld.idx.msk [tilespmem:v12+s13+$0x0], $0xffff;
	v14 =	vmul.f32 $6.250000000e-02, v14;
	v16 =	vadd.f32 $8.388608000e+06, v16;
	v15 =	vadd.f32 $-8.388608000e+06, v15  }
0x29: {  	v22 =	vadd.f32 $-8.388608000e+06, v22;
	v13 =	vadd.f32 $-8.388608000e+06, v13  }
0x2a: {  	v14 =	vadd.f32 $8.388608000e+06, v14;
	v16 =	vadd.f32 $-8.388608000e+06, v16;
	v15 =	vtrunc.f32 v15  }
0x2b: {  	v22 =	vtrunc.f32 v22;
	v13 =	vtrunc.f32 v13  }
0x2c: {  	v14 =	vadd.f32 $-8.388608000e+06, v14;
	v15 =	vcvt.f32.s32 v15;
	v16 =	vtrunc.f32 v16  }
0x2d: {  	v18 =	vshll.u32 v12, $0xE;
	v22 =	vcvt.f32.s32 v22;
	v13 =	vcvt.f32.s32 v13  }
0x2e: {  	v23 =	vadd.f32 $8.388608000e+06, v23;
	v14 =	vtrunc.f32 v14;
	v16 =	vcvt.f32.s32 v16  }
0x2f: {  	v14 =	vcvt.f32.s32 v14;
	v17 =	vadd.s32 v0, v15;
	v20 =	vadd.s32 v5, v15  }
0x30: {  	vm0 =	vgt.s32 v17, $0x0;
	v19 =	vadd.s32 v1, v16;
	vm6 =	vgt.s32 v20, $0x0  }
0x31: {  	v21 =	vadd.s32 v3, v16;
	v26 =	vadd.s32 v3, v14;
	v17 =	vnsel vm0, $0x0, v17  }
0x32: {  	vm5 =	vgt.s32 v19, $0x0;
	v20 =	vnsel vm6, $0x0, v20;
	vm7 =	vgt.s32 v21, $0x0  }
0x33: {  	v17 =	vmin.u32 v17, $0x7F;
	v19 =	vnsel vm5, $0x0, v19;
	v20 =	vmin.u32 v20, $0x7F  }
0x34: {  	v21 =	vnsel vm7, $0x0, v21;
	v19 =	vmin.u32 v19, $0x7F;
	v17 =	vshll.u32 v17, $0x7  }
0x35: {  	v20 =	vshll.u32 v20, $0x7;
	v17 =	vor.u32 v19, v17;
	v19 =	vmin.u32 v21, $0x7F  }
0x36: {  	v21 =	vadd.s32 v6, v16;
	v16 =	vadd.s32 v10, v16;
	v17 =	vor.u32 v18, v17  }
0x37: {  	v19 =	vor.u32 v19, v20;
	v20 =	vadd.s32 v4, v15;
	vm9 =	vgt.s32 v21, $0x0  }
0x38: {  	v15 =	vadd.s32 v8, v15;
	vm11 =	vgt.s32 v16, $0x0;
	vm8 =	vgt.s32 v20, $0x0  }
0x39: {  	v19 =	vor.u32 v18, v19;
	v21 =	vnsel vm9, $0x0, v21;
	v20 =	vnsel vm8, $0x0, v20  }
0x3a: {  	vm10 =	vgt.s32 v15, $0x0;
	v16 =	vnsel vm11, $0x0, v16;
	v20 =	vmin.u32 v20, $0x7F  }
0x3b: {  	v21 =	vmin.u32 v21, $0x7F;
	v15 =	vnsel vm10, $0x0, v15;
	v20 =	vshll.u32 v20, $0x7  }
0x3c: {  	v15 =	vmin.u32 v15, $0x7F;
	v20 =	vor.u32 v21, v20;
	v21 =	vadd.f32 $-8.388608000e+06, v23  }
0x3d: {  	vm11 =	vgt.s32 v26, $0x0;
	v16 =	vmin.u32 v16, $0x7F;
	v15 =	vshll.u32 v15, $0x7  }
0x3e: {  	v23 =	vadd.s32 v0, v22;
	v15 =	vor.u32 v16, v15;
	v21 =	vtrunc.f32 v21  }
0x3f: {  	v20 =	vor.u32 v18, v20;
	vm12 =	vgt.s32 v23, $0x0;
	v21 =	vcvt.f32.s32 v21  }
0x40: {  	[tilespmem:v2+s14+$0x0] =	vst.idx.msk $0xffff, v17;
	v15 =	vor.u32 v18, v15;
	v18 =	vshll.u32 v12, $0xC;
	v16 =	vnsel vm12, $0x0, v23  }
0x41: {  	[tilespmem:v7+s14+$0x0] =	vst.idx.msk $0xffff, v19;
	v12 =	vshll.u32 v12, $0xA;
	v16 =	vmin.u32 v16, $0x3F;
	v24 =	vadd.s32 v1, v21  }
0x42: {  	[tilespmem:v9+s14+$0x0] =	vst.idx.msk $0xffff, v20;
	v20 =	vadd.s32 v6, v14;
	v16 =	vshll.u32 v16, $0x6;
	vm13 =	vgt.s32 v24, $0x0  }
0x43: {  	v25 =	vadd.s32 v3, v21;
	v23 =	vnsel vm13, $0x0, v24;
	v24 =	vadd.s32 v5, v22  }
0x44: {  	vm15 =	vgt.s32 v25, $0x0;
	v23 =	vmin.u32 v23, $0x3F;
	vm14 =	vgt.s32 v24, $0x0  }
0x45: {  	vm13 =	vgt.s32 v20, $0x0;
	v16 =	vor.u32 v23, v16;
	v23 =	vnsel vm14, $0x0, v24  }
0x46: {  	v24 =	vnsel vm15, $0x0, v25;
	v25 =	vadd.s32 v4, v22;
	v22 =	vadd.s32 v8, v22  }
0x47: {  	v16 =	vor.u32 v18, v16;
	v23 =	vmin.u32 v23, $0x3F;
	v24 =	vmin.u32 v24, $0x3F  }
0x48: {  	vm4 =	vgt.s32 v25, $0x0;
	vm6 =	vgt.s32 v22, $0x0;
	v23 =	vshll.u32 v23, $0x6  }
0x49: {  	v25 =	vnsel vm4, $0x0, v25;
	v22 =	vnsel vm6, $0x0, v22;
	v23 =	vor.u32 v24, v23  }
0x4a: {  	v24 =	vadd.s32 v6, v21;
	v25 =	vmin.u32 v25, $0x3F;
	v21 =	vadd.s32 v10, v21  }
0x4b: {  	v22 =	vmin.u32 v22, $0x3F;
	vm5 =	vgt.s32 v24, $0x0;
	vm7 =	vgt.s32 v21, $0x0  }
0x4c: {  	v25 =	vshll.u32 v25, $0x6;
	v24 =	vnsel vm5, $0x0, v24;
	v21 =	vnsel vm7, $0x0, v21  }
0x4d: {  	v22 =	vshll.u32 v22, $0x6;
	v24 =	vmin.u32 v24, $0x3F;
	v21 =	vmin.u32 v21, $0x3F  }
0x4e: {  	v23 =	vor.u32 v18, v23;
	v24 =	vor.u32 v24, v25;
	v21 =	vor.u32 v21, v22  }
0x4f: {  	v22 =	vadd.s32 v0, v13;
	v25 =	vadd.s32 v5, v13;
	v24 =	vor.u32 v18, v24  }
0x50: {  	v18 =	vor.u32 v18, v21;
	vm8 =	vgt.s32 v22, $0x0;
	v21 =	vadd.s32 v1, v14  }
0x51: {  	vm10 =	vgt.s32 v25, $0x0;
	v22 =	vnsel vm8, $0x0, v22;
	vm9 =	vgt.s32 v21, $0x0  }
0x52: {  	v14 =	vadd.s32 v10, v14;
	v22 =	vmin.u32 v22, $0x1F;
	v21 =	vnsel vm9, $0x0, v21  }
0x53: {  	v25 =	vnsel vm10, $0x0, v25;
	v21 =	vmin.u32 v21, $0x1F;
	v22 =	vshll.u32 v22, $0x5  }
0x54: {  	vm15 =	vgt.s32 v14, $0x0;
	v17 =	vor.u32 v21, v22;
	v22 =	vnsel vm11, $0x0, v26  }
0x55: {  	v14 =	vnsel vm15, $0x0, v14;
	v21 =	vmin.u32 v25, $0x1F;
	v19 =	vmin.u32 v22, $0x1F  }
0x56: {  	[tilespmem:v11+s14+$0x0] =	vst.idx.msk $0x1, v15;
	v21 =	vshll.u32 v21, $0x5;
	v22 =	vadd.s32 v4, v13;
	v17 =	vor.u32 v12, v17  }
0x57: {  	[tilespmem:v2+s15+$0x0] =	vst.idx.msk $0xffff, v16;
	v13 =	vadd.s32 v8, v13;
	v19 =	vor.u32 v19, v21;
	vm12 =	vgt.s32 v22, $0x0  }
0x58: {  	[tilespmem:v7+s15+$0x0] =	vst.idx.msk $0xffff, v23;
	vm14 =	vgt.s32 v13, $0x0;
	v15 =	vor.u32 v12, v19;
	v19 =	vnsel vm12, $0x0, v22  }
0x59: {  	[tilespmem:v9+s15+$0x0] =	vst.idx.msk $0xffff, v24;
	v13 =	vnsel vm14, $0x0, v13;
	v16 =	vmin.u32 v19, $0x1F;
	v19 =	vnsel vm13, $0x0, v20  }
0x5a: {  	[tilespmem:v11+s15+$0x0] =	vst.idx.msk $0x1, v18;
	v13 =	vmin.u32 v13, $0x1F;
	v19 =	vmin.u32 v19, $0x1F;
	v16 =	vshll.u32 v16, $0x5  }
0x5b: {  	v14 =	vmin.u32 v14, $0x1F;
	[tilespmem:v2+s16+$0x0] =	vst.idx.msk $0xffff, v17;
	v13 =	vshll.u32 v13, $0x5;
	v16 =	vor.u32 v19, v16  }
0x5c: {  	[tilespmem:v7+s16+$0x0] =	vst.idx.msk $0xffff, v15;
	v13 =	vor.u32 v14, v13;
	v15 =	vor.u32 v12, v16  }
0x5d: {  	v12 =	vor.u32 v12, v13;
	[tilespmem:v9+s16+$0x0] =	vst.idx.msk $0xffff, v15  }
0x5e: {  	s8 =	rddreg [dreg:$0x0];
	s0 =	sshllo.u32 s12, $0x1;
	[tilespmem:v11+s16+$0x0] =	vst.idx.msk $0x1, v12  }
0x5f: {  	[tilespmem:s18], [sflag:$0x1] =	stream.indirect.gather [hbm4b:s8+s17], $0x80, s14, s17, $0xb8;
	[tilespmem:$0x19000] =	vst v63  }
0x60: {  	v12 =	vmov s0  }
0x61: {  	v13 =	vshll.u32 v12, $0x1;
	[tilespmem:s19], [sflag:$0x1] =	stream.indirect.gather [hbm4b:s4+s17], $0x80, s15, s17, $0xb8;
	[tilespmem:$0x19000] =	vst v63  }
0x62: {  	v14 =	vor.u32 $0x1, v13  }
0x63: {  	[tilespmem:s20], [sflag:$0x1] =	stream.indirect.gather [hbm4b:s5+s17], $0x80, s16, s17, $0xb8;
	[tilespmem:$0x19000] =	vst v63  }
0x64: {  	_ = 	snop  }
0x65: {  	[tilespmem:s21], [sflag:$0x1] =	stream.indirect.gather [hbm4b:s6+s17], $0x80, s16, s17, $0xb8;
	[tilespmem:$0x19000] =	vst v63  }
0x66: {  	v13 =	vld.idx.msk [tilespmem:v13+s1+$0x0], $0xffff  }
0x67: {  	v14 =	vld.idx.msk [tilespmem:v14+s1+$0x0], $0xffff;
	_ =	sdelay $0x3  }
0x68: {  	v15 =	vmul.f32 $2.500000000e-01, v13  }
0x69: {  	v16 =	vmul.f32 $2.500000000e-01, v14;
	v22 =	vmul.f32 $1.250000000e-01, v13  }
0x6a: {  	v23 =	vmul.f32 $1.250000000e-01, v14;
	v13 =	vmul.f32 $6.250000000e-02, v13  }
0x6b: {  	v14 =	vmul.f32 $6.250000000e-02, v14;
	v15 =	vadd.f32 $8.388608000e+06, v15;
	v16 =	vadd.f32 $8.388608000e+06, v16  }
0x6c: {  	v22 =	vadd.f32 $8.388608000e+06, v22;
	v13 =	vadd.f32 $8.388608000e+06, v13  }
0x6d: {  	v12 =	vld.idx.msk [tilespmem:v12+s13+$0x0], $0xffff;
	v14 =	vadd.f32 $8.388608000e+06, v14;
	v15 =	vadd.f32 $-8.388608000e+06, v15  }
0x6e: {  	v16 =	vadd.f32 $-8.388608000e+06, v16;
	v22 =	vadd.f32 $-8.388608000e+06, v22  }
0x6f: {  	v13 =	vadd.f32 $-8.388608000e+06, v13;
	v14 =	vadd.f32 $-8.388608000e+06, v14;
	v15 =	vtrunc.f32 v15  }
0x70: {  	v16 =	vtrunc.f32 v16;
	v22 =	vtrunc.f32 v22  }
0x71: {  	v13 =	vtrunc.f32 v13;
	v14 =	vtrunc.f32 v14  }
0x72: {  	v18 =	vshll.u32 v12, $0xE;
	v15 =	vcvt.f32.s32 v15;
	v16 =	vcvt.f32.s32 v16  }
0x73: {  	v23 =	vadd.f32 $8.388608000e+06, v23;
	v22 =	vcvt.f32.s32 v22;
	v14 =	vcvt.f32.s32 v14  }
0x74: {  	v13 =	vcvt.f32.s32 v13;
	v17 =	vadd.s32 v0, v15;
	v19 =	vadd.s32 v1, v16  }
0x75: {  	v20 =	vadd.s32 v5, v15;
	v21 =	vadd.s32 v3, v16;
	v26 =	vadd.s32 v3, v14  }
0x76: {  	vm4 =	vgt.s32 v17, $0x0;
	vm5 =	vgt.s32 v19, $0x0;
	vm6 =	vgt.s32 v20, $0x0  }
0x77: {  	vm7 =	vgt.s32 v21, $0x0;
	v17 =	vnsel vm4, $0x0, v17;
	v19 =	vnsel vm5, $0x0, v19  }
0x78: {  	v20 =	vnsel vm6, $0x0, v20;
	v21 =	vnsel vm7, $0x0, v21;
	v17 =	vmin.u32 v17, $0x7F  }
0x79: {  	v19 =	vmin.u32 v19, $0x7F;
	v20 =	vmin.u32 v20, $0x7F;
	v17 =	vshll.u32 v17, $0x7  }
0x7a: {  	v20 =	vshll.u32 v20, $0x7;
	v17 =	vor.u32 v19, v17;
	v19 =	vmin.u32 v21, $0x7F  }
0x7b: {  	v21 =	vadd.s32 v6, v16;
	v16 =	vadd.s32 v10, v16;
	v17 =	vor.u32 v18, v17  }
0x7c: {  	v19 =	vor.u32 v19, v20;
	v20 =	vadd.s32 v4, v15;
	vm9 =	vgt.s32 v21, $0x0  }
0x7d: {  	v15 =	vadd.s32 v8, v15;
	vm11 =	vgt.s32 v16, $0x0;
	vm8 =	vgt.s32 v20, $0x0  }
0x7e: {  	v19 =	vor.u32 v18, v19;
	v21 =	vnsel vm9, $0x0, v21;
	v20 =	vnsel vm8, $0x0, v20  }
0x7f: {  	vm10 =	vgt.s32 v15, $0x0;
	v16 =	vnsel vm11, $0x0, v16;
	v20 =	vmin.u32 v20, $0x7F  }
0x80: {  	v21 =	vmin.u32 v21, $0x7F;
	v15 =	vnsel vm10, $0x0, v15;
	v20 =	vshll.u32 v20, $0x7  }
0x81: {  	v15 =	vmin.u32 v15, $0x7F;
	v20 =	vor.u32 v21, v20;
	v21 =	vadd.f32 $-8.388608000e+06, v23  }
0x82: {  	vm11 =	vgt.s32 v26, $0x0;
	v16 =	vmin.u32 v16, $0x7F;
	v15 =	vshll.u32 v15, $0x7  }
0x83: {  	v23 =	vadd.s32 v0, v22;
	v15 =	vor.u32 v16, v15;
	v21 =	vtrunc.f32 v21  }
0x84: {  	v20 =	vor.u32 v18, v20;
	vm12 =	vgt.s32 v23, $0x0;
	v21 =	vcvt.f32.s32 v21  }
0x85: {  	[tilespmem:v2+s22+$0x0] =	vst.idx.msk $0xffff, v17;
	v15 =	vor.u32 v18, v15;
	v18 =	vshll.u32 v12, $0xC;
	v16 =	vnsel vm12, $0x0, v23  }
0x86: {  	[tilespmem:v7+s22+$0x0] =	vst.idx.msk $0xffff, v19;
	v12 =	vshll.u32 v12, $0xA;
	v16 =	vmin.u32 v16, $0x3F;
	v24 =	vadd.s32 v1, v21  }
0x87: {  	[tilespmem:v9+s22+$0x0] =	vst.idx.msk $0xffff, v20;
	v20 =	vadd.s32 v6, v14;
	v16 =	vshll.u32 v16, $0x6;
	vm13 =	vgt.s32 v24, $0x0  }
0x88: {  	v25 =	vadd.s32 v3, v21;
	v23 =	vnsel vm13, $0x0, v24;
	v24 =	vadd.s32 v5, v22  }
0x89: {  	vm15 =	vgt.s32 v25, $0x0;
	v23 =	vmin.u32 v23, $0x3F;
	vm14 =	vgt.s32 v24, $0x0  }
0x8a: {  	vm13 =	vgt.s32 v20, $0x0;
	v16 =	vor.u32 v23, v16;
	v23 =	vnsel vm14, $0x0, v24  }
0x8b: {  	v24 =	vnsel vm15, $0x0, v25;
	v25 =	vadd.s32 v4, v22;
	v22 =	vadd.s32 v8, v22  }
0x8c: {  	v16 =	vor.u32 v18, v16;
	v23 =	vmin.u32 v23, $0x3F;
	v24 =	vmin.u32 v24, $0x3F  }
0x8d: {  	vm4 =	vgt.s32 v25, $0x0;
	vm6 =	vgt.s32 v22, $0x0;
	v23 =	vshll.u32 v23, $0x6  }
0x8e: {  	v25 =	vnsel vm4, $0x0, v25;
	v22 =	vnsel vm6, $0x0, v22;
	v23 =	vor.u32 v24, v23  }
0x8f: {  	v24 =	vadd.s32 v6, v21;
	v25 =	vmin.u32 v25, $0x3F;
	v21 =	vadd.s32 v10, v21  }
0x90: {  	v22 =	vmin.u32 v22, $0x3F;
	vm5 =	vgt.s32 v24, $0x0;
	vm7 =	vgt.s32 v21, $0x0  }
0x91: {  	v25 =	vshll.u32 v25, $0x6;
	v24 =	vnsel vm5, $0x0, v24;
	v21 =	vnsel vm7, $0x0, v21  }
0x92: {  	v22 =	vshll.u32 v22, $0x6;
	v24 =	vmin.u32 v24, $0x3F;
	v21 =	vmin.u32 v21, $0x3F  }
0x93: {  	v23 =	vor.u32 v18, v23;
	v24 =	vor.u32 v24, v25;
	v21 =	vor.u32 v21, v22  }
0x94: {  	v22 =	vadd.s32 v0, v13;
	v25 =	vadd.s32 v5, v13;
	v24 =	vor.u32 v18, v24  }
0x95: {  	v18 =	vor.u32 v18, v21;
	vm8 =	vgt.s32 v22, $0x0;
	v21 =	vadd.s32 v1, v14  }
0x96: {  	vm10 =	vgt.s32 v25, $0x0;
	v22 =	vnsel vm8, $0x0, v22;
	vm9 =	vgt.s32 v21, $0x0  }
0x97: {  	v14 =	vadd.s32 v10, v14;
	v22 =	vmin.u32 v22, $0x1F;
	v21 =	vnsel vm9, $0x0, v21  }
0x98: {  	v25 =	vnsel vm10, $0x0, v25;
	v21 =	vmin.u32 v21, $0x1F;
	v22 =	vshll.u32 v22, $0x5  }
0x99: {  	vm15 =	vgt.s32 v14, $0x0;
	v17 =	vor.u32 v21, v22;
	v22 =	vnsel vm11, $0x0, v26  }
0x9a: {  	v14 =	vnsel vm15, $0x0, v14;
	v21 =	vmin.u32 v25, $0x1F;
	v19 =	vmin.u32 v22, $0x1F  }
0x9b: {  	[tilespmem:v11+s22+$0x0] =	vst.idx.msk $0x1, v15;
	v21 =	vshll.u32 v21, $0x5;
	v22 =	vadd.s32 v4, v13;
	v17 =	vor.u32 v12, v17  }
0x9c: {  	[tilespmem:v2+s23+$0x0] =	vst.idx.msk $0xffff, v16;
	v13 =	vadd.s32 v8, v13;
	v19 =	vor.u32 v19, v21;
	vm12 =	vgt.s32 v22, $0x0  }
0x9d: {  	[tilespmem:v7+s23+$0x0] =	vst.idx.msk $0xffff, v23;
	vm14 =	vgt.s32 v13, $0x0;
	v15 =	vor.u32 v12, v19;
	v19 =	vnsel vm12, $0x0, v22  }
0x9e: {  	[tilespmem:v9+s23+$0x0] =	vst.idx.msk $0xffff, v24;
	v13 =	vnsel vm14, $0x0, v13;
	v16 =	vmin.u32 v19, $0x1F;
	v19 =	vnsel vm13, $0x0, v20  }
0x9f: {  	[tilespmem:v11+s23+$0x0] =	vst.idx.msk $0x1, v18;
	v13 =	vmin.u32 v13, $0x1F;
	v19 =	vmin.u32 v19, $0x1F;
	v16 =	vshll.u32 v16, $0x5  }
0xa0: {  	v14 =	vmin.u32 v14, $0x1F;
	[tilespmem:v2+s24+$0x0] =	vst.idx.msk $0xffff, v17;
	v13 =	vshll.u32 v13, $0x5;
	v16 =	vor.u32 v19, v16  }
0xa1: {  	[tilespmem:v7+s24+$0x0] =	vst.idx.msk $0xffff, v15;
	v13 =	vor.u32 v14, v13;
	v15 =	vor.u32 v12, v16  }
0xa2: {  	v12 =	vor.u32 v12, v13;
	[tilespmem:v9+s24+$0x0] =	vst.idx.msk $0xffff, v15  }
0xa3: {  	[tilespmem:v11+s24+$0x0] =	vst.idx.msk $0x1, v12  }
0xa4: {  	[tilespmem:s25], [sflag:$0x2] =	stream.indirect.gather [hbm4b:s8+s17], $0x80, s22, s17, $0xb8;
	[tilespmem:$0x19000] =	vst v63  }
0xa5: {  	_ = 	snop  }
0xa6: {  	[tilespmem:s26], [sflag:$0x2] =	stream.indirect.gather [hbm4b:s4+s17], $0x80, s23, s17, $0xb8;
	[tilespmem:$0x19000] =	vst v63  }
0xa7: {  	_ = 	snop  }
0xa8: {  	[tilespmem:s28], [sflag:$0x2] =	stream.indirect.gather [hbm4b:s5+s17], $0x80, s24, s17, $0xb8;
	[tilespmem:$0x19000] =	vst v63  }
0xa9: {  	_ = 	snop  }
0xaa: {  	[tilespmem:s29], [sflag:$0x2] =	stream.indirect.gather [hbm4b:s6+s17], $0x80, s24, s17, $0xb8;
	[tilespmem:$0x19000] =	vst v63  }
0xab: {  	_ =	swait.ge [sflag:s30], $0x1880  }
0xac: {  	[sflag:s30] =	ssyncset.done $0x0  }
0xad: {  	[sflag:s30] =	ssyncadd.s32 $0xFFFFE780  }
0xae: {  	_ =	swait.ge [sflag:s30], $0x1880  }
0xaf: {  	[sflag:s30] =	ssyncset.done $0x0  }
0xb0: {  	v12 =	vmov s1;
	[sflag:s30] =	ssyncadd.s32 $0xFFFFE780  }
0xb1: {  	v27 =	vshll.u32 v12, $0x7;
	_ =	swait.ge [sflag:s30], $0x1880  }
0xb2: {  	v37 =	vor.u32 v2, v27;
	[sflag:s30] =	ssyncset.done $0x0  }
0xb3: {  	[sflag:s30] =	ssyncadd.s32 $0xFFFFE780  }
0xb4: {  	_ =	swait.ge [sflag:s30], $0x1880  }
0xb5: {  	v12 =	vmul.u32 $0x31, v2;
	[sflag:s30] =	ssyncset.done $0x0  }
0xb6: {  	[sflag:s30] =	ssyncadd.s32 $0xFFFFE780  }
0xb7: {  	v14 =	vadd.s32 s1, v12;
	v13 =	vld.idx.msk [tilespmem:v37+s18+$0x0], $0xffff  }
0xb8: {  	v38 =	vor.u32 v7, v27;
	_ =	sdelay $0x3  }
0xb9: {  	[tilespmem:v14+s31+$0x0] =	vst.idx.msk $0xffff, v13;
	v13 =	vadd.s32 $0x310, v12  }
0xba: {  	v14 =	vld.idx.msk [tilespmem:v38+s18+$0x0], $0xffff;
	v15 =	vadd.s32 s1, v13  }
0xbb: {  	v39 =	vor.u32 v9, v27;
	_ =	sdelay $0x3  }
0xbc: {  	[tilespmem:v15+s31+$0x0] =	vst.idx.msk $0xffff, v14;
	v14 =	vadd.s32 $0x620, v12  }
0xbd: {  	v15 =	vld.idx.msk [tilespmem:v39+s18+$0x0], $0xffff;
	v16 =	vadd.s32 s1, v14  }
0xbe: {  	v40 =	vor.u32 v11, v27;
	_ =	sdelay $0x3  }
0xbf: {  	[tilespmem:v16+s31+$0x0] =	vst.idx.msk $0xffff, v15;
	v15 =	vadd.s32 $0x930, v12  }
0xc0: {  	v16 =	vld.idx.msk [tilespmem:v40+s18+$0x0], $0xffff;
	v17 =	vadd.s32 s1, v15;
	_ =	sdelay $0x4  }
0xc1: {  	[tilespmem:v17+s31+$0x0] =	vst.idx.msk $0xffff, v16;
	v16 =	vadd.s32 $0xC40, v12  }
0xc2: {  	v17 =	vld.idx.msk [tilespmem:v37+s19+$0x0], $0xffff;
	v18 =	vadd.s32 s1, v16;
	_ =	sdelay $0x4  }
0xc3: {  	[tilespmem:v18+s31+$0x0] =	vst.idx.msk $0xffff, v17;
	v17 =	vadd.s32 $0xF50, v12  }
0xc4: {  	v18 =	vld.idx.msk [tilespmem:v38+s19+$0x0], $0xffff;
	v19 =	vadd.s32 s1, v17;
	_ =	sdelay $0x4  }
0xc5: {  	[tilespmem:v19+s31+$0x0] =	vst.idx.msk $0xffff, v18;
	v18 =	vadd.s32 $0x1260, v12  }
0xc6: {  	v19 =	vld.idx.msk [tilespmem:v39+s19+$0x0], $0xffff;
	v20 =	vadd.s32 s1, v18;
	_ =	sdelay $0x4  }
0xc7: {  	[tilespmem:v20+s31+$0x0] =	vst.idx.msk $0xffff, v19;
	v19 =	vadd.s32 $0x1570, v12  }
0xc8: {  	v20 =	vor.u32 $0x40, v2;
	v21 =	vld.idx.msk [tilespmem:v40+s19+$0x0], $0xffff;
	v22 =	vadd.s32 s1, v19  }
0xc9: {  	v41 =	vor.u32 v20, v27;
	_ =	sdelay $0x3  }
0xca: {  	[tilespmem:v22+s31+$0x0] =	vst.idx.msk $0xffff, v21;
	v21 =	vadd.s32 $0x1880, v12  }
0xcb: {  	v22 =	vor.u32 $0x50, v2;
	v23 =	vld.idx.msk [tilespmem:v41+s19+$0x0], $0xffff;
	v24 =	vadd.s32 s1, v21  }
0xcc: {  	v42 =	vor.u32 v22, v27;
	_ =	sdelay $0x3  }
0xcd: {  	[tilespmem:v24+s31+$0x0] =	vst.idx.msk $0xffff, v23;
	v23 =	vadd.s32 $0x1B90, v12  }
0xce: {  	v24 =	vor.u32 $0x60, v2;
	v25 =	vld.idx.msk [tilespmem:v42+s19+$0x0], $0xffff;
	v26 =	vadd.s32 s1, v23  }
0xcf: {  	v43 =	vor.u32 v24, v27;
	_ =	sdelay $0x3  }
0xd0: {  	[tilespmem:v26+s31+$0x0] =	vst.idx.msk $0xffff, v25;
	v25 =	vadd.s32 $0x1EA0, v12  }
0xd1: {  	v26 =	vor.u32 $0x70, v2;
	v28 =	vld.idx.msk [tilespmem:v43+s19+$0x0], $0xffff;
	v29 =	vadd.s32 s1, v25  }
0xd2: {  	v45 =	vor.u32 v26, v27;
	_ =	sdelay $0x3  }
0xd3: {  	v27 =	vadd.s32 $0x21B0, v12;
	[tilespmem:v29+s31+$0x0] =	vst.idx.msk $0xffff, v28  }
0xd4: {  	v29 =	vadd.s32 s1, v27;
	v28 =	vld.idx.msk [tilespmem:v45+s19+$0x0], $0xffff;
	_ =	sdelay $0x4  }
0xd5: {  	[tilespmem:v29+s31+$0x0] =	vst.idx.msk $0xffff, v28;
	v28 =	vadd.s32 $0x24C0, v12  }
0xd6: {  	v29 =	vld.idx.msk [tilespmem:v37+s20+$0x0], $0xffff;
	v30 =	vadd.s32 s1, v28;
	_ =	sdelay $0x4  }
0xd7: {  	[tilespmem:v30+s31+$0x0] =	vst.idx.msk $0xffff, v29;
	v29 =	vadd.s32 $0x27D0, v12  }
0xd8: {  	v30 =	vld.idx.msk [tilespmem:v38+s20+$0x0], $0xffff;
	v31 =	vadd.s32 s1, v29;
	_ =	sdelay $0x4  }
0xd9: {  	[tilespmem:v31+s31+$0x0] =	vst.idx.msk $0xffff, v30;
	v30 =	vadd.s32 $0x2AE0, v12  }
0xda: {  	v31 =	vld.idx.msk [tilespmem:v39+s20+$0x0], $0xffff;
	v32 =	vadd.s32 s1, v30;
	_ =	sdelay $0x4  }
0xdb: {  	[tilespmem:v32+s31+$0x0] =	vst.idx.msk $0xffff, v31;
	v31 =	vadd.s32 $0x2DF0, v12  }
0xdc: {  	v32 =	vld.idx.msk [tilespmem:v40+s20+$0x0], $0xffff;
	v33 =	vadd.s32 s1, v31;
	_ =	sdelay $0x4  }
0xdd: {  	[tilespmem:v33+s31+$0x0] =	vst.idx.msk $0xffff, v32;
	v32 =	vadd.s32 $0x3100, v12  }
0xde: {  	v33 =	vld.idx.msk [tilespmem:v41+s20+$0x0], $0xffff;
	v34 =	vadd.s32 s1, v32;
	_ =	sdelay $0x4  }
0xdf: {  	[tilespmem:v34+s31+$0x0] =	vst.idx.msk $0xffff, v33;
	v33 =	vadd.s32 $0x3410, v12  }
0xe0: {  	v34 =	vld.idx.msk [tilespmem:v42+s20+$0x0], $0xffff;
	v35 =	vadd.s32 s1, v33;
	_ =	sdelay $0x4  }
0xe1: {  	[tilespmem:v35+s31+$0x0] =	vst.idx.msk $0xffff, v34;
	v34 =	vadd.s32 $0x3720, v12  }
0xe2: {  	v35 =	vld.idx.msk [tilespmem:v43+s20+$0x0], $0xffff;
	v36 =	vadd.s32 s1, v34;
	_ =	sdelay $0x4  }
0xe3: {  	[tilespmem:v36+s31+$0x0] =	vst.idx.msk $0xffff, v35;
	v35 =	vadd.s32 $0x3A30, v12  }
0xe4: {  	v36 =	vld.idx.msk [tilespmem:v45+s20+$0x0], $0xffff;
	v44 =	vadd.s32 s1, v35;
	_ =	sdelay $0x4  }
0xe5: {  	[tilespmem:v44+s31+$0x0] =	vst.idx.msk $0xffff, v36;
	v36 =	vadd.s32 $0x3D40, v12  }
0xe6: {  	v37 =	vld.idx.msk [tilespmem:v37+s21+$0x0], $0xffff;
	v57 =	vadd.s32 s1, v36;
	_ =	sdelay $0x4  }
0xe7: {  	[tilespmem:v57+s31+$0x0] =	vst.idx.msk $0xffff, v37;
	v37 =	vadd.s32 $0x4050, v12  }
0xe8: {  	v38 =	vld.idx.msk [tilespmem:v38+s21+$0x0], $0xffff;
	v58 =	vadd.s32 s1, v37;
	_ =	sdelay $0x4  }
0xe9: {  	[tilespmem:v58+s31+$0x0] =	vst.idx.msk $0xffff, v38;
	v38 =	vadd.s32 $0x4360, v12  }
0xea: {  	v39 =	vld.idx.msk [tilespmem:v39+s21+$0x0], $0xffff;
	v59 =	vadd.s32 s1, v38;
	_ =	sdelay $0x4  }
0xeb: {  	[tilespmem:v59+s31+$0x0] =	vst.idx.msk $0xffff, v39;
	v39 =	vadd.s32 $0x4670, v12  }
0xec: {  	v40 =	vld.idx.msk [tilespmem:v40+s21+$0x0], $0xffff;
	v60 =	vadd.s32 s1, v39;
	_ =	sdelay $0x4  }
0xed: {  	[tilespmem:v60+s31+$0x0] =	vst.idx.msk $0xffff, v40;
	v40 =	vadd.s32 $0x4980, v12  }
0xee: {  	v41 =	vld.idx.msk [tilespmem:v41+s21+$0x0], $0xffff;
	v61 =	vadd.s32 s1, v40;
	_ =	sdelay $0x4  }
0xef: {  	[tilespmem:v61+s31+$0x0] =	vst.idx.msk $0xffff, v41;
	v41 =	vadd.s32 $0x4C90, v12  }
0xf0: {  	v42 =	vld.idx.msk [tilespmem:v42+s21+$0x0], $0xffff;
	v62 =	vadd.s32 s1, v41;
	_ =	sdelay $0x4  }
0xf1: {  	[tilespmem:v62+s31+$0x0] =	vst.idx.msk $0xffff, v42;
	v42 =	vadd.s32 $0x4FA0, v12  }
0xf2: {  	v43 =	vld.idx.msk [tilespmem:v43+s21+$0x0], $0xffff;
	v63 =	vadd.s32 s1, v42;
	_ =	sdelay $0x4  }
0xf3: {  	s8 =	simm.s32 $0x1;
	[tilespmem:v63+s31+$0x0] =	vst.idx.msk $0xffff, v43  }
0xf4: {  	s0 =	simm.s32 $0x2;
	v44 =	vmov s8;
	v43 =	vadd.s32 $0x52B0, v12;
	v45 =	vld.idx.msk [tilespmem:v45+s21+$0x0], $0xffff  }
.LBB2_3:
0xf5: {  	p0 =	sne.s32 s0, $0x30;
	v50 =	vshll.u32 v44, $0x7;
	v46 =	vadd.s32 s1, v43;
	s1 =	smov.u32 s8;
	s8 =	smov.u32 s0  }
0xf6: {  	v44 =	vor.u32 v2, v50;
	_ =	sdelay $0x3  }
0xf7: {  	[tilespmem:v46+s31+$0x0] =	vst.idx.msk $0xffff, v45  }
0xf8: {  	v46 =	vld.idx.msk [tilespmem:v44+s18+$0x0], $0xffff  }
0xf9: {  	v47 =	vadd.s32 s1, v12  }
0xfa: {  	v45 =	vor.u32 v7, v50;
	_ =	sdelay $0x3  }
0xfb: {  	[tilespmem:v47+s31+$0x0] =	vst.idx.msk $0xffff, v46  }
0xfc: {  	v47 =	vld.idx.msk [tilespmem:v45+s18+$0x0], $0xffff  }
0xfd: {  	v48 =	vadd.s32 s1, v13  }
0xfe: {  	v46 =	vor.u32 v9, v50;
	_ =	sdelay $0x3  }
0xff: {  	[tilespmem:v48+s31+$0x0] =	vst.idx.msk $0xffff, v47  }
0x100: {  	v48 =	vld.idx.msk [tilespmem:v46+s18+$0x0], $0xffff  }
0x101: {  	v49 =	vadd.s32 s1, v14  }
0x102: {  	v47 =	vor.u32 v11, v50;
	_ =	sdelay $0x3  }
0x103: {  	[tilespmem:v49+s31+$0x0] =	vst.idx.msk $0xffff, v48  }
0x104: {  	v48 =	vld.idx.msk [tilespmem:v47+s18+$0x0], $0xffff  }
0x105: {  	v49 =	vadd.s32 s1, v15;
	_ =	sdelay $0x4  }
0x106: {  	[tilespmem:v49+s31+$0x0] =	vst.idx.msk $0xffff, v48  }
0x107: {  	v48 =	vld.idx.msk [tilespmem:v44+s19+$0x0], $0xffff  }
0x108: {  	v49 =	vadd.s32 s1, v16;
	_ =	sdelay $0x4  }
0x109: {  	[tilespmem:v49+s31+$0x0] =	vst.idx.msk $0xffff, v48  }
0x10a: {  	v48 =	vld.idx.msk [tilespmem:v45+s19+$0x0], $0xffff  }
0x10b: {  	v49 =	vadd.s32 s1, v17;
	_ =	sdelay $0x4  }
0x10c: {  	[tilespmem:v49+s31+$0x0] =	vst.idx.msk $0xffff, v48  }
0x10d: {  	v48 =	vld.idx.msk [tilespmem:v46+s19+$0x0], $0xffff  }
0x10e: {  	v49 =	vadd.s32 s1, v18;
	_ =	sdelay $0x4  }
0x10f: {  	[tilespmem:v49+s31+$0x0] =	vst.idx.msk $0xffff, v48  }
0x110: {  	v49 =	vld.idx.msk [tilespmem:v47+s19+$0x0], $0xffff  }
0x111: {  	v51 =	vadd.s32 s1, v19  }
0x112: {  	v48 =	vor.u32 v20, v50;
	_ =	sdelay $0x3  }
0x113: {  	[tilespmem:v51+s31+$0x0] =	vst.idx.msk $0xffff, v49  }
0x114: {  	v51 =	vld.idx.msk [tilespmem:v48+s19+$0x0], $0xffff  }
0x115: {  	v52 =	vadd.s32 s1, v21  }
0x116: {  	v49 =	vor.u32 v22, v50;
	_ =	sdelay $0x3  }
0x117: {  	[tilespmem:v52+s31+$0x0] =	vst.idx.msk $0xffff, v51  }
0x118: {  	v52 =	vld.idx.msk [tilespmem:v49+s19+$0x0], $0xffff  }
0x119: {  	v53 =	vadd.s32 s1, v23  }
0x11a: {  	v51 =	vor.u32 v24, v50;
	_ =	sdelay $0x3  }
0x11b: {  	[tilespmem:v53+s31+$0x0] =	vst.idx.msk $0xffff, v52  }
0x11c: {  	v52 =	vld.idx.msk [tilespmem:v51+s19+$0x0], $0xffff  }
0x11d: {  	v53 =	vadd.s32 s1, v25  }
0x11e: {  	v50 =	vor.u32 v26, v50;
	_ =	sdelay $0x3  }
0x11f: {  	[tilespmem:v53+s31+$0x0] =	vst.idx.msk $0xffff, v52  }
0x120: {  	v52 =	vld.idx.msk [tilespmem:v50+s19+$0x0], $0xffff  }
0x121: {  	v53 =	vadd.s32 s1, v27;
	_ =	sdelay $0x4  }
0x122: {  	[tilespmem:v53+s31+$0x0] =	vst.idx.msk $0xffff, v52  }
0x123: {  	v52 =	vld.idx.msk [tilespmem:v44+s20+$0x0], $0xffff  }
0x124: {  	v53 =	vadd.s32 s1, v28;
	_ =	sdelay $0x4  }
0x125: {  	[tilespmem:v53+s31+$0x0] =	vst.idx.msk $0xffff, v52  }
0x126: {  	v52 =	vld.idx.msk [tilespmem:v45+s20+$0x0], $0xffff  }
0x127: {  	v53 =	vadd.s32 s1, v29;
	_ =	sdelay $0x4  }
0x128: {  	[tilespmem:v53+s31+$0x0] =	vst.idx.msk $0xffff, v52  }
0x129: {  	v52 =	vld.idx.msk [tilespmem:v46+s20+$0x0], $0xffff  }
0x12a: {  	v53 =	vadd.s32 s1, v30;
	_ =	sdelay $0x4  }
0x12b: {  	[tilespmem:v53+s31+$0x0] =	vst.idx.msk $0xffff, v52  }
0x12c: {  	v52 =	vld.idx.msk [tilespmem:v47+s20+$0x0], $0xffff  }
0x12d: {  	v53 =	vadd.s32 s1, v31;
	_ =	sdelay $0x4  }
0x12e: {  	[tilespmem:v53+s31+$0x0] =	vst.idx.msk $0xffff, v52  }
0x12f: {  	v52 =	vld.idx.msk [tilespmem:v48+s20+$0x0], $0xffff  }
0x130: {  	v53 =	vadd.s32 s1, v32;
	_ =	sdelay $0x4  }
0x131: {  	[tilespmem:v53+s31+$0x0] =	vst.idx.msk $0xffff, v52  }
0x132: {  	v52 =	vld.idx.msk [tilespmem:v49+s20+$0x0], $0xffff  }
0x133: {  	v53 =	vadd.s32 s1, v33;
	_ =	sdelay $0x4  }
0x134: {  	[tilespmem:v53+s31+$0x0] =	vst.idx.msk $0xffff, v52  }
0x135: {  	v52 =	vld.idx.msk [tilespmem:v51+s20+$0x0], $0xffff  }
0x136: {  	v53 =	vadd.s32 s1, v34;
	_ =	sdelay $0x4  }
0x137: {  	[tilespmem:v53+s31+$0x0] =	vst.idx.msk $0xffff, v52  }
0x138: {  	v52 =	vld.idx.msk [tilespmem:v50+s20+$0x0], $0xffff  }
0x139: {  	v53 =	vadd.s32 s1, v35;
	_ =	sdelay $0x4  }
0x13a: {  	[tilespmem:v53+s31+$0x0] =	vst.idx.msk $0xffff, v52  }
0x13b: {  	v44 =	vld.idx.msk [tilespmem:v44+s21+$0x0], $0xffff  }
0x13c: {  	v52 =	vadd.s32 s1, v36;
	_ =	sdelay $0x4  }
0x13d: {  	[tilespmem:v52+s31+$0x0] =	vst.idx.msk $0xffff, v44  }
0x13e: {  	v44 =	vld.idx.msk [tilespmem:v45+s21+$0x0], $0xffff  }
0x13f: {  	v45 =	vadd.s32 s1, v37;
	_ =	sdelay $0x4  }
0x140: {  	[tilespmem:v45+s31+$0x0] =	vst.idx.msk $0xffff, v44  }
0x141: {  	v44 =	vld.idx.msk [tilespmem:v46+s21+$0x0], $0xffff  }
0x142: {  	v45 =	vadd.s32 s1, v38;
	_ =	sdelay $0x4  }
0x143: {  	[tilespmem:v45+s31+$0x0] =	vst.idx.msk $0xffff, v44  }
0x144: {  	v44 =	vld.idx.msk [tilespmem:v47+s21+$0x0], $0xffff  }
0x145: {  	v45 =	vadd.s32 s1, v39;
	_ =	sdelay $0x4  }
0x146: {  	[tilespmem:v45+s31+$0x0] =	vst.idx.msk $0xffff, v44  }
0x147: {  	v44 =	vld.idx.msk [tilespmem:v48+s21+$0x0], $0xffff  }
0x148: {  	v45 =	vadd.s32 s1, v40;
	_ =	sdelay $0x4  }
0x149: {  	[tilespmem:v45+s31+$0x0] =	vst.idx.msk $0xffff, v44  }
0x14a: {  	v44 =	vld.idx.msk [tilespmem:v49+s21+$0x0], $0xffff  }
0x14b: {  	v45 =	vadd.s32 s1, v41;
	_ =	sdelay $0x4  }
0x14c: {  	[tilespmem:v45+s31+$0x0] =	vst.idx.msk $0xffff, v44  }
0x14d: {  	v44 =	vld.idx.msk [tilespmem:v51+s21+$0x0], $0xffff  }
0x14e: {  	v45 =	vadd.s32 s1, v42;
	_ =	sdelay $0x1  }
.Ltmp0:
0x14f: {  	(pc) =	sbr.rel @p0 .LBB2_3-.Ltmp0, $3  }
0x150: {  	_ =	sdelay $0x1  }
0x151: {  	[tilespmem:v45+s31+$0x0] =	vst.idx.msk $0xffff, v44  }
0x152: {  	s0 =	sadd.s32 $0x1, s0;
	v44 =	vmov s8;
	v45 =	vld.idx.msk [tilespmem:v50+s21+$0x0], $0xffff  }
0x153: {  	v44 =	vshll.u32 v44, $0x7;
	v46 =	vadd.s32 s1, v43  }
0x154: {  	v47 =	vor.u32 v2, v44;
	_ =	sdelay $0x3  }
0x155: {  	[tilespmem:v46+s31+$0x0] =	vst.idx.msk $0xffff, v45  }
0x156: {  	v61 =	vadd.s32 s8, v12;
	v45 =	vld.idx.msk [tilespmem:v47+s18+$0x0], $0xffff  }
0x157: {  	v48 =	vor.u32 v7, v44;
	_ =	sdelay $0x3  }
0x158: {  	[tilespmem:v61+s31+$0x0] =	vst.idx.msk $0xffff, v45  }
0x159: {  	v62 =	vadd.s32 s8, v13;
	v45 =	vld.idx.msk [tilespmem:v48+s18+$0x0], $0xffff  }
0x15a: {  	v49 =	vor.u32 v9, v44;
	_ =	sdelay $0x3  }
0x15b: {  	[tilespmem:v62+s31+$0x0] =	vst.idx.msk $0xffff, v45  }
0x15c: {  	v63 =	vadd.s32 s8, v14;
	v45 =	vld.idx.msk [tilespmem:v49+s18+$0x0], $0xffff  }
0x15d: {  	v50 =	vor.u32 v11, v44;
	_ =	sdelay $0x3  }
0x15e: {  	[tilespmem:v63+s31+$0x0] =	vst.idx.msk $0xffff, v45  }
0x15f: {  	v52 =	vadd.s32 s8, v15;
	v45 =	vld.idx.msk [tilespmem:v50+s18+$0x0], $0xffff;
	_ =	sdelay $0x4  }
0x160: {  	[tilespmem:v52+s31+$0x0] =	vst.idx.msk $0xffff, v45  }
0x161: {  	v53 =	vadd.s32 s8, v16;
	v45 =	vld.idx.msk [tilespmem:v47+s19+$0x0], $0xffff;
	_ =	sdelay $0x4  }
0x162: {  	[tilespmem:v53+s31+$0x0] =	vst.idx.msk $0xffff, v45  }
0x163: {  	v54 =	vadd.s32 s8, v17;
	v45 =	vld.idx.msk [tilespmem:v48+s19+$0x0], $0xffff;
	_ =	sdelay $0x4  }
0x164: {  	[tilespmem:v54+s31+$0x0] =	vst.idx.msk $0xffff, v45  }
0x165: {  	v55 =	vadd.s32 s8, v18;
	v45 =	vld.idx.msk [tilespmem:v49+s19+$0x0], $0xffff;
	_ =	sdelay $0x4  }
0x166: {  	[tilespmem:v55+s31+$0x0] =	vst.idx.msk $0xffff, v45  }
0x167: {  	v56 =	vadd.s32 s8, v19;
	v45 =	vld.idx.msk [tilespmem:v50+s19+$0x0], $0xffff  }
0x168: {  	v51 =	vor.u32 v20, v44;
	_ =	sdelay $0x3  }
0x169: {  	[tilespmem:v56+s31+$0x0] =	vst.idx.msk $0xffff, v45  }
0x16a: {  	v57 =	vadd.s32 s8, v21;
	v45 =	vld.idx.msk [tilespmem:v51+s19+$0x0], $0xffff  }
0x16b: {  	v52 =	vor.u32 v22, v44;
	_ =	sdelay $0x3  }
0x16c: {  	[tilespmem:v57+s31+$0x0] =	vst.idx.msk $0xffff, v45  }
0x16d: {  	v58 =	vadd.s32 s8, v23;
	v45 =	vld.idx.msk [tilespmem:v52+s19+$0x0], $0xffff  }
0x16e: {  	v53 =	vor.u32 v24, v44;
	_ =	sdelay $0x3  }
0x16f: {  	[tilespmem:v58+s31+$0x0] =	vst.idx.msk $0xffff, v45  }
0x170: {  	v59 =	vadd.s32 s8, v25;
	v45 =	vld.idx.msk [tilespmem:v53+s19+$0x0], $0xffff  }
0x171: {  	v44 =	vor.u32 v26, v44;
	_ =	sdelay $0x3  }
0x172: {  	[tilespmem:v59+s31+$0x0] =	vst.idx.msk $0xffff, v45  }
0x173: {  	v60 =	vadd.s32 s8, v27;
	v45 =	vld.idx.msk [tilespmem:v44+s19+$0x0], $0xffff;
	_ =	sdelay $0x4  }
0x174: {  	[tilespmem:v60+s31+$0x0] =	vst.idx.msk $0xffff, v45  }
0x175: {  	v61 =	vadd.s32 s8, v28;
	v45 =	vld.idx.msk [tilespmem:v47+s20+$0x0], $0xffff;
	_ =	sdelay $0x4  }
0x176: {  	[tilespmem:v61+s31+$0x0] =	vst.idx.msk $0xffff, v45  }
0x177: {  	v62 =	vadd.s32 s8, v29;
	v45 =	vld.idx.msk [tilespmem:v48+s20+$0x0], $0xffff;
	_ =	sdelay $0x4  }
0x178: {  	[tilespmem:v62+s31+$0x0] =	vst.idx.msk $0xffff, v45  }
0x179: {  	v63 =	vadd.s32 s8, v30;
	v45 =	vld.idx.msk [tilespmem:v49+s20+$0x0], $0xffff;
	_ =	sdelay $0x4  }
0x17a: {  	[tilespmem:v63+s31+$0x0] =	vst.idx.msk $0xffff, v45  }
0x17b: {  	v54 =	vadd.s32 s8, v31;
	v45 =	vld.idx.msk [tilespmem:v50+s20+$0x0], $0xffff;
	_ =	sdelay $0x4  }
0x17c: {  	[tilespmem:v54+s31+$0x0] =	vst.idx.msk $0xffff, v45  }
0x17d: {  	v55 =	vadd.s32 s8, v32;
	v45 =	vld.idx.msk [tilespmem:v51+s20+$0x0], $0xffff;
	_ =	sdelay $0x4  }
0x17e: {  	[tilespmem:v55+s31+$0x0] =	vst.idx.msk $0xffff, v45  }
0x17f: {  	v56 =	vadd.s32 s8, v33;
	v45 =	vld.idx.msk [tilespmem:v52+s20+$0x0], $0xffff;
	_ =	sdelay $0x4  }
0x180: {  	[tilespmem:v56+s31+$0x0] =	vst.idx.msk $0xffff, v45  }
0x181: {  	v57 =	vadd.s32 s8, v34;
	v45 =	vld.idx.msk [tilespmem:v53+s20+$0x0], $0xffff;
	_ =	sdelay $0x4  }
0x182: {  	[tilespmem:v57+s31+$0x0] =	vst.idx.msk $0xffff, v45  }
0x183: {  	v58 =	vadd.s32 s8, v35;
	v45 =	vld.idx.msk [tilespmem:v44+s20+$0x0], $0xffff;
	_ =	sdelay $0x4  }
0x184: {  	[tilespmem:v58+s31+$0x0] =	vst.idx.msk $0xffff, v45  }
0x185: {  	v59 =	vadd.s32 s8, v36;
	v45 =	vld.idx.msk [tilespmem:v47+s21+$0x0], $0xffff;
	_ =	sdelay $0x4  }
0x186: {  	[tilespmem:v59+s31+$0x0] =	vst.idx.msk $0xffff, v45  }
0x187: {  	v60 =	vadd.s32 s8, v37;
	v45 =	vld.idx.msk [tilespmem:v48+s21+$0x0], $0xffff;
	_ =	sdelay $0x4  }
0x188: {  	[tilespmem:v60+s31+$0x0] =	vst.idx.msk $0xffff, v45  }
0x189: {  	v61 =	vadd.s32 s8, v38;
	v45 =	vld.idx.msk [tilespmem:v49+s21+$0x0], $0xffff;
	_ =	sdelay $0x4  }
0x18a: {  	[tilespmem:v61+s31+$0x0] =	vst.idx.msk $0xffff, v45  }
0x18b: {  	v62 =	vadd.s32 s8, v39;
	v45 =	vld.idx.msk [tilespmem:v50+s21+$0x0], $0xffff;
	_ =	sdelay $0x4  }
0x18c: {  	[tilespmem:v62+s31+$0x0] =	vst.idx.msk $0xffff, v45  }
0x18d: {  	v63 =	vadd.s32 s8, v40;
	v45 =	vld.idx.msk [tilespmem:v51+s21+$0x0], $0xffff;
	_ =	sdelay $0x4  }
0x18e: {  	[tilespmem:v63+s31+$0x0] =	vst.idx.msk $0xffff, v45  }
0x18f: {  	v48 =	vadd.s32 s8, v41;
	v45 =	vld.idx.msk [tilespmem:v52+s21+$0x0], $0xffff;
	_ =	sdelay $0x4  }
0x190: {  	[tilespmem:v48+s31+$0x0] =	vst.idx.msk $0xffff, v45  }
0x191: {  	v49 =	vadd.s32 s8, v42;
	v45 =	vld.idx.msk [tilespmem:v53+s21+$0x0], $0xffff;
	_ =	sdelay $0x3  }
0x192: {  	s0 =	rddreg [dreg:$0x4]  }
0x193: {  	s0 =	sadd.s32 s0, s11;
	[tilespmem:v49+s31+$0x0] =	vst.idx.msk $0xffff, v45  }
0x194: {  	s0 =	sshrl.u32 s0, $0x3;
	v50 =	vadd.s32 s8, v43;
	v44 =	vld.idx.msk [tilespmem:v44+s21+$0x0], $0xffff  }
0x195: {  	s0 =	smul.u32 $0x2B000, s0;
	s8 =	sshll.u32 s12, $0x8  }
0x196: {  	s1 =	sand.u32 $0x300, s8  }
0x197: {  	s0 =	sor.u32 s1, s0  }
0x198: {  	s1 =	sshrl.u32 s0, $0x3  }
0x199: {  	s11 =	simm.s32 $0x400;
	s0 =	sadd.s32 s7, s1;
	[tilespmem:v50+s31+$0x0] =	vst.idx.msk $0xffff, v44  }
0x19a: {  	[hbm4b:s0+s13] =	stream.strided.scatter [tilespmem:s31], [sflag:$0x3], $0x5600, s11, s13, $0x38;
	[tilespmem:$0x19000] =	vst v63  }
0x19b: {  	_ =	swait.ge [sflag:s3], $0x1880  }
0x19c: {  	[sflag:s3] =	ssyncset.done $0x0  }
0x19d: {  	[sflag:s3] =	ssyncadd.s32 $0xFFFFE780  }
0x19e: {  	_ =	swait.ge [sflag:s3], $0x1880  }
0x19f: {  	s11 =	simm.s32 $0x0;
	[sflag:s3] =	ssyncset.done $0x0  }
0x1a0: {  	v51 =	vmov s11;
	[sflag:s3] =	ssyncadd.s32 $0xFFFFE780  }
0x1a1: {  	v44 =	vshll.u32 v51, $0x7;
	_ =	swait.ge [sflag:s3], $0x1880  }
0x1a2: {  	v45 =	vor.u32 v2, v44;
	[sflag:s3] =	ssyncset.done $0x0  }
0x1a3: {  	[sflag:s3] =	ssyncadd.s32 $0xFFFFE780  }
0x1a4: {  	_ =	swait.ge [sflag:s3], $0x1880  }
0x1a5: {  	[sflag:s3] =	ssyncset.done $0x0  }
0x1a6: {  	[sflag:s3] =	ssyncadd.s32 $0xFFFFE780  }
0x1a7: {  	v53 =	vadd.s32 s11, v12;
	v52 =	vld.idx.msk [tilespmem:v45+s25+$0x0], $0xffff  }
0x1a8: {  	v48 =	vor.u32 v7, v44;
	_ =	sdelay $0x3  }
0x1a9: {  	[tilespmem:v53+s2+$0x0] =	vst.idx.msk $0xffff, v52  }
0x1aa: {  	v54 =	vadd.s32 s11, v13;
	v46 =	vld.idx.msk [tilespmem:v48+s25+$0x0], $0xffff  }
0x1ab: {  	v49 =	vor.u32 v9, v44;
	_ =	sdelay $0x3  }
0x1ac: {  	[tilespmem:v54+s2+$0x0] =	vst.idx.msk $0xffff, v46  }
0x1ad: {  	v55 =	vadd.s32 s11, v14;
	v46 =	vld.idx.msk [tilespmem:v49+s25+$0x0], $0xffff  }
0x1ae: {  	v50 =	vor.u32 v11, v44;
	_ =	sdelay $0x3  }
0x1af: {  	[tilespmem:v55+s2+$0x0] =	vst.idx.msk $0xffff, v46  }
0x1b0: {  	v56 =	vadd.s32 s11, v15;
	v46 =	vld.idx.msk [tilespmem:v50+s25+$0x0], $0xffff;
	_ =	sdelay $0x4  }
0x1b1: {  	[tilespmem:v56+s2+$0x0] =	vst.idx.msk $0xffff, v46  }
0x1b2: {  	v57 =	vadd.s32 s11, v16;
	v46 =	vld.idx.msk [tilespmem:v45+s26+$0x0], $0xffff;
	_ =	sdelay $0x4  }
0x1b3: {  	[tilespmem:v57+s2+$0x0] =	vst.idx.msk $0xffff, v46  }
0x1b4: {  	v58 =	vadd.s32 s11, v17;
	v46 =	vld.idx.msk [tilespmem:v48+s26+$0x0], $0xffff;
	_ =	sdelay $0x4  }
0x1b5: {  	[tilespmem:v58+s2+$0x0] =	vst.idx.msk $0xffff, v46  }
0x1b6: {  	v59 =	vadd.s32 s11, v18;
	v46 =	vld.idx.msk [tilespmem:v49+s26+$0x0], $0xffff;
	_ =	sdelay $0x4  }
0x1b7: {  	[tilespmem:v59+s2+$0x0] =	vst.idx.msk $0xffff, v46  }
0x1b8: {  	v60 =	vadd.s32 s11, v19;
	v46 =	vld.idx.msk [tilespmem:v50+s26+$0x0], $0xffff  }
0x1b9: {  	v51 =	vor.u32 v20, v44;
	_ =	sdelay $0x3  }
0x1ba: {  	[tilespmem:v60+s2+$0x0] =	vst.idx.msk $0xffff, v46  }
0x1bb: {  	v61 =	vadd.s32 s11, v21;
	v46 =	vld.idx.msk [tilespmem:v51+s26+$0x0], $0xffff  }
0x1bc: {  	v52 =	vor.u32 v22, v44;
	_ =	sdelay $0x3  }
0x1bd: {  	[tilespmem:v61+s2+$0x0] =	vst.idx.msk $0xffff, v46  }
0x1be: {  	v62 =	vadd.s32 s11, v23;
	v46 =	vld.idx.msk [tilespmem:v52+s26+$0x0], $0xffff  }
0x1bf: {  	v53 =	vor.u32 v24, v44;
	_ =	sdelay $0x3  }
0x1c0: {  	[tilespmem:v62+s2+$0x0] =	vst.idx.msk $0xffff, v46  }
0x1c1: {  	v63 =	vadd.s32 s11, v25;
	v46 =	vld.idx.msk [tilespmem:v53+s26+$0x0], $0xffff  }
0x1c2: {  	v54 =	vor.u32 v26, v44;
	_ =	sdelay $0x3  }
0x1c3: {  	[tilespmem:v63+s2+$0x0] =	vst.idx.msk $0xffff, v46  }
0x1c4: {  	v57 =	vadd.s32 s11, v27;
	v44 =	vld.idx.msk [tilespmem:v54+s26+$0x0], $0xffff;
	_ =	sdelay $0x4  }
0x1c5: {  	[tilespmem:v57+s2+$0x0] =	vst.idx.msk $0xffff, v44  }
0x1c6: {  	v58 =	vadd.s32 s11, v28;
	v44 =	vld.idx.msk [tilespmem:v45+s28+$0x0], $0xffff;
	_ =	sdelay $0x4  }
0x1c7: {  	[tilespmem:v58+s2+$0x0] =	vst.idx.msk $0xffff, v44  }
0x1c8: {  	v59 =	vadd.s32 s11, v29;
	v44 =	vld.idx.msk [tilespmem:v48+s28+$0x0], $0xffff;
	_ =	sdelay $0x4  }
0x1c9: {  	[tilespmem:v59+s2+$0x0] =	vst.idx.msk $0xffff, v44  }
0x1ca: {  	v60 =	vadd.s32 s11, v30;
	v44 =	vld.idx.msk [tilespmem:v49+s28+$0x0], $0xffff;
	_ =	sdelay $0x4  }
0x1cb: {  	[tilespmem:v60+s2+$0x0] =	vst.idx.msk $0xffff, v44  }
0x1cc: {  	v61 =	vadd.s32 s11, v31;
	v44 =	vld.idx.msk [tilespmem:v50+s28+$0x0], $0xffff;
	_ =	sdelay $0x4  }
0x1cd: {  	[tilespmem:v61+s2+$0x0] =	vst.idx.msk $0xffff, v44  }
0x1ce: {  	v62 =	vadd.s32 s11, v32;
	v44 =	vld.idx.msk [tilespmem:v51+s28+$0x0], $0xffff;
	_ =	sdelay $0x4  }
0x1cf: {  	[tilespmem:v62+s2+$0x0] =	vst.idx.msk $0xffff, v44  }
0x1d0: {  	v63 =	vadd.s32 s11, v33;
	v44 =	vld.idx.msk [tilespmem:v52+s28+$0x0], $0xffff;
	_ =	sdelay $0x4  }
0x1d1: {  	[tilespmem:v63+s2+$0x0] =	vst.idx.msk $0xffff, v44  }
0x1d2: {  	v55 =	vadd.s32 s11, v34;
	v44 =	vld.idx.msk [tilespmem:v53+s28+$0x0], $0xffff;
	_ =	sdelay $0x4  }
0x1d3: {  	[tilespmem:v55+s2+$0x0] =	vst.idx.msk $0xffff, v44  }
0x1d4: {  	v56 =	vadd.s32 s11, v35;
	v44 =	vld.idx.msk [tilespmem:v54+s28+$0x0], $0xffff;
	_ =	sdelay $0x4  }
0x1d5: {  	[tilespmem:v56+s2+$0x0] =	vst.idx.msk $0xffff, v44  }
0x1d6: {  	v57 =	vadd.s32 s11, v36;
	v44 =	vld.idx.msk [tilespmem:v45+s29+$0x0], $0xffff;
	_ =	sdelay $0x4  }
0x1d7: {  	[tilespmem:v57+s2+$0x0] =	vst.idx.msk $0xffff, v44  }
0x1d8: {  	v58 =	vadd.s32 s11, v37;
	v44 =	vld.idx.msk [tilespmem:v48+s29+$0x0], $0xffff;
	_ =	sdelay $0x4  }
0x1d9: {  	[tilespmem:v58+s2+$0x0] =	vst.idx.msk $0xffff, v44  }
0x1da: {  	v59 =	vadd.s32 s11, v38;
	v44 =	vld.idx.msk [tilespmem:v49+s29+$0x0], $0xffff;
	_ =	sdelay $0x4  }
0x1db: {  	[tilespmem:v59+s2+$0x0] =	vst.idx.msk $0xffff, v44  }
0x1dc: {  	v60 =	vadd.s32 s11, v39;
	v44 =	vld.idx.msk [tilespmem:v50+s29+$0x0], $0xffff;
	_ =	sdelay $0x4  }
0x1dd: {  	[tilespmem:v60+s2+$0x0] =	vst.idx.msk $0xffff, v44  }
0x1de: {  	v61 =	vadd.s32 s11, v40;
	v44 =	vld.idx.msk [tilespmem:v51+s29+$0x0], $0xffff;
	_ =	sdelay $0x4  }
0x1df: {  	[tilespmem:v61+s2+$0x0] =	vst.idx.msk $0xffff, v44  }
0x1e0: {  	v62 =	vadd.s32 s11, v41;
	v44 =	vld.idx.msk [tilespmem:v52+s29+$0x0], $0xffff;
	_ =	sdelay $0x4  }
0x1e1: {  	[tilespmem:v62+s2+$0x0] =	vst.idx.msk $0xffff, v44  }
0x1e2: {  	v63 =	vadd.s32 s11, v42;
	v44 =	vld.idx.msk [tilespmem:v53+s29+$0x0], $0xffff;
	_ =	sdelay $0x4  }
0x1e3: {  	s8 =	simm.s32 $0x1;
	[tilespmem:v63+s2+$0x0] =	vst.idx.msk $0xffff, v44  }
0x1e4: {  	s0 =	simm.s32 $0x2;
	v44 =	vmov s8;
	v45 =	vld.idx.msk [tilespmem:v54+s29+$0x0], $0xffff  }
.LBB2_5:
0x1e5: {  	p0 =	sne.s32 s0, $0x30;
	v50 =	vshll.u32 v44, $0x7;
	v46 =	vadd.s32 s11, v43;
	s11 =	smov.u32 s8;
	s8 =	smov.u32 s0  }
0x1e6: {  	v44 =	vor.u32 v2, v50;
	_ =	sdelay $0x3  }
0x1e7: {  	[tilespmem:v46+s2+$0x0] =	vst.idx.msk $0xffff, v45  }
0x1e8: {  	v46 =	vld.idx.msk [tilespmem:v44+s25+$0x0], $0xffff  }
0x1e9: {  	v47 =	vadd.s32 s11, v12  }
0x1ea: {  	v45 =	vor.u32 v7, v50;
	_ =	sdelay $0x3  }
0x1eb: {  	[tilespmem:v47+s2+$0x0] =	vst.idx.msk $0xffff, v46  }
0x1ec: {  	v47 =	vld.idx.msk [tilespmem:v45+s25+$0x0], $0xffff  }
0x1ed: {  	v48 =	vadd.s32 s11, v13  }
0x1ee: {  	v46 =	vor.u32 v9, v50;
	_ =	sdelay $0x3  }
0x1ef: {  	[tilespmem:v48+s2+$0x0] =	vst.idx.msk $0xffff, v47  }
0x1f0: {  	v48 =	vld.idx.msk [tilespmem:v46+s25+$0x0], $0xffff  }
0x1f1: {  	v49 =	vadd.s32 s11, v14  }
0x1f2: {  	v47 =	vor.u32 v11, v50;
	_ =	sdelay $0x3  }
0x1f3: {  	[tilespmem:v49+s2+$0x0] =	vst.idx.msk $0xffff, v48  }
0x1f4: {  	v48 =	vld.idx.msk [tilespmem:v47+s25+$0x0], $0xffff  }
0x1f5: {  	v49 =	vadd.s32 s11, v15;
	_ =	sdelay $0x4  }
0x1f6: {  	[tilespmem:v49+s2+$0x0] =	vst.idx.msk $0xffff, v48  }
0x1f7: {  	v48 =	vld.idx.msk [tilespmem:v44+s26+$0x0], $0xffff  }
0x1f8: {  	v49 =	vadd.s32 s11, v16;
	_ =	sdelay $0x4  }
0x1f9: {  	[tilespmem:v49+s2+$0x0] =	vst.idx.msk $0xffff, v48  }
0x1fa: {  	v48 =	vld.idx.msk [tilespmem:v45+s26+$0x0], $0xffff  }
0x1fb: {  	v49 =	vadd.s32 s11, v17;
	_ =	sdelay $0x4  }
0x1fc: {  	[tilespmem:v49+s2+$0x0] =	vst.idx.msk $0xffff, v48  }
0x1fd: {  	v48 =	vld.idx.msk [tilespmem:v46+s26+$0x0], $0xffff  }
0x1fe: {  	v49 =	vadd.s32 s11, v18;
	_ =	sdelay $0x4  }
0x1ff: {  	[tilespmem:v49+s2+$0x0] =	vst.idx.msk $0xffff, v48  }
0x200: {  	v49 =	vld.idx.msk [tilespmem:v47+s26+$0x0], $0xffff  }
0x201: {  	v51 =	vadd.s32 s11, v19  }
0x202: {  	v48 =	vor.u32 v20, v50;
	_ =	sdelay $0x3  }
0x203: {  	[tilespmem:v51+s2+$0x0] =	vst.idx.msk $0xffff, v49  }
0x204: {  	v51 =	vld.idx.msk [tilespmem:v48+s26+$0x0], $0xffff  }
0x205: {  	v52 =	vadd.s32 s11, v21  }
0x206: {  	v49 =	vor.u32 v22, v50;
	_ =	sdelay $0x3  }
0x207: {  	[tilespmem:v52+s2+$0x0] =	vst.idx.msk $0xffff, v51  }
0x208: {  	v52 =	vld.idx.msk [tilespmem:v49+s26+$0x0], $0xffff  }
0x209: {  	v53 =	vadd.s32 s11, v23  }
0x20a: {  	v51 =	vor.u32 v24, v50;
	_ =	sdelay $0x3  }
0x20b: {  	[tilespmem:v53+s2+$0x0] =	vst.idx.msk $0xffff, v52  }
0x20c: {  	v52 =	vld.idx.msk [tilespmem:v51+s26+$0x0], $0xffff  }
0x20d: {  	v53 =	vadd.s32 s11, v25  }
0x20e: {  	v50 =	vor.u32 v26, v50;
	_ =	sdelay $0x3  }
0x20f: {  	[tilespmem:v53+s2+$0x0] =	vst.idx.msk $0xffff, v52  }
0x210: {  	v52 =	vld.idx.msk [tilespmem:v50+s26+$0x0], $0xffff  }
0x211: {  	v53 =	vadd.s32 s11, v27;
	_ =	sdelay $0x4  }
0x212: {  	[tilespmem:v53+s2+$0x0] =	vst.idx.msk $0xffff, v52  }
0x213: {  	v52 =	vld.idx.msk [tilespmem:v44+s28+$0x0], $0xffff  }
0x214: {  	v53 =	vadd.s32 s11, v28;
	_ =	sdelay $0x4  }
0x215: {  	[tilespmem:v53+s2+$0x0] =	vst.idx.msk $0xffff, v52  }
0x216: {  	v52 =	vld.idx.msk [tilespmem:v45+s28+$0x0], $0xffff  }
0x217: {  	v53 =	vadd.s32 s11, v29;
	_ =	sdelay $0x4  }
0x218: {  	[tilespmem:v53+s2+$0x0] =	vst.idx.msk $0xffff, v52  }
0x219: {  	v52 =	vld.idx.msk [tilespmem:v46+s28+$0x0], $0xffff  }
0x21a: {  	v53 =	vadd.s32 s11, v30;
	_ =	sdelay $0x4  }
0x21b: {  	[tilespmem:v53+s2+$0x0] =	vst.idx.msk $0xffff, v52  }
0x21c: {  	v52 =	vld.idx.msk [tilespmem:v47+s28+$0x0], $0xffff  }
0x21d: {  	v53 =	vadd.s32 s11, v31;
	_ =	sdelay $0x4  }
0x21e: {  	[tilespmem:v53+s2+$0x0] =	vst.idx.msk $0xffff, v52  }
0x21f: {  	v52 =	vld.idx.msk [tilespmem:v48+s28+$0x0], $0xffff  }
0x220: {  	v53 =	vadd.s32 s11, v32;
	_ =	sdelay $0x4  }
0x221: {  	[tilespmem:v53+s2+$0x0] =	vst.idx.msk $0xffff, v52  }
0x222: {  	v52 =	vld.idx.msk [tilespmem:v49+s28+$0x0], $0xffff  }
0x223: {  	v53 =	vadd.s32 s11, v33;
	_ =	sdelay $0x4  }
0x224: {  	[tilespmem:v53+s2+$0x0] =	vst.idx.msk $0xffff, v52  }
0x225: {  	v52 =	vld.idx.msk [tilespmem:v51+s28+$0x0], $0xffff  }
0x226: {  	v53 =	vadd.s32 s11, v34;
	_ =	sdelay $0x4  }
0x227: {  	[tilespmem:v53+s2+$0x0] =	vst.idx.msk $0xffff, v52  }
0x228: {  	v52 =	vld.idx.msk [tilespmem:v50+s28+$0x0], $0xffff  }
0x229: {  	v53 =	vadd.s32 s11, v35;
	_ =	sdelay $0x4  }
0x22a: {  	[tilespmem:v53+s2+$0x0] =	vst.idx.msk $0xffff, v52  }
0x22b: {  	v44 =	vld.idx.msk [tilespmem:v44+s29+$0x0], $0xffff  }
0x22c: {  	v52 =	vadd.s32 s11, v36;
	_ =	sdelay $0x4  }
0x22d: {  	[tilespmem:v52+s2+$0x0] =	vst.idx.msk $0xffff, v44  }
0x22e: {  	v44 =	vld.idx.msk [tilespmem:v45+s29+$0x0], $0xffff  }
0x22f: {  	v45 =	vadd.s32 s11, v37;
	_ =	sdelay $0x4  }
0x230: {  	[tilespmem:v45+s2+$0x0] =	vst.idx.msk $0xffff, v44  }
0x231: {  	v44 =	vld.idx.msk [tilespmem:v46+s29+$0x0], $0xffff  }
0x232: {  	v45 =	vadd.s32 s11, v38;
	_ =	sdelay $0x4  }
0x233: {  	[tilespmem:v45+s2+$0x0] =	vst.idx.msk $0xffff, v44  }
0x234: {  	v44 =	vld.idx.msk [tilespmem:v47+s29+$0x0], $0xffff  }
0x235: {  	v45 =	vadd.s32 s11, v39;
	_ =	sdelay $0x4  }
0x236: {  	[tilespmem:v45+s2+$0x0] =	vst.idx.msk $0xffff, v44  }
0x237: {  	v44 =	vld.idx.msk [tilespmem:v48+s29+$0x0], $0xffff  }
0x238: {  	v45 =	vadd.s32 s11, v40;
	_ =	sdelay $0x4  }
0x239: {  	[tilespmem:v45+s2+$0x0] =	vst.idx.msk $0xffff, v44  }
0x23a: {  	v44 =	vld.idx.msk [tilespmem:v49+s29+$0x0], $0xffff  }
0x23b: {  	v45 =	vadd.s32 s11, v41;
	_ =	sdelay $0x4  }
0x23c: {  	[tilespmem:v45+s2+$0x0] =	vst.idx.msk $0xffff, v44  }
0x23d: {  	v44 =	vld.idx.msk [tilespmem:v51+s29+$0x0], $0xffff  }
0x23e: {  	v45 =	vadd.s32 s11, v42;
	_ =	sdelay $0x1  }
.Ltmp1:
0x23f: {  	(pc) =	sbr.rel @p0 .LBB2_5-.Ltmp1, $3  }
0x240: {  	_ =	sdelay $0x1  }
0x241: {  	[tilespmem:v45+s2+$0x0] =	vst.idx.msk $0xffff, v44  }
0x242: {  	s0 =	sadd.s32 $0x1, s0;
	v44 =	vmov s8;
	v45 =	vld.idx.msk [tilespmem:v50+s29+$0x0], $0xffff  }
0x243: {  	v44 =	vshll.u32 v44, $0x7;
	v46 =	vadd.s32 s11, v43  }
0x244: {  	v47 =	vor.u32 v2, v44;
	_ =	sdelay $0x3  }
0x245: {  	[tilespmem:v46+s2+$0x0] =	vst.idx.msk $0xffff, v45  }
0x246: {  	v12 =	vadd.s32 s8, v12;
	v45 =	vld.idx.msk [tilespmem:v47+s25+$0x0], $0xffff  }
0x247: {  	v46 =	vor.u32 v7, v44;
	_ =	sdelay $0x3  }
0x248: {  	[tilespmem:v12+s2+$0x0] =	vst.idx.msk $0xffff, v45  }
0x249: {  	v13 =	vadd.s32 s8, v13;
	v12 =	vld.idx.msk [tilespmem:v46+s25+$0x0], $0xffff  }
0x24a: {  	v45 =	vor.u32 v9, v44;
	_ =	sdelay $0x3  }
0x24b: {  	[tilespmem:v13+s2+$0x0] =	vst.idx.msk $0xffff, v12  }
0x24c: {  	v57 =	vadd.s32 s8, v14;
	v12 =	vld.idx.msk [tilespmem:v45+s25+$0x0], $0xffff  }
0x24d: {  	v14 =	vor.u32 v11, v44;
	_ =	sdelay $0x3  }
0x24e: {  	[tilespmem:v57+s2+$0x0] =	vst.idx.msk $0xffff, v12  }
0x24f: {  	v58 =	vadd.s32 s8, v15;
	v12 =	vld.idx.msk [tilespmem:v14+s25+$0x0], $0xffff;
	_ =	sdelay $0x4  }
0x250: {  	[tilespmem:v58+s2+$0x0] =	vst.idx.msk $0xffff, v12  }
0x251: {  	v59 =	vadd.s32 s8, v16;
	v12 =	vld.idx.msk [tilespmem:v47+s26+$0x0], $0xffff;
	_ =	sdelay $0x4  }
0x252: {  	[tilespmem:v59+s2+$0x0] =	vst.idx.msk $0xffff, v12  }
0x253: {  	v60 =	vadd.s32 s8, v17;
	v12 =	vld.idx.msk [tilespmem:v46+s26+$0x0], $0xffff;
	_ =	sdelay $0x4  }
0x254: {  	[tilespmem:v60+s2+$0x0] =	vst.idx.msk $0xffff, v12  }
0x255: {  	v61 =	vadd.s32 s8, v18;
	v12 =	vld.idx.msk [tilespmem:v45+s26+$0x0], $0xffff;
	_ =	sdelay $0x4  }
0x256: {  	[tilespmem:v61+s2+$0x0] =	vst.idx.msk $0xffff, v12  }
0x257: {  	v62 =	vadd.s32 s8, v19;
	v12 =	vld.idx.msk [tilespmem:v14+s26+$0x0], $0xffff  }
0x258: {  	v63 =	vor.u32 v20, v44;
	_ =	sdelay $0x3  }
0x259: {  	[tilespmem:v62+s2+$0x0] =	vst.idx.msk $0xffff, v12  }
0x25a: {  	v21 =	vadd.s32 s8, v21;
	v12 =	vld.idx.msk [tilespmem:v63+s26+$0x0], $0xffff  }
0x25b: {  	v22 =	vor.u32 v22, v44;
	_ =	sdelay $0x3  }
0x25c: {  	[tilespmem:v21+s2+$0x0] =	vst.idx.msk $0xffff, v12  }
0x25d: {  	v23 =	vadd.s32 s8, v23;
	v12 =	vld.idx.msk [tilespmem:v22+s26+$0x0], $0xffff  }
0x25e: {  	v24 =	vor.u32 v24, v44;
	_ =	sdelay $0x3  }
0x25f: {  	[tilespmem:v23+s2+$0x0] =	vst.idx.msk $0xffff, v12  }
0x260: {  	v25 =	vadd.s32 s8, v25;
	v12 =	vld.idx.msk [tilespmem:v24+s26+$0x0], $0xffff  }
0x261: {  	v26 =	vor.u32 v26, v44;
	_ =	sdelay $0x3  }
0x262: {  	[tilespmem:v25+s2+$0x0] =	vst.idx.msk $0xffff, v12  }
0x263: {  	v44 =	vadd.s32 s8, v27;
	v12 =	vld.idx.msk [tilespmem:v26+s26+$0x0], $0xffff;
	_ =	sdelay $0x4  }
0x264: {  	[tilespmem:v44+s2+$0x0] =	vst.idx.msk $0xffff, v12  }
0x265: {  	v48 =	vadd.s32 s8, v28;
	v12 =	vld.idx.msk [tilespmem:v47+s28+$0x0], $0xffff;
	_ =	sdelay $0x4  }
0x266: {  	[tilespmem:v48+s2+$0x0] =	vst.idx.msk $0xffff, v12  }
0x267: {  	v49 =	vadd.s32 s8, v29;
	v12 =	vld.idx.msk [tilespmem:v46+s28+$0x0], $0xffff;
	_ =	sdelay $0x4  }
0x268: {  	[tilespmem:v49+s2+$0x0] =	vst.idx.msk $0xffff, v12  }
0x269: {  	v50 =	vadd.s32 s8, v30;
	v12 =	vld.idx.msk [tilespmem:v45+s28+$0x0], $0xffff;
	_ =	sdelay $0x4  }
0x26a: {  	[tilespmem:v50+s2+$0x0] =	vst.idx.msk $0xffff, v12  }
0x26b: {  	v51 =	vadd.s32 s8, v31;
	v12 =	vld.idx.msk [tilespmem:v14+s28+$0x0], $0xffff;
	_ =	sdelay $0x4  }
0x26c: {  	[tilespmem:v51+s2+$0x0] =	vst.idx.msk $0xffff, v12  }
0x26d: {  	v52 =	vadd.s32 s8, v32;
	v12 =	vld.idx.msk [tilespmem:v63+s28+$0x0], $0xffff;
	_ =	sdelay $0x4  }
0x26e: {  	[tilespmem:v52+s2+$0x0] =	vst.idx.msk $0xffff, v12  }
0x26f: {  	v53 =	vadd.s32 s8, v33;
	v12 =	vld.idx.msk [tilespmem:v22+s28+$0x0], $0xffff;
	_ =	sdelay $0x4  }
0x270: {  	[tilespmem:v53+s2+$0x0] =	vst.idx.msk $0xffff, v12  }
0x271: {  	v54 =	vadd.s32 s8, v34;
	v12 =	vld.idx.msk [tilespmem:v24+s28+$0x0], $0xffff;
	_ =	sdelay $0x4  }
0x272: {  	[tilespmem:v54+s2+$0x0] =	vst.idx.msk $0xffff, v12  }
0x273: {  	v55 =	vadd.s32 s8, v35;
	v12 =	vld.idx.msk [tilespmem:v26+s28+$0x0], $0xffff;
	_ =	sdelay $0x4  }
0x274: {  	[tilespmem:v55+s2+$0x0] =	vst.idx.msk $0xffff, v12  }
0x275: {  	v56 =	vadd.s32 s8, v36;
	v12 =	vld.idx.msk [tilespmem:v47+s29+$0x0], $0xffff;
	_ =	sdelay $0x4  }
0x276: {  	[tilespmem:v56+s2+$0x0] =	vst.idx.msk $0xffff, v12  }
0x277: {  	v57 =	vadd.s32 s8, v37;
	v12 =	vld.idx.msk [tilespmem:v46+s29+$0x0], $0xffff;
	_ =	sdelay $0x4  }
0x278: {  	[tilespmem:v57+s2+$0x0] =	vst.idx.msk $0xffff, v12  }
0x279: {  	v58 =	vadd.s32 s8, v38;
	v12 =	vld.idx.msk [tilespmem:v45+s29+$0x0], $0xffff;
	_ =	sdelay $0x4  }
0x27a: {  	[tilespmem:v58+s2+$0x0] =	vst.idx.msk $0xffff, v12  }
0x27b: {  	v59 =	vadd.s32 s8, v39;
	v12 =	vld.idx.msk [tilespmem:v14+s29+$0x0], $0xffff;
	_ =	sdelay $0x4  }
0x27c: {  	[tilespmem:v59+s2+$0x0] =	vst.idx.msk $0xffff, v12  }
0x27d: {  	v60 =	vadd.s32 s8, v40;
	v12 =	vld.idx.msk [tilespmem:v63+s29+$0x0], $0xffff;
	_ =	sdelay $0x4  }
0x27e: {  	[tilespmem:v60+s2+$0x0] =	vst.idx.msk $0xffff, v12  }
0x27f: {  	v61 =	vadd.s32 s8, v41;
	v12 =	vld.idx.msk [tilespmem:v22+s29+$0x0], $0xffff;
	_ =	sdelay $0x4  }
0x280: {  	[tilespmem:v61+s2+$0x0] =	vst.idx.msk $0xffff, v12  }
0x281: {  	v62 =	vadd.s32 s8, v42;
	v12 =	vld.idx.msk [tilespmem:v24+s29+$0x0], $0xffff;
	_ =	sdelay $0x4  }
0x282: {  	[tilespmem:v62+s2+$0x0] =	vst.idx.msk $0xffff, v12  }
0x283: {  	v63 =	vadd.s32 s8, v43;
	v12 =	vld.idx.msk [tilespmem:v26+s29+$0x0], $0xffff;
	_ =	sdelay $0x3  }
0x284: {  	s0 =	sadd.s32 s1, s7  }
0x285: {  	s11 =	simm.s32 $0x400;
	s12 =	sadd.s32 $0x1, s12;
	s0 =	sadd.s32 $0x10, s0;
	[tilespmem:v63+s2+$0x0] =	vst.idx.msk $0xffff, v12  }
0x286: {  	[hbm4b:s0+s13] =	stream.strided.scatter [tilespmem:s2], [sflag:$0x4], $0x5600, s11, s13, $0x38;
	[tilespmem:$0x19000] =	vst v63  }
0x287: {  	p0 =	sne.s32 s12, $0x20;
	_ =	swait.ge [sflag:s9], $0x5600  }
.Ltmp2:
0x288: {  	[sflag:s9] =	ssyncset.done $0x0;
	(pc) =	sbr.rel @p0 .LBB2_2-.Ltmp2, $4  }
0x289: {  	[sflag:s9] =	ssyncadd.s32 $0xFFFFAA00  }
0x28a: {  	_ =	swait.ge [sflag:s10], $0x5600  }
0x28b: {  	[sflag:s10] =	ssyncset.done $0x0  }
0x28c: {  	[sflag:s10] =	ssyncadd.s32 $0xFFFFAA00  }
0x28d: {  	s1 =	rddreg [dreg:$0x8]  }
0x28e: {  	s0 =	rddreg [dreg:$0x7];
	s1 =	sadd.s32 $0x1, s1  }
0x28f: {  	p0 =	sne.s32 s1, s0  }
.Ltmp3:
0x290: {  	_ = 	snop;
	(pc) =	sbr.rel @p0 .LBB2_1-.Ltmp3, $1  }
0x291: {  	_ =	sdelay $0x3  }
0x292: {  	_ =	sfence.sel $0x180000  }
0x293: {  	[bflag:$0x0] =	sbarrier.arrive $0xFFFF  }
0x294: {  	_ =	strace $0x90000047  }
0x295: {  	s0 =	stileid.u32;
	[bflag:$0x2] =	sbarrier.arrive $0xFFFF  }
0x296: {  	p0 =	sne.s32 s0, $0x0;
	s0 =	rddreg [dreg:$0x3]  }
0x297: {  	s0 =	sadd.s32 @!p0 $0x100000, s0  }
0x298: {  	[sflag:s0] =	ssyncadd.tile.s32 @!p0 $0x1;
	_ =	shalt  }
.Lfunc_end2:
_tile_overlayer_lowered:
.L_overlay_start_2:
0x299: {  	(tag) =	ssettag $0x2  }
0x29a: {  	s0 =	rddreg [dreg:$0x0];
	s2 =	stileid.u32  }
0x29b: {  	s1 =	rddreg [dreg:$0x1];
	p0 =	sne.s32 s2, $0x0  }
0x29c: {  	s3 =	rddreg [dreg:$0x2];
	[bflag:$0x3] =	sbarrier.arrive $0xFFFF;
	s2 =	simm.s32 @!p0 $0x1C05  }
0x29d: {  	[timem:s3], [sflag:s2] =	dma.local @!p0 [hbm:s0], s1  }
0x29e: {  	s0 =	simm.s32 @!p0 $0x5  }
0x29f: {  	_ =	swait.ge @!p0 [sflag:s0], s1  }
0x2a0: {  	s1 =	ssub.s32 @!p0 $0x0, s1;
	[sflag:s0] =	ssyncset.done @!p0 $0x0  }
0x2a1: {  	[sflag:s0] =	ssyncadd.s32 @!p0 s1  }
0x2a2: {  	[bflag:$0x3] =	sbarrier.arrive $0xFFFF  }
0x2a3: {  	_ =	shalt  }

// kernel: sparse-core-data-format-call.cloned.1.call-start
scs
called_computation_lowered:
.L_overlay_start_0:
0x0: {  	s2 =	sld [smem:$0x3FD9]  }
0x1: {  	s3 =	sld [smem:$0x3FFE];
	_ =	sdelay $0x1  }
0x2: {  	s1 =	srdreg.scid  }
0x3: {  	s0 =	sand.u32 $0x1, s1  }
0x4: {  	s18 =	sshll.u32 s0, $0xA;
	s2 =	sadd.s32 s3, s2  }
0x5: {  	s2 =	sadd.s32 s2, s18  }
0x6: {  	[smem:$0x3FC3] =	sst s2  }
0x7: {  	_ = 	snop  }
0x8: {  	s2 =	sld [smem:$0x3FD0];
	(tm) =	ssettm $0x1  }
0x9: {  	s19 =	sld [smem:$0x3FFB];
	_ =	sdelay $0x3  }
0xa: {  	_ =	strace s19  }
0xb: {  	s3 =	sld [smem:$0x3FFC];
	_ =	sdelay $0x3  }
0xc: {  	_ =	strace s3  }
0xd: {  	s3 =	sld [smem:$0x3FFD];
	_ =	sdelay $0x3  }
0xe: {  	_ =	strace s3  }
0xf: {  	_ =	strace $0x8FFFFFFF  }
0x10: {  	s20 =	sld [smem:$0x3FDB];
	_ =	sdelay $0x1  }
0x11: {  	s4 =	simm.s32 $_scs_section_size  }
0x12: {  	s5 =	simm.s32 $_size__tile_overlayer_lowered;
	s6 =	simm.s32 $_tile_overlayer_lowered  }
0x13: {  	s23 =	simm.s32 $0x1BFF;
	s22 =	sshll.u32 s6, $0x1;
	s3 =	sadd.s32 s4, s20  }
0x14: {  	s7 =	simm.s32 $0x0;
	s21 =	sshll.u32 s5, $0x1;
	s5 =	sadd.s32 s22, s3  }
0x15: {  	[timem:s7], [sflag:s23] =	dma.local [hbm:s5], s21  }
0x16: {  	_ =	swait.ge [sflag:s23], s21  }
0x17: {  	s4 =	ssub.s32 $0x0, s21;
	[sflag:s23] =	ssyncset.done $0x0  }
0x18: {  	[sflag:s23] =	ssyncadd.s32 s4;
	_ =	sdelay $0x1  }
0x19: {  	s24 =	simm.s32 $0x1B8B  }
0x1a: {  	_ =	swait.ge [sflag:s24], $0x1  }
0x1b: {  	[sflag:s24] =	ssyncset.done $0x0  }
0x1c: {  	s26 =	simm.s32 $0x1B8E;
	s25 =	sld [smem:$0x3FFE];
	[sflag:s24] =	ssyncadd.s32 $0xFFFFFFFF  }
0x1d: {  	s27 =	simm.s32 $execute0_lowered;
	[smem:$0x3FD2] =	sst s26  }
0x1e: {  	s5 =	sshll.u32 s27, $0x1;
	_ =	strace $0x80000049;
	[dreg:$0x1] =	wrdreg $0xFFFFFFFF  }
0x1f: {  	s28 =	simm.s32 $_size_execute0_lowered;
	s3 =	sadd.s32 s3, s5;
	[dreg:$0x0] =	wrdreg $0x0  }
0x20: {  	s5 =	sshll.u32 s28, $0x1;
	[dreg:$0x2] =	wrdreg s3  }
0x21: {  	[dreg:$0x3] =	wrdreg s5  }
0x22: {  	[dreg:$0x4] =	wrdreg $0xC0  }
0x23: {  	_ =	task [dreg:s7], $0x5FFFF  }
0x24: {  	[dreg:$0x1] =	wrdreg $0xFFFFFFFF  }
0x25: {  	[dreg:$0x0] =	wrdreg $0x60  }
0x26: {  	[dreg:$0x2] =	wrdreg s25  }
0x27: {  	[dreg:$0x3] =	wrdreg s2  }
0x28: {  	[dreg:$0x4] =	wrdreg $0x9  }
0x29: {  	_ =	task.clear_ibuf [dreg:s7], $0x5FFFF;
	_ =	strace $0x90000049  }
0x2a: {  	s29 =	simm.s32 $0x9;
	_ =	strace $0x8000004B  }
0x2b: {  	_ =	swait.ge [sflag:s29], $0x1  }
0x2c: {  	[sflag:s29] =	ssyncadd.s32 $0xFFFFFFFF  }
0x2d: {  	_ =	strace $0x9000004B  }
0x2e: {  	_ =	sfence  }
0x2f: {  	s30 =	sld [smem:$0x0];
	_ =	sdelay $0x2  }
0x30: {  	s31 =	sshll.u32 s1, $0xD;
	s1 =	sshrl.u32 s1, $0x2  }
0x31: {  	s3 =	sand.u32 $0x4000, s31;
	s1 =	sadd.s32 s1, s30  }
0x32: {  	s0 =	sor.u32 s3, s0;
	s1 =	sshll.u32 s1, $0x11  }
0x33: {  	s0 =	sor.u32 s1, s0  }
0x34: {  	s0 =	sadd.s32 $0x8F2B, s0  }
0x35: {  	[sflag:s0] =	ssyncadd.remote.s32 $0x1  }
0x36: {  	_ =	sfence.sel $0xFFFF  }
0x37: {  	[dreg:$0x0] =	wrdreg $0xFFFFFFFF;
	(pc) =	sbr.abs _section_cstart, $3  }
0x38: {  	[dreg:$0x1] =	wrdreg $0xFFFFFFFF  }
0x39: {  	_ =	task.clear_ibuf [dreg:s7], $0x2FFFF;
	_ =	strace $0x9FFFFFFF  }
0x3a: {  	(tm) =	ssettm $0x7FFFFFFF  }
0x3b: {  	_ =	shalt  }
tec
execute0_lowered:
.L_overlay_start_1:
0x0: {  	(tag) =	ssettag $0x1  }
0x1: {  	s2 =	stileid.u32;
	s0 =	srdreg.scid  }
0x2: {  	s3 =	rddreg [dreg:$0x0];
	s6 =	simm.s32 $0x1;
	s7 =	simm.s32 $0x1  }
0x3: {  	s1 =	sshll.u32 s2, $0x6;
	s0 =	sshll.u32 s0, $0xA;
	s2 =	sshll.u32 s2, $0x3  }
0x4: {  	s30 =	simm.s32 $0x2;
	s0 =	sor.u32 s1, s0;
	s1 =	sand.u32 $0x18, s2  }
0x5: {  	s18 =	simm.s32 $0x0;
	s2 =	sand.u32 $0x700, s0;
	s28 =	ssub.s32 $0x1C0, s1  }
0x6: {  	s9 =	simm.s32 $0x800;
	s4 =	sand.u32 $0x18, s28;
	s5 =	ssub.s32 $0x800, s2  }
0x7: {  	s10 =	simm.s32 $0xE0000;
	p0 =	sne.s32 s4, $0x0;
	s29 =	sand.u32 $0x700, s5  }
0x8: {  	s11 =	simm.s32 $0x0;
	s6 =	simm.s32 @!p0 $0x0;
	p0 =	sne.s32 s29, $0x0  }
0x9: {  	s0 =	sshrl.u32 s28, $0x5;
	s5 =	sshrl.u32 s5, $0xB;
	s7 =	simm.s32 @!p0 $0x0  }
0xa: {  	s17 =	simm.s32 $0x0;
	s0 =	sadd.s32 s6, s0;
	s5 =	sadd.s32 s7, s5  }
0xb: {  	s19 =	simm.s32 $0x0;
	s12 =	simm.s32 $0x0;
	s0 =	smul.u32 s5, s0  }
.Ltmp0:
0xc: {  	s13 =	simm.s32 $0x0;
	s14 =	simm.s32 $0x0;
	(pc) =	sbr.rel .LBB1_1-.Ltmp0, $4  }
0xd: {  	s16 =	simm.s32 $0x0;
	s25 =	simm.s32 $0x0;
	s4 =	rddreg [dreg:$0x1]  }
0xe: {  	_ =	strace $0x8000004A;
	s5 =	simm.s32 $0x1;
	s6 =	smul.u32 $0x7, s0  }
0xf: {  	s15 =	smov.u32 s1;
	s31 =	sadd.s32 s2, s3;
	[sflag:s5] =	ssyncpa.u1 $0x0  }
0x10: {  	s7 =	sadd.s32 $0x1000, s31;
	[sflag:s30] =	ssyncpa.u1 $0x0;
	s8 =	sadd.s32 $0x1, s6  }
.LBB1_7:
0x11: {  	p0 =	slt.u32 s16, $0x2  }
0x12: {  	p1 =	sgt.s32 @!p0 s18, $0x6  }
0x13: {  	s0 =	smov.u32 s18;
	s3 =	sshra.s32 @!p0 s18, $0x1F;
	p1 =	por !p1, p0  }
0x14: {  	s19 =	sshra.s32 @!p0 s17, $0x1F;
	s0 =	simm.s32 @p1 $0x6;
	p1 =	sgt.s32 @!p0 s17, $0x1B8  }
0x15: {  	s3 =	sand.u32 @!p0 s3, s18;
	s18 =	smov.u32 s17;
	p1 =	por !p1, p0  }
0x16: {  	s0 =	ssub.s32 @!p0 s0, s3;
	s3 =	sand.u32 @!p0 s19, s17;
	s18 =	simm.s32 @p1 $0x1B8  }
0x17: {  	s17 =	sadd.s32 @!p0 $0xFFFFFFFA, s0;
	s3 =	ssub.s32 @!p0 s18, s3  }
0x18: {  	s0 =	ssub.s32 @!p0 $0x7, s0;
	p1 =	sgt.s32 @!p0 s17, $0x0;
	s3 =	sadd.s32 @!p0 $0xFFFFFE48, s3  }
0x19: {  	s0 =	smul.u32 @!p0 $0x7, s0;
	p2 =	sgt.s32 @!p0 s3, $0x7;
	s3 =	sshll.u32 @!p0 s3, $0x8  }
0x1a: {  	p1 =	por !p1, p0;
	s3 =	ssub.s32 @!p0 $0x800, s3;
	p2 =	por !p2, p0  }
0x1b: {  	s0 =	simm.s32 @!p1 $0x0;
	s3 =	simm.s32 @!p2 $0x0  }
0x1c: {  	s0 =	smul.u32 @!p0 s0, s3;
	s3 =	sadd.s32 $0x1, s14  }
0x1d: {  	s20 =	smov.u32 s15;
	s17 =	sadd.s32 $0x20, s15;
	p1 =	sgt.s32 s3, $0x6  }
0x1e: {  	s20 =	smov.u32 @p1 s17  }
0x1f: {  	s3 =	simm.s32 @p1 $0x0;
	p1 =	sgt.s32 s20, $0x1BF  }
0x20: {  	s11 =	sadd.s32 $0x4000, s11;
	s20 =	smov.u32 @p1 s1;
	p1 =	sne.s32 s16, s8  }
.Ltmp1:
0x21: {  	s19 =	simm.s32 @!p0 $0x2;
	s18 =	smov.u32 s12;
	(pc) =	sbr.rel @!p1 .LBB1_8-.Ltmp1, $4  }
0x22: {  	s12 =	smov.u32 s14;
	s0 =	sand.u32 @!p0 $0x3FFFFF00, s0;
	s17 =	smov.u32 s13  }
0x23: {  	s13 =	smov.u32 s15;
	_ =	swait.ge @!p0 [sflag:s19], s0;
	s0 =	ssub.s32 @!p0 $0x0, s0  }
0x24: {  	s14 =	smov.u32 s3;
	[sflag:s19] =	ssyncset.done @!p0 $0x0;
	s16 =	sadd.s32 $0x1, s16  }
0x25: {  	[sflag:s19] =	ssyncadd.s32 @!p0 s0;
	s19 =	smov.u32 s2;
	s15 =	smov.u32 s20  }
.LBB1_1:
0x26: {  	p0 =	sge.u32 s16, s6  }
0x27: {  	s3 =	smul.u32 @!p0 $0x3800, s15  }
0x28: {  	s31 =	sadd.s32 $0xFFFFFFFF, s16;
	s0 =	sxor.u32 @!p0 $0xFFFFFFFF, s16;
	s20 =	sshll.u32 @!p0 s14, $0xB  }
0x29: {  	s21 =	simm.s32 @!p0 $0x1C000;
	s0 =	sshll.u32 @!p0 s0, $0xE;
	s3 =	sadd.s32 @!p0 s3, s7  }
0x2a: {  	s0 =	sand.u32 @!p0 $0x4000, s0;
	s3 =	sadd.s32 @!p0 s20, s3;
	s20 =	simm.s32 @!p0 $0x800  }
0x2b: {  	[tilespmem:s0], [sflag:$0x1] =	stream.strided.gather @!p0 [hbm4b:s3+s20], $0x4000, s21, s20, $0x38;
	[tilespmem:$0x10000] =	vst v63  }
0x2c: {  	p0 =	sge.u32 s31, s6  }
.Ltmp2:
0x2d: {  	_ = 	snop;
	(pc) =	sbr.rel @p0 .LBB1_7-.Ltmp2, $1  }
0x2e: {  	_ =	sdelay $0x3  }
0x2f: {  	s0 =	sshll.u32 s11, $0x2;
	_ =	swait.ge [sflag:s5], $0x4000;
	s3 =	sshll.u32 s16, $0xE  }
0x30: {  	p0 =	por $0x0, $0x0;
	s26 =	simm.s32 $0x0;
	s27 =	simm.s32 $0x0  }
0x31: {  	s0 =	sand.u32 $0x10000, s0;
	[sflag:s5] =	ssyncset.done $0x0;
	s23 =	sand.u32 $0x4000, s3  }
0x32: {  	s0 =	sshrl.u32 s0, $0x2;
	[sflag:s5] =	ssyncadd.s32 $0xFFFFC000;
	s20 =	sor.u32 $0x8000, s23  }
0x33: {  	s21 =	sor.u32 $0x40, s0;
	s22 =	sor.u32 $0x8410, s0;
	s24 =	sadd.s32 $0x8400, s0  }
.LBB1_3:
0x34: {  	v1 =	vld [tilespmem:s21+$0xFFFFFFD0]  }
0x35: {  	v2 =	vld [tilespmem:s21+$0x430]  }
0x36: {  	s0 =	sshll.u32 s27, $0xB;
	v4 =	vld [tilespmem:s21+$0xFFFFFFE0]  }
0x37: {  	v7 =	vld [tilespmem:s21+$0xFFFFFFF0];
	v0 =	vmov s0  }
0x38: {  	v8 =	vld [tilespmem:s21+$0x0]  }
0x39: {  	v9 =	vld [tilespmem:s21+$0x10];
	s0 =	sand.u32 $0x300, s25  }
0x3a: {  	s3 =	sand.u32 $0x80, s25;
	v10 =	vld [tilespmem:s21+$0x20];
	s0 =	sadd.s32 s0, s23  }
0x3b: {  	v11 =	vld [tilespmem:s21+$0x30];
	s0 =	sadd.s32 s3, s0;
	s3 =	simm.s32 $0x1;
	[tilespmem:s22+$0x60] =	vst v2  }
0x3c: {  	s3 =	simm.s32 @!p0 $0x0;
	[tilespmem:s22+$0xFFFFFC00] =	vst v1;
	v3 =	vld.idx.msk [tilespmem:v0+s0+$0x400 ss:$0x1], $0xffff;
	s0 =	sshll.u32 s26, $0x2  }
0x3d: {  	v6 =	vld [tilespmem:s21+$0x3D0];
	s3 =	sshll.u32 s3, $0x9;
	[tilespmem:s22+$0xFFFFFC10] =	vst v4;
	s0 =	sand.u32 $0xFFFFFC00, s0  }
0x3e: {  	v5 =	vld [tilespmem:s21+$0x3E0];
	[tilespmem:s22+$0xFFFFFC20] =	vst v7;
	s0 =	sor.u32 s3, s0  }
0x3f: {  	[tilespmem:s22+$0xFFFFFC30] =	vst v8;
	v4 =	vld [tilespmem:s21+$0x400];
	s0 =	sshrl.u32 s0, $0x2  }
0x40: {  	[tilespmem:s22+$0xFFFFFC40] =	vst v9;
	v1 =	vld [tilespmem:s21+$0x410];
	s28 =	sadd.s32 s0, s24  }
0x41: {  	[tilespmem:s28+$0x0] =	vst v3;
	v3 =	vld [tilespmem:s21+$0x3F0]  }
0x42: {  	s31 =	simm.s32 $0x100;
	[tilespmem:s22+$0xFFFFFC50] =	vst v10;
	v2 =	vld [tilespmem:s21+$0x420];
	s3 =	simm.s32 $0x80  }
0x43: {  	s29 =	sadd.s32 $0x80, s21;
	s30 =	smov.u32 s22;
	v7 =	vld [tilespmem:s21+$0xFFFFFFC0];
	[tilespmem:s22+$0xFFFFFC60] =	vst v11;
	s0 =	sand.u32 $0x300, s3  }
.LBB1_4:
0x44: {  	p1 =	sne.s32 s31, $0x380;
	v8 =	vld [tilespmem:s29+$0xFFFFFFD0];
	s3 =	sand.u32 $0x80, s3;
	s0 =	sadd.s32 s0, s23;
	[tilespmem:s30+$0x0] =	vst v6  }
0x45: {  	s0 =	sadd.s32 s3, s0;
	v6 =	vld [tilespmem:s29+$0x430];
	[tilespmem:s30+$0x10] =	vst v5;
	s3 =	smov.u32 s31  }
0x46: {  	v5 =	vld.idx.msk [tilespmem:v0+s0+$0x400 ss:$0x1], $0xffff;
	[tilespmem:s30+$0x20] =	vst v3  }
0x47: {  	v3 =	vld [tilespmem:s29+$0xFFFFFFE0];
	[tilespmem:s30+$0x30] =	vst v4  }
0x48: {  	v4 =	vld [tilespmem:s29+$0xFFFFFFF0];
	[tilespmem:s30+$0xFFFFFBF0] =	vst v7  }
0x49: {  	v7 =	vld [tilespmem:s29+$0x0];
	[tilespmem:s30+$0x40] =	vst v1  }
0x4a: {  	v1 =	vld [tilespmem:s29+$0x10];
	[tilespmem:s30+$0x50] =	vst v2;
	s30 =	sadd.s32 $0x800, s30  }
0x4b: {  	s28 =	sadd.s32 $0x800, s28;
	v2 =	vld [tilespmem:s29+$0x20];
	[tilespmem:s30+$0x60] =	vst v6  }
0x4c: {  	v9 =	vld [tilespmem:s29+$0x30];
	[tilespmem:s28+$0x0] =	vst v5  }
0x4d: {  	[tilespmem:s30+$0xFFFFFC00] =	vst v8;
	v6 =	vld [tilespmem:s29+$0x3D0]  }
0x4e: {  	[tilespmem:s30+$0xFFFFFC10] =	vst v3;
	v5 =	vld [tilespmem:s29+$0x3E0]  }
.Ltmp3:
0x4f: {  	[tilespmem:s30+$0xFFFFFC20] =	vst v4;
	v3 =	vld [tilespmem:s29+$0x3F0];
	(pc) =	sbr.rel @p1 .LBB1_4-.Ltmp3, $4  }
0x50: {  	[tilespmem:s30+$0xFFFFFC30] =	vst v7;
	v4 =	vld [tilespmem:s29+$0x400]  }
0x51: {  	[tilespmem:s30+$0xFFFFFC40] =	vst v1;
	v1 =	vld [tilespmem:s29+$0x410]  }
0x52: {  	[tilespmem:s30+$0xFFFFFC50] =	vst v2;
	v2 =	vld [tilespmem:s29+$0x420]  }
0x53: {  	s31 =	sadd.s32 $0x80, s31;
	s0 =	sand.u32 $0x300, s3;
	v7 =	vld [tilespmem:s29+$0xFFFFFFC0];
	[tilespmem:s30+$0xFFFFFC60] =	vst v9;
	s29 =	sadd.s32 $0x80, s29  }
0x54: {  	[tilespmem:s30+$0x0] =	vst v6  }
0x55: {  	[tilespmem:s30+$0x10] =	vst v5  }
0x56: {  	v49 =	vld [tilespmem:s29+$0x430];
	[tilespmem:s30+$0x20] =	vst v3  }
0x57: {  	v50 =	vld [tilespmem:s29+$0xFFFFFFD0];
	[tilespmem:s30+$0x30] =	vst v4  }
0x58: {  	v51 =	vld [tilespmem:s29+$0xFFFFFFE0];
	[tilespmem:s30+$0x40] =	vst v1  }
0x59: {  	v52 =	vld [tilespmem:s29+$0xFFFFFFF0];
	[tilespmem:s30+$0x50] =	vst v2  }
0x5a: {  	v53 =	vld [tilespmem:s29+$0x0];
	[tilespmem:s30+$0xFFFFFBF0] =	vst v7;
	s30 =	sadd.s32 $0x800, s30  }
0x5b: {  	v54 =	vld [tilespmem:s29+$0x10];
	[tilespmem:s30+$0x60] =	vst v49  }
0x5c: {  	v55 =	vld [tilespmem:s29+$0x20];
	[tilespmem:s30+$0xFFFFFC00] =	vst v50  }
0x5d: {  	v56 =	vld [tilespmem:s29+$0x30];
	[tilespmem:s30+$0xFFFFFC10] =	vst v51  }
0x5e: {  	v57 =	vld [tilespmem:s29+$0x3D0];
	[tilespmem:s30+$0xFFFFFC20] =	vst v52  }
0x5f: {  	v58 =	vld [tilespmem:s29+$0x3E0];
	[tilespmem:s30+$0xFFFFFC30] =	vst v53  }
0x60: {  	v59 =	vld [tilespmem:s29+$0x3F0];
	[tilespmem:s30+$0xFFFFFC40] =	vst v54  }
0x61: {  	v60 =	vld [tilespmem:s29+$0x400];
	[tilespmem:s30+$0xFFFFFC50] =	vst v55  }
0x62: {  	v61 =	vld [tilespmem:s29+$0xFFFFFFC0];
	[tilespmem:s30+$0xFFFFFC60] =	vst v56  }
0x63: {  	s3 =	sand.u32 $0x80, s3;
	s0 =	sadd.s32 s0, s23;
	v62 =	vld [tilespmem:s29+$0x410];
	[tilespmem:s30+$0x0] =	vst v57  }
0x64: {  	v63 =	vld [tilespmem:s29+$0x420];
	s27 =	sadd.s32 $0x1, s27;
	s0 =	sadd.s32 s3, s0;
	[tilespmem:s30+$0x10] =	vst v58  }
0x65: {  	p1 =	sne.s32 s27, $0x8;
	v0 =	vld.idx.msk [tilespmem:v0+s0+$0x400 ss:$0x1], $0xffff;
	[tilespmem:s30+$0x20] =	vst v59  }
.Ltmp4:
0x66: {  	[tilespmem:s30+$0x30] =	vst v60;
	(pc) =	sbr.rel @p1 .LBB1_3-.Ltmp4, $4  }
0x67: {  	[tilespmem:s30+$0xFFFFFBF0] =	vst v61  }
0x68: {  	[tilespmem:s30+$0x40] =	vst v62  }
0x69: {  	s31 =	sadd.s32 $0x800, s28;
	s21 =	sadd.s32 $0x800, s21;
	[tilespmem:s30+$0x50] =	vst v63  }
0x6a: {  	s26 =	sadd.s32 $0x80, s26;
	p0 =	por !p0, !p0;
	s22 =	sadd.s32 $0x80, s22;
	[tilespmem:s31+$0x0] =	vst v0  }
0x6b: {  	s0 =	sshll.u32 s13, $0xB;
	s3 =	sshll.u32 s19, $0x3;
	p0 =	sgt.s32 s12, $0x6  }
0x6c: {  	s26 =	sshra.s32 s12, $0x1F;
	s22 =	sshra.s32 s13, $0x1F;
	s0 =	sand.u32 $0xFFFFC000, s0  }
0x6d: {  	s30 =	smul.u32 $0xC4000, s12;
	s0 =	sor.u32 s0, s3;
	s3 =	smov.u32 s12  }
0x6e: {  	s31 =	sshll.u32 s13, $0x4;
	s19 =	sand.u32 s26, s12;
	s3 =	simm.s32 @!p0 $0x6  }
0x6f: {  	p0 =	sgt.s32 s13, $0x1B8;
	s3 =	ssub.s32 s3, s19;
	s19 =	smov.u32 s13  }
0x70: {  	s22 =	sand.u32 s22, s13;
	s0 =	sshrl.u32 s0, $0xB;
	s19 =	simm.s32 @!p0 $0x1B8  }
0x71: {  	s21 =	smulhi.u32 $0x924925, s0;
	s23 =	ssub.s32 $0x7, s3;
	s19 =	ssub.s32 s19, s22  }
0x72: {  	s3 =	sadd.s32 $0xFFFFFFFA, s3;
	s22 =	smul.u32 $0x7, s23;
	s27 =	sadd.s32 $0xFFFFFE48, s19  }
0x73: {  	p0 =	sgt.s32 s3, $0x0;
	s28 =	smul.u32 $0x1C0, s21;
	s29 =	sshll.u32 s27, $0x8  }
0x74: {  	s22 =	simm.s32 @p0 $0x0;
	p0 =	sgt.s32 s27, $0x7;
	s3 =	ssub.s32 $0x800, s29  }
.Ltmp5:
0x75: {  	s21 =	sadd.s32 s4, s30;
	s3 =	simm.s32 @p0 $0x0;
	(pc) =	sbr.rel .LBB1_7-.Ltmp5, $4  }
0x76: {  	s19 =	sand.u32 $0x70, s31;
	s0 =	ssub.s32 s0, s28;
	s3 =	smul.u32 s22, s3  }
0x77: {  	s19 =	sadd.s32 s19, s21;
	s0 =	sshll.u32 s0, $0x8  }
0x78: {  	s0 =	sadd.s32 s0, s19;
	s3 =	sand.u32 $0x3FFFFF00, s3  }
0x79: {  	[hbm4b:s0+s9] =	stream.strided.scatter [tilespmem:s20], [sflag:$0x2], s3, s10, s9, $0x38;
	[tilespmem:$0x10000] =	vst v63  }
.LBB1_8:
0x7a: {  	_ =	sfence.sel $0x180000  }
0x7b: {  	s0 =	simm.s32 $0x1;
	[bflag:$0x0] =	sbarrier.arrive $0xFFFF  }
0x7c: {  	s30 =	simm.s32 $0x2;
	[sflag:s0] =	ssyncpa.u1 $0x1  }
0x7d: {  	[sflag:s30] =	ssyncpa.u1 $0x1  }
0x7e: {  	_ =	strace $0x9000004A  }
0x7f: {  	s31 =	stileid.u32;
	[bflag:$0x2] =	sbarrier.arrive $0xFFFF  }
0x80: {  	p0 =	sne.s32 s31, $0x0;
	s0 =	rddreg [dreg:$0x2]  }
0x81: {  	s0 =	sadd.s32 @!p0 $0x100000, s0  }
0x82: {  	[sflag:s0] =	ssyncadd.tile.s32 @!p0 $0x1;
	_ =	shalt  }
.Lfunc_end1:
_tile_overlayer_lowered:
.L_overlay_start_2:
0x83: {  	(tag) =	ssettag $0x2  }
0x84: {  	s0 =	rddreg [dreg:$0x0];
	s2 =	stileid.u32  }
0x85: {  	s1 =	rddreg [dreg:$0x1];
	p0 =	sne.s32 s2, $0x0  }
0x86: {  	s3 =	rddreg [dreg:$0x2];
	[bflag:$0x3] =	sbarrier.arrive $0xFFFF;
	s2 =	simm.s32 @!p0 $0x1C01  }
0x87: {  	[timem:s3], [sflag:s2] =	dma.local @!p0 [hbm:s0], s1  }
0x88: {  	s0 =	simm.s32 @!p0 $0x1  }
0x89: {  	_ =	swait.ge @!p0 [sflag:s0], s1  }
0x8a: {  	s1 =	ssub.s32 @!p0 $0x0, s1;
	[sflag:s0] =	ssyncset.done @!p0 $0x0  }
0x8b: {  	[sflag:s0] =	ssyncadd.s32 @!p0 s1  }
0x8c: {  	[bflag:$0x3] =	sbarrier.arrive $0xFFFF  }
0x8d: {  	_ =	shalt  }

</sc_bundles>
